<compile_context>
chip_gen: v7x
topology: tpu7x:2x2x1
jax: 0.10.2.dev20260603
libtpu: 0.0.44.dev20260713+nightly
codegen_flags: <defaults>
</compile_context>

<pallas_src>
import functools

import jax
import jax.numpy as jnp
from jax import lax
from jax.experimental import pallas as pl
from jax.experimental.pallas import tpu as pltpu
from jax.experimental.pallas import tpu_sc as plsc

_NC = 2
_NS = 16
_L = 16
_NW = _NC * _NS


def _make_sc_gather_loss(B, N, M, P, U):
    n_elems = B * (P + U)
    assert n_elems % _NW == 0
    n_per_w = n_elems // _NW
    assert n_per_w % _L == 0
    chunk = 16
    assert n_per_w % chunk == 0
    n_chunks = n_per_w // chunk
    n_u1 = B * U
    assert n_u1 % _NW == 0
    u1_per_w = n_u1 // _NW
    assert _NW % B == 0
    wpb = _NW // B

    mesh = plsc.VectorSubcoreMesh(
        core_axis_name="c", subcore_axis_name="s", num_cores=_NC,
        num_subcores=_NS)

    @functools.partial(
        pl.kernel,
        out_type=jax.ShapeDtypeStruct((_NW, _L), jnp.float32),
        mesh=mesh,
        scratch_types=[
            pltpu.VMEM((n_per_w,), jnp.int32),
            pltpu.VMEM((n_per_w,), jnp.int32),
            pltpu.VMEM((n_per_w,), jnp.float32),
            pltpu.VMEM((n_chunks, chunk), jnp.int32),
            pltpu.VMEM((2, chunk, M), jnp.float32),
            pltpu.VMEM((1, M), jnp.float32),
            pltpu.VMEM((u1_per_w,), jnp.int32),
            pltpu.VMEM((n_per_w,), jnp.float32),
            pltpu.VMEM((_L,), jnp.float32),
            pltpu.SemaphoreType.DMA,
            pltpu.SemaphoreType.DMA,
        ],
        compiler_params=pltpu.CompilerParams(needs_layout_passes=False),
    )
    def sc_loss(rows_hbm, cols_hbm, wgt_hbm, u1_hbm, scores_hbm, out_hbm,
                rows_v, cols_v, wgt_v, ridx_v, buf_v, u1row_v, u1c_v, sel_v,
                tmp_v, sem0, sem1):
        cid = lax.axis_index("c")
        sid = lax.axis_index("s")
        wid = sid * _NC + cid
        s2d = scores_hbm.reshape(B * N, M)
        sems = [sem0, sem1]

        off = wid * n_per_w
        pltpu.sync_copy(rows_hbm.at[pl.ds(off, n_per_w)], rows_v)
        pltpu.sync_copy(cols_hbm.at[pl.ds(off, n_per_w)], cols_v)
        pltpu.sync_copy(wgt_hbm.at[pl.ds(off, n_per_w)], wgt_v)
        for j in range(n_per_w // _L):
            r = rows_v[pl.ds(j * _L, _L)]
            ridx_v[j // (chunk // _L), pl.ds((j % (chunk // _L)) * _L, _L)] = r

        def start(k):
            return pltpu.async_copy(
                s2d.at[ridx_v.at[k]], buf_v.at[k % 2], sems[k % 2])

        cps = {0: start(0)}
        for k in range(n_chunks):
            if k + 1 < n_chunks:
                cps[k + 1] = start(k + 1)
            cps.pop(k).wait()
            for g in range(chunk // _L):
                rowloc = jax.lax.iota(jnp.int32, _L) + g * _L
                lanes = cols_v[pl.ds(k * chunk + g * _L, _L)]
                w = wgt_v[pl.ds(k * chunk + g * _L, _L)]
                sel_v[pl.ds(k * chunk + g * _L, _L)] = (
                    w * plsc.load_gather(buf_v.at[k % 2], [rowloc, lanes]))
        acc = jnp.zeros((_L,), jnp.float32)
        for j in range(n_per_w // _L):
            acc = acc + sel_v[pl.ds(j * _L, _L)]

        batch = wid // wpb
        q = wid % wpb
        pltpu.sync_copy(s2d.at[pl.ds(batch * N + N - 1, 1), pl.ds(0, M)],
                        u1row_v)
        pltpu.sync_copy(
            u1_hbm.at[pl.ds(batch * U + q * u1_per_w, u1_per_w)], u1c_v)
        zero16 = jnp.zeros((_L,), jnp.int32)
        for j in range(u1_per_w // _L):
            c = u1c_v[pl.ds(j * _L, _L)]
            sel_v[pl.ds(j * _L, _L)] = plsc.load_gather(u1row_v, [zero16, c])
        uacc = jnp.zeros((_L,), jnp.float32)
        for j in range(u1_per_w // _L):
            uacc = uacc + sel_v[pl.ds(j * _L, _L)]

        w_unpair = jnp.float32(-1.0 / (U * B))
        tmp_v[...] = acc + w_unpair * uacc
        pltpu.sync_copy(tmp_v, out_hbm.at[wid])

    return sc_loss


def kernel(scores, pairs, unpair0, unpair1):
    B, N, M = scores.shape
    P = pairs.shape[1]
    U = unpair0.shape[1]

    gbase = (jnp.arange(B, dtype=jnp.int32) * N)[:, None]
    rows = jnp.concatenate([
        (pairs[..., 0] + gbase).reshape(-1),
        (unpair0 + gbase).reshape(-1),
    ])
    cols = jnp.concatenate([
        pairs[..., 1].reshape(-1),
        jnp.full((B * U,), M - 1, jnp.int32),
    ])
    w_pair = -1.0 / (P * B)
    w_unpair = -1.0 / (U * B)
    wgt = jnp.concatenate([
        jnp.full((B * P,), w_pair, jnp.float32),
        jnp.full((B * U,), w_unpair, jnp.float32),
    ])

    sc_loss = _make_sc_gather_loss(B, N, M, P, U)
    out = sc_loss(rows, cols, wgt, unpair1.reshape(-1), scores)
    return jnp.sum(out)

# --- scband reference (transcript-rebuilt; emitter-appended) ---
"""Pipeline reference for scband-otloss-90606630076541 (READ-ONLY COPY).

The authoritative reference and input builder live on the scoring server;
editing this copy changes nothing except your own understanding.
"""

import jax, jax.numpy as jnp
import numpy as np

B, N, M = 8, 2048, 2048
P, U = 1024, 512

def setup_inputs(seed: int = 0) -> dict:
    key = jax.random.key(seed)
    k1, k2, k3, k4 = jax.random.split(key, 4)
    scores = jax.random.normal(k1, (B, N, M), dtype=jnp.float32)
    pairs = jax.random.randint(k2, (B, P, 2), 0, min(N, M), dtype=jnp.int32)
    unpair0 = jax.random.randint(k3, (B, U), 0, N, dtype=jnp.int32)
    unpair1 = jax.random.randint(k4, (B, U), 0, M, dtype=jnp.int32)
    return {"scores": scores, "pairs": pairs, "unpair0": unpair0, "unpair1": unpair1}

def reference(scores, pairs, unpair0, unpair1):
    ploss = jnp.float32(0.0)
    uloss = jnp.float32(0.0)
    nvalid = 0
    for i in range(scores.shape[0]):
        logscore = -scores[i, :, :]
        # pairs[i] has fixed nonzero length P -> always valid
        nvalid = nvalid + 1
        ploss = ploss + jnp.mean(logscore[pairs[i][:, 0], pairs[i][:, 1]])
        # use_unpair=True branch
        uloss = uloss + jnp.mean(logscore[unpair0[i], -1])
        uloss = uloss + jnp.mean(logscore[-1, unpair1[i]])
    loss = ploss + uloss
    if nvalid > 0:
        loss = loss / nvalid
    return loss

if __name__ == "__main__":
    import jax
    _d = setup_inputs()
    print(jax.jit(kernel)(*tuple(_d.values())))

</pallas_src>

<mosaic_0001>
#map = affine_map<(d0, d1) -> (0)>
#map1 = affine_map<(d0, d1) -> (0, 0, 0)>
#map2 = affine_map<(d0, d1) -> (0, 0)>
module attributes {stable_mosaic.version = 14 : i64} {
  func.func @sc_loss(%arg0: i32, %arg1: i32, %arg2: memref<12288xi32, #tpu.memory_space<hbm>>, %arg3: memref<12288xi32, #tpu.memory_space<hbm>>, %arg4: memref<12288xf32, #tpu.memory_space<hbm>>, %arg5: memref<4096xi32, #tpu.memory_space<hbm>>, %arg6: memref<8x2048x2048xf32, #tpu.memory_space<hbm>>, %arg7: memref<32x16xf32, #tpu.memory_space<hbm>>, %arg8: memref<384xi32, #tpu.memory_space<vmem>>, %arg9: memref<384xi32, #tpu.memory_space<vmem>>, %arg10: memref<384xf32, #tpu.memory_space<vmem>>, %arg11: memref<24x16xi32, #tpu.memory_space<vmem>>, %arg12: memref<2x16x2048xf32, #tpu.memory_space<vmem>>, %arg13: memref<1x2048xf32, #tpu.memory_space<vmem>>, %arg14: memref<128xi32, #tpu.memory_space<vmem>>, %arg15: memref<384xf32, #tpu.memory_space<vmem>>, %arg16: memref<16xf32, #tpu.memory_space<vmem>>, %arg17: memref<!tpu.dma_semaphore, #tpu.memory_space<semaphore_mem>>, %arg18: memref<!tpu.dma_semaphore, #tpu.memory_space<semaphore_mem>>) attributes {dimension_semantics = [#tpu.dimension_semantics<core_parallel>, #tpu.dimension_semantics<subcore_parallel>], iteration_bounds = array<i64: 2, 16>, scalar_prefetch = 0 : i64, scratch_operands = 11 : i64, tpu.core_type = #tpu.core_type<sc_vector_subcore>, window_params = [{transform_indices = #map}, {transform_indices = #map}, {transform_indices = #map}, {transform_indices = #map}, {transform_indices = #map1}, {transform_indices = #map2}]} {
    %mul3A = arith.constant 2 : i32
    %mul3A_0 = arith.muli %arg1, %mul3A : i32
    %add3A = arith.addi %mul3A_0, %arg0 : i32
    %mul3A_1 = arith.constant 384 : i32
    %mul3A_2 = arith.muli %add3A, %mul3A_1 : i32
    "tpu.region"() ({
      %run_scoped3A = tpu.sem_alloc : memref<!tpu.dma_semaphore, #tpu.memory_space<semaphore_mem>>
      %dma_start3A_1361 = tpu.memref_slice %arg2[%mul3A_2] : memref<12288xi32, #tpu.memory_space<hbm>> -> memref<384xi32, #tpu.memory_space<hbm>>
      %dma_start3A_1362 = tpu.memref_slice %arg2[%mul3A_2] : memref<12288xi32, #tpu.memory_space<hbm>> -> memref<384xi32, #tpu.memory_space<hbm>>
      tpu.enqueue_dma source(%dma_start3A_1362 : memref<384xi32, #tpu.memory_space<hbm>>) target(%arg8 : memref<384xi32, #tpu.memory_space<vmem>>) target_semaphore(%run_scoped3A : memref<!tpu.dma_semaphore, #tpu.memory_space<semaphore_mem>>)
      %dma_wait3A_1363 = tpu.memref_slice %arg2[%mul3A_2] : memref<12288xi32, #tpu.memory_space<hbm>> -> memref<384xi32, #tpu.memory_space<hbm>>
      %dma_wait3A_1364 = tpu.memref_slice %arg2[%mul3A_2] : memref<12288xi32, #tpu.memory_space<hbm>> -> memref<384xi32, #tpu.memory_space<hbm>>
      tpu.wait_dma2 semaphore(%run_scoped3A : memref<!tpu.dma_semaphore, #tpu.memory_space<semaphore_mem>>) src(%dma_wait3A_1364 : memref<384xi32, #tpu.memory_space<hbm>>) dst(%arg8 : memref<384xi32, #tpu.memory_space<vmem>>)
      tpu.yield
    }) : () -> ()
    "tpu.region"() ({
      %run_scoped3A = tpu.sem_alloc : memref<!tpu.dma_semaphore, #tpu.memory_space<semaphore_mem>>
      %dma_start3A_1361 = tpu.memref_slice %arg3[%mul3A_2] : memref<12288xi32, #tpu.memory_space<hbm>> -> memref<384xi32, #tpu.memory_space<hbm>>
      %dma_start3A_1362 = tpu.memref_slice %arg3[%mul3A_2] : memref<12288xi32, #tpu.memory_space<hbm>> -> memref<384xi32, #tpu.memory_space<hbm>>
      tpu.enqueue_dma source(%dma_start3A_1362 : memref<384xi32, #tpu.memory_space<hbm>>) target(%arg9 : memref<384xi32, #tpu.memory_space<vmem>>) target_semaphore(%run_scoped3A : memref<!tpu.dma_semaphore, #tpu.memory_space<semaphore_mem>>)
      %dma_wait3A_1363 = tpu.memref_slice %arg3[%mul3A_2] : memref<12288xi32, #tpu.memory_space<hbm>> -> memref<384xi32, #tpu.memory_space<hbm>>
      %dma_wait3A_1364 = tpu.memref_slice %arg3[%mul3A_2] : memref<12288xi32, #tpu.memory_space<hbm>> -> memref<384xi32, #tpu.memory_space<hbm>>
      tpu.wait_dma2 semaphore(%run_scoped3A : memref<!tpu.dma_semaphore, #tpu.memory_space<semaphore_mem>>) src(%dma_wait3A_1364 : memref<384xi32, #tpu.memory_space<hbm>>) dst(%arg9 : memref<384xi32, #tpu.memory_space<vmem>>)
      tpu.yield
    }) : () -> ()
    "tpu.region"() ({
      %run_scoped3A = tpu.sem_alloc : memref<!tpu.dma_semaphore, #tpu.memory_space<semaphore_mem>>
      %dma_start3A_1361 = tpu.memref_slice %arg4[%mul3A_2] : memref<12288xf32, #tpu.memory_space<hbm>> -> memref<384xf32, #tpu.memory_space<hbm>>
      %dma_start3A_1362 = tpu.memref_slice %arg4[%mul3A_2] : memref<12288xf32, #tpu.memory_space<hbm>> -> memref<384xf32, #tpu.memory_space<hbm>>
      tpu.enqueue_dma source(%dma_start3A_1362 : memref<384xf32, #tpu.memory_space<hbm>>) target(%arg10 : memref<384xf32, #tpu.memory_space<vmem>>) target_semaphore(%run_scoped3A : memref<!tpu.dma_semaphore, #tpu.memory_space<semaphore_mem>>)
      %dma_wait3A_1363 = tpu.memref_slice %arg4[%mul3A_2] : memref<12288xf32, #tpu.memory_space<hbm>> -> memref<384xf32, #tpu.memory_space<hbm>>
      %dma_wait3A_1364 = tpu.memref_slice %arg4[%mul3A_2] : memref<12288xf32, #tpu.memory_space<hbm>> -> memref<384xf32, #tpu.memory_space<hbm>>
      tpu.wait_dma2 semaphore(%run_scoped3A : memref<!tpu.dma_semaphore, #tpu.memory_space<semaphore_mem>>) src(%dma_wait3A_1364 : memref<384xf32, #tpu.memory_space<hbm>>) dst(%arg10 : memref<384xf32, #tpu.memory_space<vmem>>)
      tpu.yield
    }) : () -> ()
    %get3A = arith.constant 0 : index
    %get3A_3 = tpu.vector_load %arg8[%get3A] {strides = array<i32>} : memref<384xi32, #tpu.memory_space<vmem>>, vector<16xi32>,
    %swap3A = arith.constant 0 : i32
    %swap3A_4 = arith.index_cast %swap3A : i32 to index
    %swap3A_5 = arith.constant 0 : index
    %swap3A_6 = tpu.vector_load %arg11[%swap3A_4, %swap3A_5] {strides = array<i32>} : memref<24x16xi32, #tpu.memory_space<vmem>>, vector<16xi32>,
    tpu.vector_store %arg11[%swap3A_4, %swap3A_5], %get3A_3 {strides = array<i32>} : memref<24x16xi32, #tpu.memory_space<vmem>>, vector<16xi32>,
    %get3A_7 = arith.constant 16 : index
    %get3A_8 = tpu.vector_load %arg8[%get3A_7] {strides = array<i32>} : memref<384xi32, #tpu.memory_space<vmem>>, vector<16xi32>,
    %swap3A_9 = arith.constant 1 : i32
    %swap3A_10 = arith.index_cast %swap3A_9 : i32 to index
    %swap3A_11 = arith.constant 0 : index
    %swap3A_12 = tpu.vector_load %arg11[%swap3A_10, %swap3A_11] {strides = array<i32>} : memref<24x16xi32, #tpu.memory_space<vmem>>, vector<16xi32>,
    tpu.vector_store %arg11[%swap3A_10, %swap3A_11], %get3A_8 {strides = array<i32>} : memref<24x16xi32, #tpu.memory_space<vmem>>, vector<16xi32>,
    %get3A_13 = arith.constant 32 : index
    %get3A_14 = tpu.vector_load %arg8[%get3A_13] {strides = array<i32>} : memref<384xi32, #tpu.memory_space<vmem>>, vector<16xi32>,
    %swap3A_15 = arith.constant 2 : i32
    %swap3A_16 = arith.index_cast %swap3A_15 : i32 to index
    %swap3A_17 = arith.constant 0 : index
    %swap3A_18 = tpu.vector_load %arg11[%swap3A_16, %swap3A_17] {strides = array<i32>} : memref<24x16xi32, #tpu.memory_space<vmem>>, vector<16xi32>,
    tpu.vector_store %arg11[%swap3A_16, %swap3A_17], %get3A_14 {strides = array<i32>} : memref<24x16xi32, #tpu.memory_space<vmem>>, vector<16xi32>,
    %get3A_19 = arith.constant 48 : index
    %get3A_20 = tpu.vector_load %arg8[%get3A_19] {strides = array<i32>} : memref<384xi32, #tpu.memory_space<vmem>>, vector<16xi32>,
    %swap3A_21 = arith.constant 3 : i32
    %swap3A_22 = arith.index_cast %swap3A_21 : i32 to index
    %swap3A_23 = arith.constant 0 : index
    %swap3A_24 = tpu.vector_load %arg11[%swap3A_22, %swap3A_23] {strides = array<i32>} : memref<24x16xi32, #tpu.memory_space<vmem>>, vector<16xi32>,
    tpu.vector_store %arg11[%swap3A_22, %swap3A_23], %get3A_20 {strides = array<i32>} : memref<24x16xi32, #tpu.memory_space<vmem>>, vector<16xi32>,
    %get3A_25 = arith.constant 64 : index
    %get3A_26 = tpu.vector_load %arg8[%get3A_25] {strides = array<i32>} : memref<384xi32, #tpu.memory_space<vmem>>, vector<16xi32>,
    %swap3A_27 = arith.constant 4 : i32
    %swap3A_28 = arith.index_cast %swap3A_27 : i32 to index
    %swap3A_29 = arith.constant 0 : index
    %swap3A_30 = tpu.vector_load %arg11[%swap3A_28, %swap3A_29] {strides = array<i32>} : memref<24x16xi32, #tpu.memory_space<vmem>>, vector<16xi32>,
    tpu.vector_store %arg11[%swap3A_28, %swap3A_29], %get3A_26 {strides = array<i32>} : memref<24x16xi32, #tpu.memory_space<vmem>>, vector<16xi32>,
    %get3A_31 = arith.constant 80 : index
    %get3A_32 = tpu.vector_load %arg8[%get3A_31] {strides = array<i32>} : memref<384xi32, #tpu.memory_space<vmem>>, vector<16xi32>,
    %swap3A_33 = arith.constant 5 : i32
    %swap3A_34 = arith.index_cast %swap3A_33 : i32 to index
    %swap3A_35 = arith.constant 0 : index
    %swap3A_36 = tpu.vector_load %arg11[%swap3A_34, %swap3A_35] {strides = array<i32>} : memref<24x16xi32, #tpu.memory_space<vmem>>, vector<16xi32>,
    tpu.vector_store %arg11[%swap3A_34, %swap3A_35], %get3A_32 {strides = array<i32>} : memref<24x16xi32, #tpu.memory_space<vmem>>, vector<16xi32>,
    %get3A_37 = arith.constant 96 : index
    %get3A_38 = tpu.vector_load %arg8[%get3A_37] {strides = array<i32>} : memref<384xi32, #tpu.memory_space<vmem>>, vector<16xi32>,
    %swap3A_39 = arith.constant 6 : i32
    %swap3A_40 = arith.index_cast %swap3A_39 : i32 to index
    %swap3A_41 = arith.constant 0 : index
    %swap3A_42 = tpu.vector_load %arg11[%swap3A_40, %swap3A_41] {strides = array<i32>} : memref<24x16xi32, #tpu.memory_space<vmem>>, vector<16xi32>,
    tpu.vector_store %arg11[%swap3A_40, %swap3A_41], %get3A_38 {strides = array<i32>} : memref<24x16xi32, #tpu.memory_space<vmem>>, vector<16xi32>,
    %get3A_43 = arith.constant 112 : index
    %get3A_44 = tpu.vector_load %arg8[%get3A_43] {strides = array<i32>} : memref<384xi32, #tpu.memory_space<vmem>>, vector<16xi32>,
    %swap3A_45 = arith.constant 7 : i32
    %swap3A_46 = arith.index_cast %swap3A_45 : i32 to index
    %swap3A_47 = arith.constant 0 : index
    %swap3A_48 = tpu.vector_load %arg11[%swap3A_46, %swap3A_47] {strides = array<i32>} : memref<24x16xi32, #tpu.memory_space<vmem>>, vector<16xi32>,
    tpu.vector_store %arg11[%swap3A_46, %swap3A_47], %get3A_44 {strides = array<i32>} : memref<24x16xi32, #tpu.memory_space<vmem>>, vector<16xi32>,
    %get3A_49 = arith.constant 128 : index
    %get3A_50 = tpu.vector_load %arg8[%get3A_49] {strides = array<i32>} : memref<384xi32, #tpu.memory_space<vmem>>, vector<16xi32>,
    %swap3A_51 = arith.constant 8 : i32
    %swap3A_52 = arith.index_cast %swap3A_51 : i32 to index
    %swap3A_53 = arith.constant 0 : index
    %swap3A_54 = tpu.vector_load %arg11[%swap3A_52, %swap3A_53] {strides = array<i32>} : memref<24x16xi32, #tpu.memory_space<vmem>>, vector<16xi32>,
    tpu.vector_store %arg11[%swap3A_52, %swap3A_53], %get3A_50 {strides = array<i32>} : memref<24x16xi32, #tpu.memory_space<vmem>>, vector<16xi32>,
    %get3A_55 = arith.constant 144 : index
    %get3A_56 = tpu.vector_load %arg8[%get3A_55] {strides = array<i32>} : memref<384xi32, #tpu.memory_space<vmem>>, vector<16xi32>,
    %swap3A_57 = arith.constant 9 : i32
    %swap3A_58 = arith.index_cast %swap3A_57 : i32 to index
    %swap3A_59 = arith.constant 0 : index
    %swap3A_60 = tpu.vector_load %arg11[%swap3A_58, %swap3A_59] {strides = array<i32>} : memref<24x16xi32, #tpu.memory_space<vmem>>, vector<16xi32>,
    tpu.vector_store %arg11[%swap3A_58, %swap3A_59], %get3A_56 {strides = array<i32>} : memref<24x16xi32, #tpu.memory_space<vmem>>, vector<16xi32>,
    %get3A_61 = arith.constant 160 : index
    %get3A_62 = tpu.vector_load %arg8[%get3A_61] {strides = array<i32>} : memref<384xi32, #tpu.memory_space<vmem>>, vector<16xi32>,
    %swap3A_63 = arith.constant 10 : i32
    %swap3A_64 = arith.index_cast %swap3A_63 : i32 to index
    %swap3A_65 = arith.constant 0 : index
    %swap3A_66 = tpu.vector_load %arg11[%swap3A_64, %swap3A_65] {strides = array<i32>} : memref<24x16xi32, #tpu.memory_space<vmem>>, vector<16xi32>,
    tpu.vector_store %arg11[%swap3A_64, %swap3A_65], %get3A_62 {strides = array<i32>} : memref<24x16xi32, #tpu.memory_space<vmem>>, vector<16xi32>,
    %get3A_67 = arith.constant 176 : index
    %get3A_68 = tpu.vector_load %arg8[%get3A_67] {strides = array<i32>} : memref<384xi32, #tpu.memory_space<vmem>>, vector<16xi32>,
    %swap3A_69 = arith.constant 11 : i32
    %swap3A_70 = arith.index_cast %swap3A_69 : i32 to index
    %swap3A_71 = arith.constant 0 : index
    %swap3A_72 = tpu.vector_load %arg11[%swap3A_70, %swap3A_71] {strides = array<i32>} : memref<24x16xi32, #tpu.memory_space<vmem>>, vector<16xi32>,
    tpu.vector_store %arg11[%swap3A_70, %swap3A_71], %get3A_68 {strides = array<i32>} : memref<24x16xi32, #tpu.memory_space<vmem>>, vector<16xi32>,
    %get3A_73 = arith.constant 192 : index
    %get3A_74 = tpu.vector_load %arg8[%get3A_73] {strides = array<i32>} : memref<384xi32, #tpu.memory_space<vmem>>, vector<16xi32>,
    %swap3A_75 = arith.constant 12 : i32
    %swap3A_76 = arith.index_cast %swap3A_75 : i32 to index
    %swap3A_77 = arith.constant 0 : index
    %swap3A_78 = tpu.vector_load %arg11[%swap3A_76, %swap3A_77] {strides = array<i32>} : memref<24x16xi32, #tpu.memory_space<vmem>>, vector<16xi32>,
    tpu.vector_store %arg11[%swap3A_76, %swap3A_77], %get3A_74 {strides = array<i32>} : memref<24x16xi32, #tpu.memory_space<vmem>>, vector<16xi32>,
    %get3A_79 = arith.constant 208 : index
    %get3A_80 = tpu.vector_load %arg8[%get3A_79] {strides = array<i32>} : memref<384xi32, #tpu.memory_space<vmem>>, vector<16xi32>,
    %swap3A_81 = arith.constant 13 : i32
    %swap3A_82 = arith.index_cast %swap3A_81 : i32 to index
    %swap3A_83 = arith.constant 0 : index
    %swap3A_84 = tpu.vector_load %arg11[%swap3A_82, %swap3A_83] {strides = array<i32>} : memref<24x16xi32, #tpu.memory_space<vmem>>, vector<16xi32>,
    tpu.vector_store %arg11[%swap3A_82, %swap3A_83], %get3A_80 {strides = array<i32>} : memref<24x16xi32, #tpu.memory_space<vmem>>, vector<16xi32>,
    %get3A_85 = arith.constant 224 : index
    %get3A_86 = tpu.vector_load %arg8[%get3A_85] {strides = array<i32>} : memref<384xi32, #tpu.memory_space<vmem>>, vector<16xi32>,
    %swap3A_87 = arith.constant 14 : i32
    %swap3A_88 = arith.index_cast %swap3A_87 : i32 to index
    %swap3A_89 = arith.constant 0 : index
    %swap3A_90 = tpu.vector_load %arg11[%swap3A_88, %swap3A_89] {strides = array<i32>} : memref<24x16xi32, #tpu.memory_space<vmem>>, vector<16xi32>,
    tpu.vector_store %arg11[%swap3A_88, %swap3A_89], %get3A_86 {strides = array<i32>} : memref<24x16xi32, #tpu.memory_space<vmem>>, vector<16xi32>,
    %get3A_91 = arith.constant 240 : index
    %get3A_92 = tpu.vector_load %arg8[%get3A_91] {strides = array<i32>} : memref<384xi32, #tpu.memory_space<vmem>>, vector<16xi32>,
    %swap3A_93 = arith.constant 15 : i32
    %swap3A_94 = arith.index_cast %swap3A_93 : i32 to index
    %swap3A_95 = arith.constant 0 : index
    %swap3A_96 = tpu.vector_load %arg11[%swap3A_94, %swap3A_95] {strides = array<i32>} : memref<24x16xi32, #tpu.memory_space<vmem>>, vector<16xi32>,
    tpu.vector_store %arg11[%swap3A_94, %swap3A_95], %get3A_92 {strides = array<i32>} : memref<24x16xi32, #tpu.memory_space<vmem>>, vector<16xi32>,
    %get3A_97 = arith.constant 256 : index
    %get3A_98 = tpu.vector_load %arg8[%get3A_97] {strides = array<i32>} : memref<384xi32, #tpu.memory_space<vmem>>, vector<16xi32>,
    %swap3A_99 = arith.constant 16 : i32
    %swap3A_100 = arith.index_cast %swap3A_99 : i32 to index
    %swap3A_101 = arith.constant 0 : index
    %swap3A_102 = tpu.vector_load %arg11[%swap3A_100, %swap3A_101] {strides = array<i32>} : memref<24x16xi32, #tpu.memory_space<vmem>>, vector<16xi32>,
    tpu.vector_store %arg11[%swap3A_100, %swap3A_101], %get3A_98 {strides = array<i32>} : memref<24x16xi32, #tpu.memory_space<vmem>>, vector<16xi32>,
    %get3A_103 = arith.constant 272 : index
    %get3A_104 = tpu.vector_load %arg8[%get3A_103] {strides = array<i32>} : memref<384xi32, #tpu.memory_space<vmem>>, vector<16xi32>,
    %swap3A_105 = arith.constant 17 : i32
    %swap3A_106 = arith.index_cast %swap3A_105 : i32 to index
    %swap3A_107 = arith.constant 0 : index
    %swap3A_108 = tpu.vector_load %arg11[%swap3A_106, %swap3A_107] {strides = array<i32>} : memref<24x16xi32, #tpu.memory_space<vmem>>, vector<16xi32>,
    tpu.vector_store %arg11[%swap3A_106, %swap3A_107], %get3A_104 {strides = array<i32>} : memref<24x16xi32, #tpu.memory_space<vmem>>, vector<16xi32>,
    %get3A_109 = arith.constant 288 : index
    %get3A_110 = tpu.vector_load %arg8[%get3A_109] {strides = array<i32>} : memref<384xi32, #tpu.memory_space<vmem>>, vector<16xi32>,
    %swap3A_111 = arith.constant 18 : i32
    %swap3A_112 = arith.index_cast %swap3A_111 : i32 to index
    %swap3A_113 = arith.constant 0 : index
    %swap3A_114 = tpu.vector_load %arg11[%swap3A_112, %swap3A_113] {strides = array<i32>} : memref<24x16xi32, #tpu.memory_space<vmem>>, vector<16xi32>,
    tpu.vector_store %arg11[%swap3A_112, %swap3A_113], %get3A_110 {strides = array<i32>} : memref<24x16xi32, #tpu.memory_space<vmem>>, vector<16xi32>,
    %get3A_115 = arith.constant 304 : index
    %get3A_116 = tpu.vector_load %arg8[%get3A_115] {strides = array<i32>} : memref<384xi32, #tpu.memory_space<vmem>>, vector<16xi32>,
    %swap3A_117 = arith.constant 19 : i32
    %swap3A_118 = arith.index_cast %swap3A_117 : i32 to index
    %swap3A_119 = arith.constant 0 : index
    %swap3A_120 = tpu.vector_load %arg11[%swap3A_118, %swap3A_119] {strides = array<i32>} : memref<24x16xi32, #tpu.memory_space<vmem>>, vector<16xi32>,
    tpu.vector_store %arg11[%swap3A_118, %swap3A_119], %get3A_116 {strides = array<i32>} : memref<24x16xi32, #tpu.memory_space<vmem>>, vector<16xi32>,
    %get3A_121 = arith.constant 320 : index
    %get3A_122 = tpu.vector_load %arg8[%get3A_121] {strides = array<i32>} : memref<384xi32, #tpu.memory_space<vmem>>, vector<16xi32>,
    %swap3A_123 = arith.constant 20 : i32
    %swap3A_124 = arith.index_cast %swap3A_123 : i32 to index
    %swap3A_125 = arith.constant 0 : index
    %swap3A_126 = tpu.vector_load %arg11[%swap3A_124, %swap3A_125] {strides = array<i32>} : memref<24x16xi32, #tpu.memory_space<vmem>>, vector<16xi32>,
    tpu.vector_store %arg11[%swap3A_124, %swap3A_125], %get3A_122 {strides = array<i32>} : memref<24x16xi32, #tpu.memory_space<vmem>>, vector<16xi32>,
    %get3A_127 = arith.constant 336 : index
    %get3A_128 = tpu.vector_load %arg8[%get3A_127] {strides = array<i32>} : memref<384xi32, #tpu.memory_space<vmem>>, vector<16xi32>,
    %swap3A_129 = arith.constant 21 : i32
    %swap3A_130 = arith.index_cast %swap3A_129 : i32 to index
    %swap3A_131 = arith.constant 0 : index
    %swap3A_132 = tpu.vector_load %arg11[%swap3A_130, %swap3A_131] {strides = array<i32>} : memref<24x16xi32, #tpu.memory_space<vmem>>, vector<16xi32>,
    tpu.vector_store %arg11[%swap3A_130, %swap3A_131], %get3A_128 {strides = array<i32>} : memref<24x16xi32, #tpu.memory_space<vmem>>, vector<16xi32>,
    %get3A_133 = arith.constant 352 : index
    %get3A_134 = tpu.vector_load %arg8[%get3A_133] {strides = array<i32>} : memref<384xi32, #tpu.memory_space<vmem>>, vector<16xi32>,
    %swap3A_135 = arith.constant 22 : i32
    %swap3A_136 = arith.index_cast %swap3A_135 : i32 to index
    %swap3A_137 = arith.constant 0 : index
    %swap3A_138 = tpu.vector_load %arg11[%swap3A_136, %swap3A_137] {strides = array<i32>} : memref<24x16xi32, #tpu.memory_space<vmem>>, vector<16xi32>,
    tpu.vector_store %arg11[%swap3A_136, %swap3A_137], %get3A_134 {strides = array<i32>} : memref<24x16xi32, #tpu.memory_space<vmem>>, vector<16xi32>,
    %get3A_139 = arith.constant 368 : index
    %get3A_140 = tpu.vector_load %arg8[%get3A_139] {strides = array<i32>} : memref<384xi32, #tpu.memory_space<vmem>>, vector<16xi32>,
    %swap3A_141 = arith.constant 23 : i32
    %swap3A_142 = arith.index_cast %swap3A_141 : i32 to index
    %swap3A_143 = arith.constant 0 : index
    %swap3A_144 = tpu.vector_load %arg11[%swap3A_142, %swap3A_143] {strides = array<i32>} : memref<24x16xi32, #tpu.memory_space<vmem>>, vector<16xi32>,
    tpu.vector_store %arg11[%swap3A_142, %swap3A_143], %get3A_140 {strides = array<i32>} : memref<24x16xi32, #tpu.memory_space<vmem>>, vector<16xi32>,
    %dma_start3A = arith.constant 0 : i32
    %dma_start3A_145 = arith.constant 0 : i32
    %dma_start3A_146 = arith.constant 0 : i32
    %dma_start3A_147 = arith.constant 0 : i32
    %dma_start3A_148 = tpu.memref_slice %arg12[%dma_start3A_145, %dma_start3A_146, %dma_start3A_147] : memref<2x16x2048xf32, #tpu.memory_space<vmem>> -> memref<1x16x2048xf32, #tpu.memory_space<vmem>>
    %dma_start3A_149 = tpu.memref_squeeze %dma_start3A_148 : memref<1x16x2048xf32, #tpu.memory_space<vmem>> -> memref<16x2048xf32, #tpu.memory_space<vmem>>
    %dma_start3A_150 = arith.constant 0 : i32
    %dma_start3A_151 = tpu.memref_slice %arg11[%dma_start3A, %dma_start3A_150] : memref<24x16xi32, #tpu.memory_space<vmem>> -> memref<1x16xi32, #tpu.memory_space<vmem>>
    %dma_start3A_152 = tpu.memref_squeeze %dma_start3A_151 : memref<1x16xi32, #tpu.memory_space<vmem>> -> memref<16xi32, #tpu.memory_space<vmem>>
    %dma_start3A_153 = tpu.memref_reshape %arg6 : memref<8x2048x2048xf32, #tpu.memory_space<hbm>> -> memref<16384x2048xf32, #tpu.memory_space<hbm>>
    %dma_start3A_154 = arith.constant 0 : i32
    %dma_start3A_155 = arith.constant 0 : i32
    %dma_start3A_156 = tpu.memref_slice %dma_start3A_153[%dma_start3A_154, %dma_start3A_155] : memref<16384x2048xf32, #tpu.memory_space<hbm>> -> memref<16384x2048xf32, #tpu.memory_space<hbm>>
    tpu.enqueue_indirect_dma source(%dma_start3A_156 : memref<16384x2048xf32, #tpu.memory_space<hbm>>) target(%dma_start3A_149 : memref<16x2048xf32, #tpu.memory_space<vmem>>) offsets(%dma_start3A_152 : memref<16xi32, #tpu.memory_space<vmem>>) semaphore(%arg17 : memref<!tpu.dma_semaphore, #tpu.memory_space<semaphore_mem>>)
    %dma_start3A_157 = arith.constant 1 : i32
    %dma_start3A_158 = arith.constant 1 : i32
    %dma_start3A_159 = arith.constant 0 : i32
    %dma_start3A_160 = arith.constant 0 : i32
    %dma_start3A_161 = tpu.memref_slice %arg12[%dma_start3A_158, %dma_start3A_159, %dma_start3A_160] : memref<2x16x2048xf32, #tpu.memory_space<vmem>> -> memref<1x16x2048xf32, #tpu.memory_space<vmem>>
    %dma_start3A_162 = tpu.memref_squeeze %dma_start3A_161 : memref<1x16x2048xf32, #tpu.memory_space<vmem>> -> memref<16x2048xf32, #tpu.memory_space<vmem>>
    %dma_start3A_163 = arith.constant 0 : i32
    %dma_start3A_164 = tpu.memref_slice %arg11[%dma_start3A_157, %dma_start3A_163] : memref<24x16xi32, #tpu.memory_space<vmem>> -> memref<1x16xi32, #tpu.memory_space<vmem>>
    %dma_start3A_165 = tpu.memref_squeeze %dma_start3A_164 : memref<1x16xi32, #tpu.memory_space<vmem>> -> memref<16xi32, #tpu.memory_space<vmem>>
    %dma_start3A_166 = tpu.memref_reshape %arg6 : memref<8x2048x2048xf32, #tpu.memory_space<hbm>> -> memref<16384x2048xf32, #tpu.memory_space<hbm>>
    %dma_start3A_167 = arith.constant 0 : i32
    %dma_start3A_168 = arith.constant 0 : i32
    %dma_start3A_169 = tpu.memref_slice %dma_start3A_166[%dma_start3A_167, %dma_start3A_168] : memref<16384x2048xf32, #tpu.memory_space<hbm>> -> memref<16384x2048xf32, #tpu.memory_space<hbm>>
    tpu.enqueue_indirect_dma source(%dma_start3A_169 : memref<16384x2048xf32, #tpu.memory_space<hbm>>) target(%dma_start3A_162 : memref<16x2048xf32, #tpu.memory_space<vmem>>) offsets(%dma_start3A_165 : memref<16xi32, #tpu.memory_space<vmem>>) semaphore(%arg18 : memref<!tpu.dma_semaphore, #tpu.memory_space<semaphore_mem>>)
    %dma_wait3A = arith.constant 0 : i32
    %dma_wait3A_170 = arith.constant 0 : i32
    %dma_wait3A_171 = arith.constant 0 : i32
    %dma_wait3A_172 = arith.constant 0 : i32
    %dma_wait3A_173 = tpu.memref_slice %arg12[%dma_wait3A_170, %dma_wait3A_171, %dma_wait3A_172] : memref<2x16x2048xf32, #tpu.memory_space<vmem>> -> memref<1x16x2048xf32, #tpu.memory_space<vmem>>
    %dma_wait3A_174 = tpu.memref_squeeze %dma_wait3A_173 : memref<1x16x2048xf32, #tpu.memory_space<vmem>> -> memref<16x2048xf32, #tpu.memory_space<vmem>>
    %dma_wait3A_175 = arith.constant 0 : i32
    %dma_wait3A_176 = tpu.memref_slice %arg11[%dma_wait3A, %dma_wait3A_175] : memref<24x16xi32, #tpu.memory_space<vmem>> -> memref<1x16xi32, #tpu.memory_space<vmem>>
    %dma_wait3A_177 = tpu.memref_squeeze %dma_wait3A_176 : memref<1x16xi32, #tpu.memory_space<vmem>> -> memref<16xi32, #tpu.memory_space<vmem>>
    %dma_wait3A_178 = tpu.memref_reshape %arg6 : memref<8x2048x2048xf32, #tpu.memory_space<hbm>> -> memref<16384x2048xf32, #tpu.memory_space<hbm>>
    %dma_wait3A_179 = arith.constant 0 : i32
    %dma_wait3A_180 = arith.constant 0 : i32
    %dma_wait3A_181 = tpu.memref_slice %dma_wait3A_178[%dma_wait3A_179, %dma_wait3A_180] : memref<16384x2048xf32, #tpu.memory_space<hbm>> -> memref<16384x2048xf32, #tpu.memory_space<hbm>>
    tpu.wait_indirect_dma semaphore(%arg17 : memref<!tpu.dma_semaphore, #tpu.memory_space<semaphore_mem>>) src(%dma_wait3A_181 : memref<16384x2048xf32, #tpu.memory_space<hbm>>) dst(%dma_wait3A_174 : memref<16x2048xf32, #tpu.memory_space<vmem>>)
    %iota3A = tpu.iota {dimensions = array<i32: 0>} : vector<16xi32>
    %add3A_182 = arith.constant 0 : i32
    %add3A_183 = vector.broadcast %add3A_182 : i32 to vector<16xi32>
    %add3A_184 = arith.addi %iota3A, %add3A_183 : vector<16xi32>
    %get3A_185 = arith.constant 0 : index
    %get3A_186 = tpu.vector_load %arg9[%get3A_185] {strides = array<i32>} : memref<384xi32, #tpu.memory_space<vmem>>, vector<16xi32>,
    %get3A_187 = arith.constant 0 : index
    %get3A_188 = tpu.vector_load %arg10[%get3A_187] {strides = array<i32>} : memref<384xf32, #tpu.memory_space<vmem>>, vector<16xf32>,
    %gather3A = arith.constant 0 : i32
    %gather3A_189 = arith.constant 0 : i32
    %gather3A_190 = arith.constant 0 : i32
    %gather3A_191 = tpu.memref_slice %arg12[%gather3A, %gather3A_189, %gather3A_190] : memref<2x16x2048xf32, #tpu.memory_space<vmem>> -> memref<1x16x2048xf32, #tpu.memory_space<vmem>>
    %gather3A_192 = tpu.memref_squeeze %gather3A_191 : memref<1x16x2048xf32, #tpu.memory_space<vmem>> -> memref<16x2048xf32, #tpu.memory_space<vmem>>
    %gather3A_193 = tpu.vector_load_idx %gather3A_192[%add3A_184, %get3A_186] : memref<16x2048xf32, #tpu.memory_space<vmem>>[vector<16xi32>, vector<16xi32>], vector<16xf32>,
    %mul3A_194 = arith.mulf %get3A_188, %gather3A_193 : vector<16xf32>
    %swap3A_195 = arith.constant 0 : index
    %swap3A_196 = tpu.vector_load %arg15[%swap3A_195] {strides = array<i32>} : memref<384xf32, #tpu.memory_space<vmem>>, vector<16xf32>,
    tpu.vector_store %arg15[%swap3A_195], %mul3A_194 {strides = array<i32>} : memref<384xf32, #tpu.memory_space<vmem>>, vector<16xf32>,
    %dma_start3A_197 = arith.constant 2 : i32
    %dma_start3A_198 = arith.constant 0 : i32
    %dma_start3A_199 = arith.constant 0 : i32
    %dma_start3A_200 = arith.constant 0 : i32
    %dma_start3A_201 = tpu.memref_slice %arg12[%dma_start3A_198, %dma_start3A_199, %dma_start3A_200] : memref<2x16x2048xf32, #tpu.memory_space<vmem>> -> memref<1x16x2048xf32, #tpu.memory_space<vmem>>
    %dma_start3A_202 = tpu.memref_squeeze %dma_start3A_201 : memref<1x16x2048xf32, #tpu.memory_space<vmem>> -> memref<16x2048xf32, #tpu.memory_space<vmem>>
    %dma_start3A_203 = arith.constant 0 : i32
    %dma_start3A_204 = tpu.memref_slice %arg11[%dma_start3A_197, %dma_start3A_203] : memref<24x16xi32, #tpu.memory_space<vmem>> -> memref<1x16xi32, #tpu.memory_space<vmem>>
    %dma_start3A_205 = tpu.memref_squeeze %dma_start3A_204 : memref<1x16xi32, #tpu.memory_space<vmem>> -> memref<16xi32, #tpu.memory_space<vmem>>
    %dma_start3A_206 = tpu.memref_reshape %arg6 : memref<8x2048x2048xf32, #tpu.memory_space<hbm>> -> memref<16384x2048xf32, #tpu.memory_space<hbm>>
    %dma_start3A_207 = arith.constant 0 : i32
    %dma_start3A_208 = arith.constant 0 : i32
    %dma_start3A_209 = tpu.memref_slice %dma_start3A_206[%dma_start3A_207, %dma_start3A_208] : memref<16384x2048xf32, #tpu.memory_space<hbm>> -> memref<16384x2048xf32, #tpu.memory_space<hbm>>
    tpu.enqueue_indirect_dma source(%dma_start3A_209 : memref<16384x2048xf32, #tpu.memory_space<hbm>>) target(%dma_start3A_202 : memref<16x2048xf32, #tpu.memory_space<vmem>>) offsets(%dma_start3A_205 : memref<16xi32, #tpu.memory_space<vmem>>) semaphore(%arg17 : memref<!tpu.dma_semaphore, #tpu.memory_space<semaphore_mem>>)
    %dma_wait3A_210 = arith.constant 1 : i32
    %dma_wait3A_211 = arith.constant 1 : i32
    %dma_wait3A_212 = arith.constant 0 : i32
    %dma_wait3A_213 = arith.constant 0 : i32
    %dma_wait3A_214 = tpu.memref_slice %arg12[%dma_wait3A_211, %dma_wait3A_212, %dma_wait3A_213] : memref<2x16x2048xf32, #tpu.memory_space<vmem>> -> memref<1x16x2048xf32, #tpu.memory_space<vmem>>
    %dma_wait3A_215 = tpu.memref_squeeze %dma_wait3A_214 : memref<1x16x2048xf32, #tpu.memory_space<vmem>> -> memref<16x2048xf32, #tpu.memory_space<vmem>>
    %dma_wait3A_216 = arith.constant 0 : i32
    %dma_wait3A_217 = tpu.memref_slice %arg11[%dma_wait3A_210, %dma_wait3A_216] : memref<24x16xi32, #tpu.memory_space<vmem>> -> memref<1x16xi32, #tpu.memory_space<vmem>>
    %dma_wait3A_218 = tpu.memref_squeeze %dma_wait3A_217 : memref<1x16xi32, #tpu.memory_space<vmem>> -> memref<16xi32, #tpu.memory_space<vmem>>
    %dma_wait3A_219 = tpu.memref_reshape %arg6 : memref<8x2048x2048xf32, #tpu.memory_space<hbm>> -> memref<16384x2048xf32, #tpu.memory_space<hbm>>
    %dma_wait3A_220 = arith.constant 0 : i32
    %dma_wait3A_221 = arith.constant 0 : i32
    %dma_wait3A_222 = tpu.memref_slice %dma_wait3A_219[%dma_wait3A_220, %dma_wait3A_221] : memref<16384x2048xf32, #tpu.memory_space<hbm>> -> memref<16384x2048xf32, #tpu.memory_space<hbm>>
    tpu.wait_indirect_dma semaphore(%arg18 : memref<!tpu.dma_semaphore, #tpu.memory_space<semaphore_mem>>) src(%dma_wait3A_222 : memref<16384x2048xf32, #tpu.memory_space<hbm>>) dst(%dma_wait3A_215 : memref<16x2048xf32, #tpu.memory_space<vmem>>)
    %iota3A_223 = tpu.iota {dimensions = array<i32: 0>} : vector<16xi32>
    %add3A_224 = arith.constant 0 : i32
    %add3A_225 = vector.broadcast %add3A_224 : i32 to vector<16xi32>
    %add3A_226 = arith.addi %iota3A_223, %add3A_225 : vector<16xi32>
    %get3A_227 = arith.constant 16 : index
    %get3A_228 = tpu.vector_load %arg9[%get3A_227] {strides = array<i32>} : memref<384xi32, #tpu.memory_space<vmem>>, vector<16xi32>,
    %get3A_229 = arith.constant 16 : index
    %get3A_230 = tpu.vector_load %arg10[%get3A_229] {strides = array<i32>} : memref<384xf32, #tpu.memory_space<vmem>>, vector<16xf32>,
    %gather3A_231 = arith.constant 1 : i32
    %gather3A_232 = arith.constant 0 : i32
    %gather3A_233 = arith.constant 0 : i32
    %gather3A_234 = tpu.memref_slice %arg12[%gather3A_231, %gather3A_232, %gather3A_233] : memref<2x16x2048xf32, #tpu.memory_space<vmem>> -> memref<1x16x2048xf32, #tpu.memory_space<vmem>>
    %gather3A_235 = tpu.memref_squeeze %gather3A_234 : memref<1x16x2048xf32, #tpu.memory_space<vmem>> -> memref<16x2048xf32, #tpu.memory_space<vmem>>
    %gather3A_236 = tpu.vector_load_idx %gather3A_235[%add3A_226, %get3A_228] : memref<16x2048xf32, #tpu.memory_space<vmem>>[vector<16xi32>, vector<16xi32>], vector<16xf32>,
    %mul3A_237 = arith.mulf %get3A_230, %gather3A_236 : vector<16xf32>
    %swap3A_238 = arith.constant 16 : index
    %swap3A_239 = tpu.vector_load %arg15[%swap3A_238] {strides = array<i32>} : memref<384xf32, #tpu.memory_space<vmem>>, vector<16xf32>,
    tpu.vector_store %arg15[%swap3A_238], %mul3A_237 {strides = array<i32>} : memref<384xf32, #tpu.memory_space<vmem>>, vector<16xf32>,
    %dma_start3A_240 = arith.constant 3 : i32
    %dma_start3A_241 = arith.constant 1 : i32
    %dma_start3A_242 = arith.constant 0 : i32
    %dma_start3A_243 = arith.constant 0 : i32
    %dma_start3A_244 = tpu.memref_slice %arg12[%dma_start3A_241, %dma_start3A_242, %dma_start3A_243] : memref<2x16x2048xf32, #tpu.memory_space<vmem>> -> memref<1x16x2048xf32, #tpu.memory_space<vmem>>
    %dma_start3A_245 = tpu.memref_squeeze %dma_start3A_244 : memref<1x16x2048xf32, #tpu.memory_space<vmem>> -> memref<16x2048xf32, #tpu.memory_space<vmem>>
    %dma_start3A_246 = arith.constant 0 : i32
    %dma_start3A_247 = tpu.memref_slice %arg11[%dma_start3A_240, %dma_start3A_246] : memref<24x16xi32, #tpu.memory_space<vmem>> -> memref<1x16xi32, #tpu.memory_space<vmem>>
    %dma_start3A_248 = tpu.memref_squeeze %dma_start3A_247 : memref<1x16xi32, #tpu.memory_space<vmem>> -> memref<16xi32, #tpu.memory_space<vmem>>
    %dma_start3A_249 = tpu.memref_reshape %arg6 : memref<8x2048x2048xf32, #tpu.memory_space<hbm>> -> memref<16384x2048xf32, #tpu.memory_space<hbm>>
    %dma_start3A_250 = arith.constant 0 : i32
    %dma_start3A_251 = arith.constant 0 : i32
    %dma_start3A_252 = tpu.memref_slice %dma_start3A_249[%dma_start3A_250, %dma_start3A_251] : memref<16384x2048xf32, #tpu.memory_space<hbm>> -> memref<16384x2048xf32, #tpu.memory_space<hbm>>
    tpu.enqueue_indirect_dma source(%dma_start3A_252 : memref<16384x2048xf32, #tpu.memory_space<hbm>>) target(%dma_start3A_245 : memref<16x2048xf32, #tpu.memory_space<vmem>>) offsets(%dma_start3A_248 : memref<16xi32, #tpu.memory_space<vmem>>) semaphore(%arg18 : memref<!tpu.dma_semaphore, #tpu.memory_space<semaphore_mem>>)
    %dma_wait3A_253 = arith.constant 2 : i32
    %dma_wait3A_254 = arith.constant 0 : i32
    %dma_wait3A_255 = arith.constant 0 : i32
    %dma_wait3A_256 = arith.constant 0 : i32
    %dma_wait3A_257 = tpu.memref_slice %arg12[%dma_wait3A_254, %dma_wait3A_255, %dma_wait3A_256] : memref<2x16x2048xf32, #tpu.memory_space<vmem>> -> memref<1x16x2048xf32, #tpu.memory_space<vmem>>
    %dma_wait3A_258 = tpu.memref_squeeze %dma_wait3A_257 : memref<1x16x2048xf32, #tpu.memory_space<vmem>> -> memref<16x2048xf32, #tpu.memory_space<vmem>>
    %dma_wait3A_259 = arith.constant 0 : i32
    %dma_wait3A_260 = tpu.memref_slice %arg11[%dma_wait3A_253, %dma_wait3A_259] : memref<24x16xi32, #tpu.memory_space<vmem>> -> memref<1x16xi32, #tpu.memory_space<vmem>>
    %dma_wait3A_261 = tpu.memref_squeeze %dma_wait3A_260 : memref<1x16xi32, #tpu.memory_space<vmem>> -> memref<16xi32, #tpu.memory_space<vmem>>
    %dma_wait3A_262 = tpu.memref_reshape %arg6 : memref<8x2048x2048xf32, #tpu.memory_space<hbm>> -> memref<16384x2048xf32, #tpu.memory_space<hbm>>
    %dma_wait3A_263 = arith.constant 0 : i32
    %dma_wait3A_264 = arith.constant 0 : i32
    %dma_wait3A_265 = tpu.memref_slice %dma_wait3A_262[%dma_wait3A_263, %dma_wait3A_264] : memref<16384x2048xf32, #tpu.memory_space<hbm>> -> memref<16384x2048xf32, #tpu.memory_space<hbm>>
    tpu.wait_indirect_dma semaphore(%arg17 : memref<!tpu.dma_semaphore, #tpu.memory_space<semaphore_mem>>) src(%dma_wait3A_265 : memref<16384x2048xf32, #tpu.memory_space<hbm>>) dst(%dma_wait3A_258 : memref<16x2048xf32, #tpu.memory_space<vmem>>)
    %iota3A_266 = tpu.iota {dimensions = array<i32: 0>} : vector<16xi32>
    %add3A_267 = arith.constant 0 : i32
    %add3A_268 = vector.broadcast %add3A_267 : i32 to vector<16xi32>
    %add3A_269 = arith.addi %iota3A_266, %add3A_268 : vector<16xi32>
    %get3A_270 = arith.constant 32 : index
    %get3A_271 = tpu.vector_load %arg9[%get3A_270] {strides = array<i32>} : memref<384xi32, #tpu.memory_space<vmem>>, vector<16xi32>,
    %get3A_272 = arith.constant 32 : index
    %get3A_273 = tpu.vector_load %arg10[%get3A_272] {strides = array<i32>} : memref<384xf32, #tpu.memory_space<vmem>>, vector<16xf32>,
    %gather3A_274 = arith.constant 0 : i32
    %gather3A_275 = arith.constant 0 : i32
    %gather3A_276 = arith.constant 0 : i32
    %gather3A_277 = tpu.memref_slice %arg12[%gather3A_274, %gather3A_275, %gather3A_276] : memref<2x16x2048xf32, #tpu.memory_space<vmem>> -> memref<1x16x2048xf32, #tpu.memory_space<vmem>>
    %gather3A_278 = tpu.memref_squeeze %gather3A_277 : memref<1x16x2048xf32, #tpu.memory_space<vmem>> -> memref<16x2048xf32, #tpu.memory_space<vmem>>
    %gather3A_279 = tpu.vector_load_idx %gather3A_278[%add3A_269, %get3A_271] : memref<16x2048xf32, #tpu.memory_space<vmem>>[vector<16xi32>, vector<16xi32>], vector<16xf32>,
    %mul3A_280 = arith.mulf %get3A_273, %gather3A_279 : vector<16xf32>
    %swap3A_281 = arith.constant 32 : index
    %swap3A_282 = tpu.vector_load %arg15[%swap3A_281] {strides = array<i32>} : memref<384xf32, #tpu.memory_space<vmem>>, vector<16xf32>,
    tpu.vector_store %arg15[%swap3A_281], %mul3A_280 {strides = array<i32>} : memref<384xf32, #tpu.memory_space<vmem>>, vector<16xf32>,
    %dma_start3A_283 = arith.constant 4 : i32
    %dma_start3A_284 = arith.constant 0 : i32
    %dma_start3A_285 = arith.constant 0 : i32
    %dma_start3A_286 = arith.constant 0 : i32
    %dma_start3A_287 = tpu.memref_slice %arg12[%dma_start3A_284, %dma_start3A_285, %dma_start3A_286] : memref<2x16x2048xf32, #tpu.memory_space<vmem>> -> memref<1x16x2048xf32, #tpu.memory_space<vmem>>
    %dma_start3A_288 = tpu.memref_squeeze %dma_start3A_287 : memref<1x16x2048xf32, #tpu.memory_space<vmem>> -> memref<16x2048xf32, #tpu.memory_space<vmem>>
    %dma_start3A_289 = arith.constant 0 : i32
    %dma_start3A_290 = tpu.memref_slice %arg11[%dma_start3A_283, %dma_start3A_289] : memref<24x16xi32, #tpu.memory_space<vmem>> -> memref<1x16xi32, #tpu.memory_space<vmem>>
    %dma_start3A_291 = tpu.memref_squeeze %dma_start3A_290 : memref<1x16xi32, #tpu.memory_space<vmem>> -> memref<16xi32, #tpu.memory_space<vmem>>
    %dma_start3A_292 = tpu.memref_reshape %arg6 : memref<8x2048x2048xf32, #tpu.memory_space<hbm>> -> memref<16384x2048xf32, #tpu.memory_space<hbm>>
    %dma_start3A_293 = arith.constant 0 : i32
    %dma_start3A_294 = arith.constant 0 : i32
    %dma_start3A_295 = tpu.memref_slice %dma_start3A_292[%dma_start3A_293, %dma_start3A_294] : memref<16384x2048xf32, #tpu.memory_space<hbm>> -> memref<16384x2048xf32, #tpu.memory_space<hbm>>
    tpu.enqueue_indirect_dma source(%dma_start3A_295 : memref<16384x2048xf32, #tpu.memory_space<hbm>>) target(%dma_start3A_288 : memref<16x2048xf32, #tpu.memory_space<vmem>>) offsets(%dma_start3A_291 : memref<16xi32, #tpu.memory_space<vmem>>) semaphore(%arg17 : memref<!tpu.dma_semaphore, #tpu.memory_space<semaphore_mem>>)
    %dma_wait3A_296 = arith.constant 3 : i32
    %dma_wait3A_297 = arith.constant 1 : i32
    %dma_wait3A_298 = arith.constant 0 : i32
    %dma_wait3A_299 = arith.constant 0 : i32
    %dma_wait3A_300 = tpu.memref_slice %arg12[%dma_wait3A_297, %dma_wait3A_298, %dma_wait3A_299] : memref<2x16x2048xf32, #tpu.memory_space<vmem>> -> memref<1x16x2048xf32, #tpu.memory_space<vmem>>
    %dma_wait3A_301 = tpu.memref_squeeze %dma_wait3A_300 : memref<1x16x2048xf32, #tpu.memory_space<vmem>> -> memref<16x2048xf32, #tpu.memory_space<vmem>>
    %dma_wait3A_302 = arith.constant 0 : i32
    %dma_wait3A_303 = tpu.memref_slice %arg11[%dma_wait3A_296, %dma_wait3A_302] : memref<24x16xi32, #tpu.memory_space<vmem>> -> memref<1x16xi32, #tpu.memory_space<vmem>>
    %dma_wait3A_304 = tpu.memref_squeeze %dma_wait3A_303 : memref<1x16xi32, #tpu.memory_space<vmem>> -> memref<16xi32, #tpu.memory_space<vmem>>
    %dma_wait3A_305 = tpu.memref_reshape %arg6 : memref<8x2048x2048xf32, #tpu.memory_space<hbm>> -> memref<16384x2048xf32, #tpu.memory_space<hbm>>
    %dma_wait3A_306 = arith.constant 0 : i32
    %dma_wait3A_307 = arith.constant 0 : i32
    %dma_wait3A_308 = tpu.memref_slice %dma_wait3A_305[%dma_wait3A_306, %dma_wait3A_307] : memref<16384x2048xf32, #tpu.memory_space<hbm>> -> memref<16384x2048xf32, #tpu.memory_space<hbm>>
    tpu.wait_indirect_dma semaphore(%arg18 : memref<!tpu.dma_semaphore, #tpu.memory_space<semaphore_mem>>) src(%dma_wait3A_308 : memref<16384x2048xf32, #tpu.memory_space<hbm>>) dst(%dma_wait3A_301 : memref<16x2048xf32, #tpu.memory_space<vmem>>)
    %iota3A_309 = tpu.iota {dimensions = array<i32: 0>} : vector<16xi32>
    %add3A_310 = arith.constant 0 : i32
    %add3A_311 = vector.broadcast %add3A_310 : i32 to vector<16xi32>
    %add3A_312 = arith.addi %iota3A_309, %add3A_311 : vector<16xi32>
    %get3A_313 = arith.constant 48 : index
    %get3A_314 = tpu.vector_load %arg9[%get3A_313] {strides = array<i32>} : memref<384xi32, #tpu.memory_space<vmem>>, vector<16xi32>,
    %get3A_315 = arith.constant 48 : index
    %get3A_316 = tpu.vector_load %arg10[%get3A_315] {strides = array<i32>} : memref<384xf32, #tpu.memory_space<vmem>>, vector<16xf32>,
    %gather3A_317 = arith.constant 1 : i32
    %gather3A_318 = arith.constant 0 : i32
    %gather3A_319 = arith.constant 0 : i32
    %gather3A_320 = tpu.memref_slice %arg12[%gather3A_317, %gather3A_318, %gather3A_319] : memref<2x16x2048xf32, #tpu.memory_space<vmem>> -> memref<1x16x2048xf32, #tpu.memory_space<vmem>>
    %gather3A_321 = tpu.memref_squeeze %gather3A_320 : memref<1x16x2048xf32, #tpu.memory_space<vmem>> -> memref<16x2048xf32, #tpu.memory_space<vmem>>
    %gather3A_322 = tpu.vector_load_idx %gather3A_321[%add3A_312, %get3A_314] : memref<16x2048xf32, #tpu.memory_space<vmem>>[vector<16xi32>, vector<16xi32>], vector<16xf32>,
    %mul3A_323 = arith.mulf %get3A_316, %gather3A_322 : vector<16xf32>
    %swap3A_324 = arith.constant 48 : index
    %swap3A_325 = tpu.vector_load %arg15[%swap3A_324] {strides = array<i32>} : memref<384xf32, #tpu.memory_space<vmem>>, vector<16xf32>,
    tpu.vector_store %arg15[%swap3A_324], %mul3A_323 {strides = array<i32>} : memref<384xf32, #tpu.memory_space<vmem>>, vector<16xf32>,
    %dma_start3A_326 = arith.constant 5 : i32
    %dma_start3A_327 = arith.constant 1 : i32
    %dma_start3A_328 = arith.constant 0 : i32
    %dma_start3A_329 = arith.constant 0 : i32
    %dma_start3A_330 = tpu.memref_slice %arg12[%dma_start3A_327, %dma_start3A_328, %dma_start3A_329] : memref<2x16x2048xf32, #tpu.memory_space<vmem>> -> memref<1x16x2048xf32, #tpu.memory_space<vmem>>
    %dma_start3A_331 = tpu.memref_squeeze %dma_start3A_330 : memref<1x16x2048xf32, #tpu.memory_space<vmem>> -> memref<16x2048xf32, #tpu.memory_space<vmem>>
    %dma_start3A_332 = arith.constant 0 : i32
    %dma_start3A_333 = tpu.memref_slice %arg11[%dma_start3A_326, %dma_start3A_332] : memref<24x16xi32, #tpu.memory_space<vmem>> -> memref<1x16xi32, #tpu.memory_space<vmem>>
    %dma_start3A_334 = tpu.memref_squeeze %dma_start3A_333 : memref<1x16xi32, #tpu.memory_space<vmem>> -> memref<16xi32, #tpu.memory_space<vmem>>
    %dma_start3A_335 = tpu.memref_reshape %arg6 : memref<8x2048x2048xf32, #tpu.memory_space<hbm>> -> memref<16384x2048xf32, #tpu.memory_space<hbm>>
    %dma_start3A_336 = arith.constant 0 : i32
    %dma_start3A_337 = arith.constant 0 : i32
    %dma_start3A_338 = tpu.memref_slice %dma_start3A_335[%dma_start3A_336, %dma_start3A_337] : memref<16384x2048xf32, #tpu.memory_space<hbm>> -> memref<16384x2048xf32, #tpu.memory_space<hbm>>
    tpu.enqueue_indirect_dma source(%dma_start3A_338 : memref<16384x2048xf32, #tpu.memory_space<hbm>>) target(%dma_start3A_331 : memref<16x2048xf32, #tpu.memory_space<vmem>>) offsets(%dma_start3A_334 : memref<16xi32, #tpu.memory_space<vmem>>) semaphore(%arg18 : memref<!tpu.dma_semaphore, #tpu.memory_space<semaphore_mem>>)
    %dma_wait3A_339 = arith.constant 4 : i32
    %dma_wait3A_340 = arith.constant 0 : i32
    %dma_wait3A_341 = arith.constant 0 : i32
    %dma_wait3A_342 = arith.constant 0 : i32
    %dma_wait3A_343 = tpu.memref_slice %arg12[%dma_wait3A_340, %dma_wait3A_341, %dma_wait3A_342] : memref<2x16x2048xf32, #tpu.memory_space<vmem>> -> memref<1x16x2048xf32, #tpu.memory_space<vmem>>
    %dma_wait3A_344 = tpu.memref_squeeze %dma_wait3A_343 : memref<1x16x2048xf32, #tpu.memory_space<vmem>> -> memref<16x2048xf32, #tpu.memory_space<vmem>>
    %dma_wait3A_345 = arith.constant 0 : i32
    %dma_wait3A_346 = tpu.memref_slice %arg11[%dma_wait3A_339, %dma_wait3A_345] : memref<24x16xi32, #tpu.memory_space<vmem>> -> memref<1x16xi32, #tpu.memory_space<vmem>>
    %dma_wait3A_347 = tpu.memref_squeeze %dma_wait3A_346 : memref<1x16xi32, #tpu.memory_space<vmem>> -> memref<16xi32, #tpu.memory_space<vmem>>
    %dma_wait3A_348 = tpu.memref_reshape %arg6 : memref<8x2048x2048xf32, #tpu.memory_space<hbm>> -> memref<16384x2048xf32, #tpu.memory_space<hbm>>
    %dma_wait3A_349 = arith.constant 0 : i32
    %dma_wait3A_350 = arith.constant 0 : i32
    %dma_wait3A_351 = tpu.memref_slice %dma_wait3A_348[%dma_wait3A_349, %dma_wait3A_350] : memref<16384x2048xf32, #tpu.memory_space<hbm>> -> memref<16384x2048xf32, #tpu.memory_space<hbm>>
    tpu.wait_indirect_dma semaphore(%arg17 : memref<!tpu.dma_semaphore, #tpu.memory_space<semaphore_mem>>) src(%dma_wait3A_351 : memref<16384x2048xf32, #tpu.memory_space<hbm>>) dst(%dma_wait3A_344 : memref<16x2048xf32, #tpu.memory_space<vmem>>)
    %iota3A_352 = tpu.iota {dimensions = array<i32: 0>} : vector<16xi32>
    %add3A_353 = arith.constant 0 : i32
    %add3A_354 = vector.broadcast %add3A_353 : i32 to vector<16xi32>
    %add3A_355 = arith.addi %iota3A_352, %add3A_354 : vector<16xi32>
    %get3A_356 = arith.constant 64 : index
    %get3A_357 = tpu.vector_load %arg9[%get3A_356] {strides = array<i32>} : memref<384xi32, #tpu.memory_space<vmem>>, vector<16xi32>,
    %get3A_358 = arith.constant 64 : index
    %get3A_359 = tpu.vector_load %arg10[%get3A_358] {strides = array<i32>} : memref<384xf32, #tpu.memory_space<vmem>>, vector<16xf32>,
    %gather3A_360 = arith.constant 0 : i32
    %gather3A_361 = arith.constant 0 : i32
    %gather3A_362 = arith.constant 0 : i32
    %gather3A_363 = tpu.memref_slice %arg12[%gather3A_360, %gather3A_361, %gather3A_362] : memref<2x16x2048xf32, #tpu.memory_space<vmem>> -> memref<1x16x2048xf32, #tpu.memory_space<vmem>>
    %gather3A_364 = tpu.memref_squeeze %gather3A_363 : memref<1x16x2048xf32, #tpu.memory_space<vmem>> -> memref<16x2048xf32, #tpu.memory_space<vmem>>
    %gather3A_365 = tpu.vector_load_idx %gather3A_364[%add3A_355, %get3A_357] : memref<16x2048xf32, #tpu.memory_space<vmem>>[vector<16xi32>, vector<16xi32>], vector<16xf32>,
    %mul3A_366 = arith.mulf %get3A_359, %gather3A_365 : vector<16xf32>
    %swap3A_367 = arith.constant 64 : index
    %swap3A_368 = tpu.vector_load %arg15[%swap3A_367] {strides = array<i32>} : memref<384xf32, #tpu.memory_space<vmem>>, vector<16xf32>,
    tpu.vector_store %arg15[%swap3A_367], %mul3A_366 {strides = array<i32>} : memref<384xf32, #tpu.memory_space<vmem>>, vector<16xf32>,
    %dma_start3A_369 = arith.constant 6 : i32
    %dma_start3A_370 = arith.constant 0 : i32
    %dma_start3A_371 = arith.constant 0 : i32
    %dma_start3A_372 = arith.constant 0 : i32
    %dma_start3A_373 = tpu.memref_slice %arg12[%dma_start3A_370, %dma_start3A_371, %dma_start3A_372] : memref<2x16x2048xf32, #tpu.memory_space<vmem>> -> memref<1x16x2048xf32, #tpu.memory_space<vmem>>
    %dma_start3A_374 = tpu.memref_squeeze %dma_start3A_373 : memref<1x16x2048xf32, #tpu.memory_space<vmem>> -> memref<16x2048xf32, #tpu.memory_space<vmem>>
    %dma_start3A_375 = arith.constant 0 : i32
    %dma_start3A_376 = tpu.memref_slice %arg11[%dma_start3A_369, %dma_start3A_375] : memref<24x16xi32, #tpu.memory_space<vmem>> -> memref<1x16xi32, #tpu.memory_space<vmem>>
    %dma_start3A_377 = tpu.memref_squeeze %dma_start3A_376 : memref<1x16xi32, #tpu.memory_space<vmem>> -> memref<16xi32, #tpu.memory_space<vmem>>
    %dma_start3A_378 = tpu.memref_reshape %arg6 : memref<8x2048x2048xf32, #tpu.memory_space<hbm>> -> memref<16384x2048xf32, #tpu.memory_space<hbm>>
    %dma_start3A_379 = arith.constant 0 : i32
    %dma_start3A_380 = arith.constant 0 : i32
    %dma_start3A_381 = tpu.memref_slice %dma_start3A_378[%dma_start3A_379, %dma_start3A_380] : memref<16384x2048xf32, #tpu.memory_space<hbm>> -> memref<16384x2048xf32, #tpu.memory_space<hbm>>
    tpu.enqueue_indirect_dma source(%dma_start3A_381 : memref<16384x2048xf32, #tpu.memory_space<hbm>>) target(%dma_start3A_374 : memref<16x2048xf32, #tpu.memory_space<vmem>>) offsets(%dma_start3A_377 : memref<16xi32, #tpu.memory_space<vmem>>) semaphore(%arg17 : memref<!tpu.dma_semaphore, #tpu.memory_space<semaphore_mem>>)
    %dma_wait3A_382 = arith.constant 5 : i32
    %dma_wait3A_383 = arith.constant 1 : i32
    %dma_wait3A_384 = arith.constant 0 : i32
    %dma_wait3A_385 = arith.constant 0 : i32
    %dma_wait3A_386 = tpu.memref_slice %arg12[%dma_wait3A_383, %dma_wait3A_384, %dma_wait3A_385] : memref<2x16x2048xf32, #tpu.memory_space<vmem>> -> memref<1x16x2048xf32, #tpu.memory_space<vmem>>
    %dma_wait3A_387 = tpu.memref_squeeze %dma_wait3A_386 : memref<1x16x2048xf32, #tpu.memory_space<vmem>> -> memref<16x2048xf32, #tpu.memory_space<vmem>>
    %dma_wait3A_388 = arith.constant 0 : i32
    %dma_wait3A_389 = tpu.memref_slice %arg11[%dma_wait3A_382, %dma_wait3A_388] : memref<24x16xi32, #tpu.memory_space<vmem>> -> memref<1x16xi32, #tpu.memory_space<vmem>>
    %dma_wait3A_390 = tpu.memref_squeeze %dma_wait3A_389 : memref<1x16xi32, #tpu.memory_space<vmem>> -> memref<16xi32, #tpu.memory_space<vmem>>
    %dma_wait3A_391 = tpu.memref_reshape %arg6 : memref<8x2048x2048xf32, #tpu.memory_space<hbm>> -> memref<16384x2048xf32, #tpu.memory_space<hbm>>
    %dma_wait3A_392 = arith.constant 0 : i32
    %dma_wait3A_393 = arith.constant 0 : i32
    %dma_wait3A_394 = tpu.memref_slice %dma_wait3A_391[%dma_wait3A_392, %dma_wait3A_393] : memref<16384x2048xf32, #tpu.memory_space<hbm>> -> memref<16384x2048xf32, #tpu.memory_space<hbm>>
    tpu.wait_indirect_dma semaphore(%arg18 : memref<!tpu.dma_semaphore, #tpu.memory_space<semaphore_mem>>) src(%dma_wait3A_394 : memref<16384x2048xf32, #tpu.memory_space<hbm>>) dst(%dma_wait3A_387 : memref<16x2048xf32, #tpu.memory_space<vmem>>)
    %iota3A_395 = tpu.iota {dimensions = array<i32: 0>} : vector<16xi32>
    %add3A_396 = arith.constant 0 : i32
    %add3A_397 = vector.broadcast %add3A_396 : i32 to vector<16xi32>
    %add3A_398 = arith.addi %iota3A_395, %add3A_397 : vector<16xi32>
    %get3A_399 = arith.constant 80 : index
    %get3A_400 = tpu.vector_load %arg9[%get3A_399] {strides = array<i32>} : memref<384xi32, #tpu.memory_space<vmem>>, vector<16xi32>,
    %get3A_401 = arith.constant 80 : index
    %get3A_402 = tpu.vector_load %arg10[%get3A_401] {strides = array<i32>} : memref<384xf32, #tpu.memory_space<vmem>>, vector<16xf32>,
    %gather3A_403 = arith.constant 1 : i32
    %gather3A_404 = arith.constant 0 : i32
    %gather3A_405 = arith.constant 0 : i32
    %gather3A_406 = tpu.memref_slice %arg12[%gather3A_403, %gather3A_404, %gather3A_405] : memref<2x16x2048xf32, #tpu.memory_space<vmem>> -> memref<1x16x2048xf32, #tpu.memory_space<vmem>>
    %gather3A_407 = tpu.memref_squeeze %gather3A_406 : memref<1x16x2048xf32, #tpu.memory_space<vmem>> -> memref<16x2048xf32, #tpu.memory_space<vmem>>
    %gather3A_408 = tpu.vector_load_idx %gather3A_407[%add3A_398, %get3A_400] : memref<16x2048xf32, #tpu.memory_space<vmem>>[vector<16xi32>, vector<16xi32>], vector<16xf32>,
    %mul3A_409 = arith.mulf %get3A_402, %gather3A_408 : vector<16xf32>
    %swap3A_410 = arith.constant 80 : index
    %swap3A_411 = tpu.vector_load %arg15[%swap3A_410] {strides = array<i32>} : memref<384xf32, #tpu.memory_space<vmem>>, vector<16xf32>,
    tpu.vector_store %arg15[%swap3A_410], %mul3A_409 {strides = array<i32>} : memref<384xf32, #tpu.memory_space<vmem>>, vector<16xf32>,
    %dma_start3A_412 = arith.constant 7 : i32
    %dma_start3A_413 = arith.constant 1 : i32
    %dma_start3A_414 = arith.constant 0 : i32
    %dma_start3A_415 = arith.constant 0 : i32
    %dma_start3A_416 = tpu.memref_slice %arg12[%dma_start3A_413, %dma_start3A_414, %dma_start3A_415] : memref<2x16x2048xf32, #tpu.memory_space<vmem>> -> memref<1x16x2048xf32, #tpu.memory_space<vmem>>
    %dma_start3A_417 = tpu.memref_squeeze %dma_start3A_416 : memref<1x16x2048xf32, #tpu.memory_space<vmem>> -> memref<16x2048xf32, #tpu.memory_space<vmem>>
    %dma_start3A_418 = arith.constant 0 : i32
    %dma_start3A_419 = tpu.memref_slice %arg11[%dma_start3A_412, %dma_start3A_418] : memref<24x16xi32, #tpu.memory_space<vmem>> -> memref<1x16xi32, #tpu.memory_space<vmem>>
    %dma_start3A_420 = tpu.memref_squeeze %dma_start3A_419 : memref<1x16xi32, #tpu.memory_space<vmem>> -> memref<16xi32, #tpu.memory_space<vmem>>
    %dma_start3A_421 = tpu.memref_reshape %arg6 : memref<8x2048x2048xf32, #tpu.memory_space<hbm>> -> memref<16384x2048xf32, #tpu.memory_space<hbm>>
    %dma_start3A_422 = arith.constant 0 : i32
    %dma_start3A_423 = arith.constant 0 : i32
    %dma_start3A_424 = tpu.memref_slice %dma_start3A_421[%dma_start3A_422, %dma_start3A_423] : memref<16384x2048xf32, #tpu.memory_space<hbm>> -> memref<16384x2048xf32, #tpu.memory_space<hbm>>
    tpu.enqueue_indirect_dma source(%dma_start3A_424 : memref<16384x2048xf32, #tpu.memory_space<hbm>>) target(%dma_start3A_417 : memref<16x2048xf32, #tpu.memory_space<vmem>>) offsets(%dma_start3A_420 : memref<16xi32, #tpu.memory_space<vmem>>) semaphore(%arg18 : memref<!tpu.dma_semaphore, #tpu.memory_space<semaphore_mem>>)
    %dma_wait3A_425 = arith.constant 6 : i32
    %dma_wait3A_426 = arith.constant 0 : i32
    %dma_wait3A_427 = arith.constant 0 : i32
    %dma_wait3A_428 = arith.constant 0 : i32
    %dma_wait3A_429 = tpu.memref_slice %arg12[%dma_wait3A_426, %dma_wait3A_427, %dma_wait3A_428] : memref<2x16x2048xf32, #tpu.memory_space<vmem>> -> memref<1x16x2048xf32, #tpu.memory_space<vmem>>
    %dma_wait3A_430 = tpu.memref_squeeze %dma_wait3A_429 : memref<1x16x2048xf32, #tpu.memory_space<vmem>> -> memref<16x2048xf32, #tpu.memory_space<vmem>>
    %dma_wait3A_431 = arith.constant 0 : i32
    %dma_wait3A_432 = tpu.memref_slice %arg11[%dma_wait3A_425, %dma_wait3A_431] : memref<24x16xi32, #tpu.memory_space<vmem>> -> memref<1x16xi32, #tpu.memory_space<vmem>>
    %dma_wait3A_433 = tpu.memref_squeeze %dma_wait3A_432 : memref<1x16xi32, #tpu.memory_space<vmem>> -> memref<16xi32, #tpu.memory_space<vmem>>
    %dma_wait3A_434 = tpu.memref_reshape %arg6 : memref<8x2048x2048xf32, #tpu.memory_space<hbm>> -> memref<16384x2048xf32, #tpu.memory_space<hbm>>
    %dma_wait3A_435 = arith.constant 0 : i32
    %dma_wait3A_436 = arith.constant 0 : i32
    %dma_wait3A_437 = tpu.memref_slice %dma_wait3A_434[%dma_wait3A_435, %dma_wait3A_436] : memref<16384x2048xf32, #tpu.memory_space<hbm>> -> memref<16384x2048xf32, #tpu.memory_space<hbm>>
    tpu.wait_indirect_dma semaphore(%arg17 : memref<!tpu.dma_semaphore, #tpu.memory_space<semaphore_mem>>) src(%dma_wait3A_437 : memref<16384x2048xf32, #tpu.memory_space<hbm>>) dst(%dma_wait3A_430 : memref<16x2048xf32, #tpu.memory_space<vmem>>)
    %iota3A_438 = tpu.iota {dimensions = array<i32: 0>} : vector<16xi32>
    %add3A_439 = arith.constant 0 : i32
    %add3A_440 = vector.broadcast %add3A_439 : i32 to vector<16xi32>
    %add3A_441 = arith.addi %iota3A_438, %add3A_440 : vector<16xi32>
    %get3A_442 = arith.constant 96 : index
    %get3A_443 = tpu.vector_load %arg9[%get3A_442] {strides = array<i32>} : memref<384xi32, #tpu.memory_space<vmem>>, vector<16xi32>,
    %get3A_444 = arith.constant 96 : index
    %get3A_445 = tpu.vector_load %arg10[%get3A_444] {strides = array<i32>} : memref<384xf32, #tpu.memory_space<vmem>>, vector<16xf32>,
    %gather3A_446 = arith.constant 0 : i32
    %gather3A_447 = arith.constant 0 : i32
    %gather3A_448 = arith.constant 0 : i32
    %gather3A_449 = tpu.memref_slice %arg12[%gather3A_446, %gather3A_447, %gather3A_448] : memref<2x16x2048xf32, #tpu.memory_space<vmem>> -> memref<1x16x2048xf32, #tpu.memory_space<vmem>>
    %gather3A_450 = tpu.memref_squeeze %gather3A_449 : memref<1x16x2048xf32, #tpu.memory_space<vmem>> -> memref<16x2048xf32, #tpu.memory_space<vmem>>
    %gather3A_451 = tpu.vector_load_idx %gather3A_450[%add3A_441, %get3A_443] : memref<16x2048xf32, #tpu.memory_space<vmem>>[vector<16xi32>, vector<16xi32>], vector<16xf32>,
    %mul3A_452 = arith.mulf %get3A_445, %gather3A_451 : vector<16xf32>
    %swap3A_453 = arith.constant 96 : index
    %swap3A_454 = tpu.vector_load %arg15[%swap3A_453] {strides = array<i32>} : memref<384xf32, #tpu.memory_space<vmem>>, vector<16xf32>,
    tpu.vector_store %arg15[%swap3A_453], %mul3A_452 {strides = array<i32>} : memref<384xf32, #tpu.memory_space<vmem>>, vector<16xf32>,
    %dma_start3A_455 = arith.constant 8 : i32
    %dma_start3A_456 = arith.constant 0 : i32
    %dma_start3A_457 = arith.constant 0 : i32
    %dma_start3A_458 = arith.constant 0 : i32
    %dma_start3A_459 = tpu.memref_slice %arg12[%dma_start3A_456, %dma_start3A_457, %dma_start3A_458] : memref<2x16x2048xf32, #tpu.memory_space<vmem>> -> memref<1x16x2048xf32, #tpu.memory_space<vmem>>
    %dma_start3A_460 = tpu.memref_squeeze %dma_start3A_459 : memref<1x16x2048xf32, #tpu.memory_space<vmem>> -> memref<16x2048xf32, #tpu.memory_space<vmem>>
    %dma_start3A_461 = arith.constant 0 : i32
    %dma_start3A_462 = tpu.memref_slice %arg11[%dma_start3A_455, %dma_start3A_461] : memref<24x16xi32, #tpu.memory_space<vmem>> -> memref<1x16xi32, #tpu.memory_space<vmem>>
    %dma_start3A_463 = tpu.memref_squeeze %dma_start3A_462 : memref<1x16xi32, #tpu.memory_space<vmem>> -> memref<16xi32, #tpu.memory_space<vmem>>
    %dma_start3A_464 = tpu.memref_reshape %arg6 : memref<8x2048x2048xf32, #tpu.memory_space<hbm>> -> memref<16384x2048xf32, #tpu.memory_space<hbm>>
    %dma_start3A_465 = arith.constant 0 : i32
    %dma_start3A_466 = arith.constant 0 : i32
    %dma_start3A_467 = tpu.memref_slice %dma_start3A_464[%dma_start3A_465, %dma_start3A_466] : memref<16384x2048xf32, #tpu.memory_space<hbm>> -> memref<16384x2048xf32, #tpu.memory_space<hbm>>
    tpu.enqueue_indirect_dma source(%dma_start3A_467 : memref<16384x2048xf32, #tpu.memory_space<hbm>>) target(%dma_start3A_460 : memref<16x2048xf32, #tpu.memory_space<vmem>>) offsets(%dma_start3A_463 : memref<16xi32, #tpu.memory_space<vmem>>) semaphore(%arg17 : memref<!tpu.dma_semaphore, #tpu.memory_space<semaphore_mem>>)
    %dma_wait3A_468 = arith.constant 7 : i32
    %dma_wait3A_469 = arith.constant 1 : i32
    %dma_wait3A_470 = arith.constant 0 : i32
    %dma_wait3A_471 = arith.constant 0 : i32
    %dma_wait3A_472 = tpu.memref_slice %arg12[%dma_wait3A_469, %dma_wait3A_470, %dma_wait3A_471] : memref<2x16x2048xf32, #tpu.memory_space<vmem>> -> memref<1x16x2048xf32, #tpu.memory_space<vmem>>
    %dma_wait3A_473 = tpu.memref_squeeze %dma_wait3A_472 : memref<1x16x2048xf32, #tpu.memory_space<vmem>> -> memref<16x2048xf32, #tpu.memory_space<vmem>>
    %dma_wait3A_474 = arith.constant 0 : i32
    %dma_wait3A_475 = tpu.memref_slice %arg11[%dma_wait3A_468, %dma_wait3A_474] : memref<24x16xi32, #tpu.memory_space<vmem>> -> memref<1x16xi32, #tpu.memory_space<vmem>>
    %dma_wait3A_476 = tpu.memref_squeeze %dma_wait3A_475 : memref<1x16xi32, #tpu.memory_space<vmem>> -> memref<16xi32, #tpu.memory_space<vmem>>
    %dma_wait3A_477 = tpu.memref_reshape %arg6 : memref<8x2048x2048xf32, #tpu.memory_space<hbm>> -> memref<16384x2048xf32, #tpu.memory_space<hbm>>
    %dma_wait3A_478 = arith.constant 0 : i32
    %dma_wait3A_479 = arith.constant 0 : i32
    %dma_wait3A_480 = tpu.memref_slice %dma_wait3A_477[%dma_wait3A_478, %dma_wait3A_479] : memref<16384x2048xf32, #tpu.memory_space<hbm>> -> memref<16384x2048xf32, #tpu.memory_space<hbm>>
    tpu.wait_indirect_dma semaphore(%arg18 : memref<!tpu.dma_semaphore, #tpu.memory_space<semaphore_mem>>) src(%dma_wait3A_480 : memref<16384x2048xf32, #tpu.memory_space<hbm>>) dst(%dma_wait3A_473 : memref<16x2048xf32, #tpu.memory_space<vmem>>)
    %iota3A_481 = tpu.iota {dimensions = array<i32: 0>} : vector<16xi32>
    %add3A_482 = arith.constant 0 : i32
    %add3A_483 = vector.broadcast %add3A_482 : i32 to vector<16xi32>
    %add3A_484 = arith.addi %iota3A_481, %add3A_483 : vector<16xi32>
    %get3A_485 = arith.constant 112 : index
    %get3A_486 = tpu.vector_load %arg9[%get3A_485] {strides = array<i32>} : memref<384xi32, #tpu.memory_space<vmem>>, vector<16xi32>,
    %get3A_487 = arith.constant 112 : index
    %get3A_488 = tpu.vector_load %arg10[%get3A_487] {strides = array<i32>} : memref<384xf32, #tpu.memory_space<vmem>>, vector<16xf32>,
    %gather3A_489 = arith.constant 1 : i32
    %gather3A_490 = arith.constant 0 : i32
    %gather3A_491 = arith.constant 0 : i32
    %gather3A_492 = tpu.memref_slice %arg12[%gather3A_489, %gather3A_490, %gather3A_491] : memref<2x16x2048xf32, #tpu.memory_space<vmem>> -> memref<1x16x2048xf32, #tpu.memory_space<vmem>>
    %gather3A_493 = tpu.memref_squeeze %gather3A_492 : memref<1x16x2048xf32, #tpu.memory_space<vmem>> -> memref<16x2048xf32, #tpu.memory_space<vmem>>
    %gather3A_494 = tpu.vector_load_idx %gather3A_493[%add3A_484, %get3A_486] : memref<16x2048xf32, #tpu.memory_space<vmem>>[vector<16xi32>, vector<16xi32>], vector<16xf32>,
    %mul3A_495 = arith.mulf %get3A_488, %gather3A_494 : vector<16xf32>
    %swap3A_496 = arith.constant 112 : index
    %swap3A_497 = tpu.vector_load %arg15[%swap3A_496] {strides = array<i32>} : memref<384xf32, #tpu.memory_space<vmem>>, vector<16xf32>,
    tpu.vector_store %arg15[%swap3A_496], %mul3A_495 {strides = array<i32>} : memref<384xf32, #tpu.memory_space<vmem>>, vector<16xf32>,
    %dma_start3A_498 = arith.constant 9 : i32
    %dma_start3A_499 = arith.constant 1 : i32
    %dma_start3A_500 = arith.constant 0 : i32
    %dma_start3A_501 = arith.constant 0 : i32
    %dma_start3A_502 = tpu.memref_slice %arg12[%dma_start3A_499, %dma_start3A_500, %dma_start3A_501] : memref<2x16x2048xf32, #tpu.memory_space<vmem>> -> memref<1x16x2048xf32, #tpu.memory_space<vmem>>
    %dma_start3A_503 = tpu.memref_squeeze %dma_start3A_502 : memref<1x16x2048xf32, #tpu.memory_space<vmem>> -> memref<16x2048xf32, #tpu.memory_space<vmem>>
    %dma_start3A_504 = arith.constant 0 : i32
    %dma_start3A_505 = tpu.memref_slice %arg11[%dma_start3A_498, %dma_start3A_504] : memref<24x16xi32, #tpu.memory_space<vmem>> -> memref<1x16xi32, #tpu.memory_space<vmem>>
    %dma_start3A_506 = tpu.memref_squeeze %dma_start3A_505 : memref<1x16xi32, #tpu.memory_space<vmem>> -> memref<16xi32, #tpu.memory_space<vmem>>
    %dma_start3A_507 = tpu.memref_reshape %arg6 : memref<8x2048x2048xf32, #tpu.memory_space<hbm>> -> memref<16384x2048xf32, #tpu.memory_space<hbm>>
    %dma_start3A_508 = arith.constant 0 : i32
    %dma_start3A_509 = arith.constant 0 : i32
    %dma_start3A_510 = tpu.memref_slice %dma_start3A_507[%dma_start3A_508, %dma_start3A_509] : memref<16384x2048xf32, #tpu.memory_space<hbm>> -> memref<16384x2048xf32, #tpu.memory_space<hbm>>
    tpu.enqueue_indirect_dma source(%dma_start3A_510 : memref<16384x2048xf32, #tpu.memory_space<hbm>>) target(%dma_start3A_503 : memref<16x2048xf32, #tpu.memory_space<vmem>>) offsets(%dma_start3A_506 : memref<16xi32, #tpu.memory_space<vmem>>) semaphore(%arg18 : memref<!tpu.dma_semaphore, #tpu.memory_space<semaphore_mem>>)
    %dma_wait3A_511 = arith.constant 8 : i32
    %dma_wait3A_512 = arith.constant 0 : i32
    %dma_wait3A_513 = arith.constant 0 : i32
    %dma_wait3A_514 = arith.constant 0 : i32
    %dma_wait3A_515 = tpu.memref_slice %arg12[%dma_wait3A_512, %dma_wait3A_513, %dma_wait3A_514] : memref<2x16x2048xf32, #tpu.memory_space<vmem>> -> memref<1x16x2048xf32, #tpu.memory_space<vmem>>
    %dma_wait3A_516 = tpu.memref_squeeze %dma_wait3A_515 : memref<1x16x2048xf32, #tpu.memory_space<vmem>> -> memref<16x2048xf32, #tpu.memory_space<vmem>>
    %dma_wait3A_517 = arith.constant 0 : i32
    %dma_wait3A_518 = tpu.memref_slice %arg11[%dma_wait3A_511, %dma_wait3A_517] : memref<24x16xi32, #tpu.memory_space<vmem>> -> memref<1x16xi32, #tpu.memory_space<vmem>>
    %dma_wait3A_519 = tpu.memref_squeeze %dma_wait3A_518 : memref<1x16xi32, #tpu.memory_space<vmem>> -> memref<16xi32, #tpu.memory_space<vmem>>
    %dma_wait3A_520 = tpu.memref_reshape %arg6 : memref<8x2048x2048xf32, #tpu.memory_space<hbm>> -> memref<16384x2048xf32, #tpu.memory_space<hbm>>
    %dma_wait3A_521 = arith.constant 0 : i32
    %dma_wait3A_522 = arith.constant 0 : i32
    %dma_wait3A_523 = tpu.memref_slice %dma_wait3A_520[%dma_wait3A_521, %dma_wait3A_522] : memref<16384x2048xf32, #tpu.memory_space<hbm>> -> memref<16384x2048xf32, #tpu.memory_space<hbm>>
    tpu.wait_indirect_dma semaphore(%arg17 : memref<!tpu.dma_semaphore, #tpu.memory_space<semaphore_mem>>) src(%dma_wait3A_523 : memref<16384x2048xf32, #tpu.memory_space<hbm>>) dst(%dma_wait3A_516 : memref<16x2048xf32, #tpu.memory_space<vmem>>)
    %iota3A_524 = tpu.iota {dimensions = array<i32: 0>} : vector<16xi32>
    %add3A_525 = arith.constant 0 : i32
    %add3A_526 = vector.broadcast %add3A_525 : i32 to vector<16xi32>
    %add3A_527 = arith.addi %iota3A_524, %add3A_526 : vector<16xi32>
    %get3A_528 = arith.constant 128 : index
    %get3A_529 = tpu.vector_load %arg9[%get3A_528] {strides = array<i32>} : memref<384xi32, #tpu.memory_space<vmem>>, vector<16xi32>,
    %get3A_530 = arith.constant 128 : index
    %get3A_531 = tpu.vector_load %arg10[%get3A_530] {strides = array<i32>} : memref<384xf32, #tpu.memory_space<vmem>>, vector<16xf32>,
    %gather3A_532 = arith.constant 0 : i32
    %gather3A_533 = arith.constant 0 : i32
    %gather3A_534 = arith.constant 0 : i32
    %gather3A_535 = tpu.memref_slice %arg12[%gather3A_532, %gather3A_533, %gather3A_534] : memref<2x16x2048xf32, #tpu.memory_space<vmem>> -> memref<1x16x2048xf32, #tpu.memory_space<vmem>>
    %gather3A_536 = tpu.memref_squeeze %gather3A_535 : memref<1x16x2048xf32, #tpu.memory_space<vmem>> -> memref<16x2048xf32, #tpu.memory_space<vmem>>
    %gather3A_537 = tpu.vector_load_idx %gather3A_536[%add3A_527, %get3A_529] : memref<16x2048xf32, #tpu.memory_space<vmem>>[vector<16xi32>, vector<16xi32>], vector<16xf32>,
    %mul3A_538 = arith.mulf %get3A_531, %gather3A_537 : vector<16xf32>
    %swap3A_539 = arith.constant 128 : index
    %swap3A_540 = tpu.vector_load %arg15[%swap3A_539] {strides = array<i32>} : memref<384xf32, #tpu.memory_space<vmem>>, vector<16xf32>,
    tpu.vector_store %arg15[%swap3A_539], %mul3A_538 {strides = array<i32>} : memref<384xf32, #tpu.memory_space<vmem>>, vector<16xf32>,
    %dma_start3A_541 = arith.constant 10 : i32
    %dma_start3A_542 = arith.constant 0 : i32
    %dma_start3A_543 = arith.constant 0 : i32
    %dma_start3A_544 = arith.constant 0 : i32
    %dma_start3A_545 = tpu.memref_slice %arg12[%dma_start3A_542, %dma_start3A_543, %dma_start3A_544] : memref<2x16x2048xf32, #tpu.memory_space<vmem>> -> memref<1x16x2048xf32, #tpu.memory_space<vmem>>
    %dma_start3A_546 = tpu.memref_squeeze %dma_start3A_545 : memref<1x16x2048xf32, #tpu.memory_space<vmem>> -> memref<16x2048xf32, #tpu.memory_space<vmem>>
    %dma_start3A_547 = arith.constant 0 : i32
    %dma_start3A_548 = tpu.memref_slice %arg11[%dma_start3A_541, %dma_start3A_547] : memref<24x16xi32, #tpu.memory_space<vmem>> -> memref<1x16xi32, #tpu.memory_space<vmem>>
    %dma_start3A_549 = tpu.memref_squeeze %dma_start3A_548 : memref<1x16xi32, #tpu.memory_space<vmem>> -> memref<16xi32, #tpu.memory_space<vmem>>
    %dma_start3A_550 = tpu.memref_reshape %arg6 : memref<8x2048x2048xf32, #tpu.memory_space<hbm>> -> memref<16384x2048xf32, #tpu.memory_space<hbm>>
    %dma_start3A_551 = arith.constant 0 : i32
    %dma_start3A_552 = arith.constant 0 : i32
    %dma_start3A_553 = tpu.memref_slice %dma_start3A_550[%dma_start3A_551, %dma_start3A_552] : memref<16384x2048xf32, #tpu.memory_space<hbm>> -> memref<16384x2048xf32, #tpu.memory_space<hbm>>
    tpu.enqueue_indirect_dma source(%dma_start3A_553 : memref<16384x2048xf32, #tpu.memory_space<hbm>>) target(%dma_start3A_546 : memref<16x2048xf32, #tpu.memory_space<vmem>>) offsets(%dma_start3A_549 : memref<16xi32, #tpu.memory_space<vmem>>) semaphore(%arg17 : memref<!tpu.dma_semaphore, #tpu.memory_space<semaphore_mem>>)
    %dma_wait3A_554 = arith.constant 9 : i32
    %dma_wait3A_555 = arith.constant 1 : i32
    %dma_wait3A_556 = arith.constant 0 : i32
    %dma_wait3A_557 = arith.constant 0 : i32
    %dma_wait3A_558 = tpu.memref_slice %arg12[%dma_wait3A_555, %dma_wait3A_556, %dma_wait3A_557] : memref<2x16x2048xf32, #tpu.memory_space<vmem>> -> memref<1x16x2048xf32, #tpu.memory_space<vmem>>
    %dma_wait3A_559 = tpu.memref_squeeze %dma_wait3A_558 : memref<1x16x2048xf32, #tpu.memory_space<vmem>> -> memref<16x2048xf32, #tpu.memory_space<vmem>>
    %dma_wait3A_560 = arith.constant 0 : i32
    %dma_wait3A_561 = tpu.memref_slice %arg11[%dma_wait3A_554, %dma_wait3A_560] : memref<24x16xi32, #tpu.memory_space<vmem>> -> memref<1x16xi32, #tpu.memory_space<vmem>>
    %dma_wait3A_562 = tpu.memref_squeeze %dma_wait3A_561 : memref<1x16xi32, #tpu.memory_space<vmem>> -> memref<16xi32, #tpu.memory_space<vmem>>
    %dma_wait3A_563 = tpu.memref_reshape %arg6 : memref<8x2048x2048xf32, #tpu.memory_space<hbm>> -> memref<16384x2048xf32, #tpu.memory_space<hbm>>
    %dma_wait3A_564 = arith.constant 0 : i32
    %dma_wait3A_565 = arith.constant 0 : i32
    %dma_wait3A_566 = tpu.memref_slice %dma_wait3A_563[%dma_wait3A_564, %dma_wait3A_565] : memref<16384x2048xf32, #tpu.memory_space<hbm>> -> memref<16384x2048xf32, #tpu.memory_space<hbm>>
    tpu.wait_indirect_dma semaphore(%arg18 : memref<!tpu.dma_semaphore, #tpu.memory_space<semaphore_mem>>) src(%dma_wait3A_566 : memref<16384x2048xf32, #tpu.memory_space<hbm>>) dst(%dma_wait3A_559 : memref<16x2048xf32, #tpu.memory_space<vmem>>)
    %iota3A_567 = tpu.iota {dimensions = array<i32: 0>} : vector<16xi32>
    %add3A_568 = arith.constant 0 : i32
    %add3A_569 = vector.broadcast %add3A_568 : i32 to vector<16xi32>
    %add3A_570 = arith.addi %iota3A_567, %add3A_569 : vector<16xi32>
    %get3A_571 = arith.constant 144 : index
    %get3A_572 = tpu.vector_load %arg9[%get3A_571] {strides = array<i32>} : memref<384xi32, #tpu.memory_space<vmem>>, vector<16xi32>,
    %get3A_573 = arith.constant 144 : index
    %get3A_574 = tpu.vector_load %arg10[%get3A_573] {strides = array<i32>} : memref<384xf32, #tpu.memory_space<vmem>>, vector<16xf32>,
    %gather3A_575 = arith.constant 1 : i32
    %gather3A_576 = arith.constant 0 : i32
    %gather3A_577 = arith.constant 0 : i32
    %gather3A_578 = tpu.memref_slice %arg12[%gather3A_575, %gather3A_576, %gather3A_577] : memref<2x16x2048xf32, #tpu.memory_space<vmem>> -> memref<1x16x2048xf32, #tpu.memory_space<vmem>>
    %gather3A_579 = tpu.memref_squeeze %gather3A_578 : memref<1x16x2048xf32, #tpu.memory_space<vmem>> -> memref<16x2048xf32, #tpu.memory_space<vmem>>
    %gather3A_580 = tpu.vector_load_idx %gather3A_579[%add3A_570, %get3A_572] : memref<16x2048xf32, #tpu.memory_space<vmem>>[vector<16xi32>, vector<16xi32>], vector<16xf32>,
    %mul3A_581 = arith.mulf %get3A_574, %gather3A_580 : vector<16xf32>
    %swap3A_582 = arith.constant 144 : index
    %swap3A_583 = tpu.vector_load %arg15[%swap3A_582] {strides = array<i32>} : memref<384xf32, #tpu.memory_space<vmem>>, vector<16xf32>,
    tpu.vector_store %arg15[%swap3A_582], %mul3A_581 {strides = array<i32>} : memref<384xf32, #tpu.memory_space<vmem>>, vector<16xf32>,
    %dma_start3A_584 = arith.constant 11 : i32
    %dma_start3A_585 = arith.constant 1 : i32
    %dma_start3A_586 = arith.constant 0 : i32
    %dma_start3A_587 = arith.constant 0 : i32
    %dma_start3A_588 = tpu.memref_slice %arg12[%dma_start3A_585, %dma_start3A_586, %dma_start3A_587] : memref<2x16x2048xf32, #tpu.memory_space<vmem>> -> memref<1x16x2048xf32, #tpu.memory_space<vmem>>
    %dma_start3A_589 = tpu.memref_squeeze %dma_start3A_588 : memref<1x16x2048xf32, #tpu.memory_space<vmem>> -> memref<16x2048xf32, #tpu.memory_space<vmem>>
    %dma_start3A_590 = arith.constant 0 : i32
    %dma_start3A_591 = tpu.memref_slice %arg11[%dma_start3A_584, %dma_start3A_590] : memref<24x16xi32, #tpu.memory_space<vmem>> -> memref<1x16xi32, #tpu.memory_space<vmem>>
    %dma_start3A_592 = tpu.memref_squeeze %dma_start3A_591 : memref<1x16xi32, #tpu.memory_space<vmem>> -> memref<16xi32, #tpu.memory_space<vmem>>
    %dma_start3A_593 = tpu.memref_reshape %arg6 : memref<8x2048x2048xf32, #tpu.memory_space<hbm>> -> memref<16384x2048xf32, #tpu.memory_space<hbm>>
    %dma_start3A_594 = arith.constant 0 : i32
    %dma_start3A_595 = arith.constant 0 : i32
    %dma_start3A_596 = tpu.memref_slice %dma_start3A_593[%dma_start3A_594, %dma_start3A_595] : memref<16384x2048xf32, #tpu.memory_space<hbm>> -> memref<16384x2048xf32, #tpu.memory_space<hbm>>
    tpu.enqueue_indirect_dma source(%dma_start3A_596 : memref<16384x2048xf32, #tpu.memory_space<hbm>>) target(%dma_start3A_589 : memref<16x2048xf32, #tpu.memory_space<vmem>>) offsets(%dma_start3A_592 : memref<16xi32, #tpu.memory_space<vmem>>) semaphore(%arg18 : memref<!tpu.dma_semaphore, #tpu.memory_space<semaphore_mem>>)
    %dma_wait3A_597 = arith.constant 10 : i32
    %dma_wait3A_598 = arith.constant 0 : i32
    %dma_wait3A_599 = arith.constant 0 : i32
    %dma_wait3A_600 = arith.constant 0 : i32
    %dma_wait3A_601 = tpu.memref_slice %arg12[%dma_wait3A_598, %dma_wait3A_599, %dma_wait3A_600] : memref<2x16x2048xf32, #tpu.memory_space<vmem>> -> memref<1x16x2048xf32, #tpu.memory_space<vmem>>
    %dma_wait3A_602 = tpu.memref_squeeze %dma_wait3A_601 : memref<1x16x2048xf32, #tpu.memory_space<vmem>> -> memref<16x2048xf32, #tpu.memory_space<vmem>>
    %dma_wait3A_603 = arith.constant 0 : i32
    %dma_wait3A_604 = tpu.memref_slice %arg11[%dma_wait3A_597, %dma_wait3A_603] : memref<24x16xi32, #tpu.memory_space<vmem>> -> memref<1x16xi32, #tpu.memory_space<vmem>>
    %dma_wait3A_605 = tpu.memref_squeeze %dma_wait3A_604 : memref<1x16xi32, #tpu.memory_space<vmem>> -> memref<16xi32, #tpu.memory_space<vmem>>
    %dma_wait3A_606 = tpu.memref_reshape %arg6 : memref<8x2048x2048xf32, #tpu.memory_space<hbm>> -> memref<16384x2048xf32, #tpu.memory_space<hbm>>
    %dma_wait3A_607 = arith.constant 0 : i32
    %dma_wait3A_608 = arith.constant 0 : i32
    %dma_wait3A_609 = tpu.memref_slice %dma_wait3A_606[%dma_wait3A_607, %dma_wait3A_608] : memref<16384x2048xf32, #tpu.memory_space<hbm>> -> memref<16384x2048xf32, #tpu.memory_space<hbm>>
    tpu.wait_indirect_dma semaphore(%arg17 : memref<!tpu.dma_semaphore, #tpu.memory_space<semaphore_mem>>) src(%dma_wait3A_609 : memref<16384x2048xf32, #tpu.memory_space<hbm>>) dst(%dma_wait3A_602 : memref<16x2048xf32, #tpu.memory_space<vmem>>)
    %iota3A_610 = tpu.iota {dimensions = array<i32: 0>} : vector<16xi32>
    %add3A_611 = arith.constant 0 : i32
    %add3A_612 = vector.broadcast %add3A_611 : i32 to vector<16xi32>
    %add3A_613 = arith.addi %iota3A_610, %add3A_612 : vector<16xi32>
    %get3A_614 = arith.constant 160 : index
    %get3A_615 = tpu.vector_load %arg9[%get3A_614] {strides = array<i32>} : memref<384xi32, #tpu.memory_space<vmem>>, vector<16xi32>,
    %get3A_616 = arith.constant 160 : index
    %get3A_617 = tpu.vector_load %arg10[%get3A_616] {strides = array<i32>} : memref<384xf32, #tpu.memory_space<vmem>>, vector<16xf32>,
    %gather3A_618 = arith.constant 0 : i32
    %gather3A_619 = arith.constant 0 : i32
    %gather3A_620 = arith.constant 0 : i32
    %gather3A_621 = tpu.memref_slice %arg12[%gather3A_618, %gather3A_619, %gather3A_620] : memref<2x16x2048xf32, #tpu.memory_space<vmem>> -> memref<1x16x2048xf32, #tpu.memory_space<vmem>>
    %gather3A_622 = tpu.memref_squeeze %gather3A_621 : memref<1x16x2048xf32, #tpu.memory_space<vmem>> -> memref<16x2048xf32, #tpu.memory_space<vmem>>
    %gather3A_623 = tpu.vector_load_idx %gather3A_622[%add3A_613, %get3A_615] : memref<16x2048xf32, #tpu.memory_space<vmem>>[vector<16xi32>, vector<16xi32>], vector<16xf32>,
    %mul3A_624 = arith.mulf %get3A_617, %gather3A_623 : vector<16xf32>
    %swap3A_625 = arith.constant 160 : index
    %swap3A_626 = tpu.vector_load %arg15[%swap3A_625] {strides = array<i32>} : memref<384xf32, #tpu.memory_space<vmem>>, vector<16xf32>,
    tpu.vector_store %arg15[%swap3A_625], %mul3A_624 {strides = array<i32>} : memref<384xf32, #tpu.memory_space<vmem>>, vector<16xf32>,
    %dma_start3A_627 = arith.constant 12 : i32
    %dma_start3A_628 = arith.constant 0 : i32
    %dma_start3A_629 = arith.constant 0 : i32
    %dma_start3A_630 = arith.constant 0 : i32
    %dma_start3A_631 = tpu.memref_slice %arg12[%dma_start3A_628, %dma_start3A_629, %dma_start3A_630] : memref<2x16x2048xf32, #tpu.memory_space<vmem>> -> memref<1x16x2048xf32, #tpu.memory_space<vmem>>
    %dma_start3A_632 = tpu.memref_squeeze %dma_start3A_631 : memref<1x16x2048xf32, #tpu.memory_space<vmem>> -> memref<16x2048xf32, #tpu.memory_space<vmem>>
    %dma_start3A_633 = arith.constant 0 : i32
    %dma_start3A_634 = tpu.memref_slice %arg11[%dma_start3A_627, %dma_start3A_633] : memref<24x16xi32, #tpu.memory_space<vmem>> -> memref<1x16xi32, #tpu.memory_space<vmem>>
    %dma_start3A_635 = tpu.memref_squeeze %dma_start3A_634 : memref<1x16xi32, #tpu.memory_space<vmem>> -> memref<16xi32, #tpu.memory_space<vmem>>
    %dma_start3A_636 = tpu.memref_reshape %arg6 : memref<8x2048x2048xf32, #tpu.memory_space<hbm>> -> memref<16384x2048xf32, #tpu.memory_space<hbm>>
    %dma_start3A_637 = arith.constant 0 : i32
    %dma_start3A_638 = arith.constant 0 : i32
    %dma_start3A_639 = tpu.memref_slice %dma_start3A_636[%dma_start3A_637, %dma_start3A_638] : memref<16384x2048xf32, #tpu.memory_space<hbm>> -> memref<16384x2048xf32, #tpu.memory_space<hbm>>
    tpu.enqueue_indirect_dma source(%dma_start3A_639 : memref<16384x2048xf32, #tpu.memory_space<hbm>>) target(%dma_start3A_632 : memref<16x2048xf32, #tpu.memory_space<vmem>>) offsets(%dma_start3A_635 : memref<16xi32, #tpu.memory_space<vmem>>) semaphore(%arg17 : memref<!tpu.dma_semaphore, #tpu.memory_space<semaphore_mem>>)
    %dma_wait3A_640 = arith.constant 11 : i32
    %dma_wait3A_641 = arith.constant 1 : i32
    %dma_wait3A_642 = arith.constant 0 : i32
    %dma_wait3A_643 = arith.constant 0 : i32
    %dma_wait3A_644 = tpu.memref_slice %arg12[%dma_wait3A_641, %dma_wait3A_642, %dma_wait3A_643] : memref<2x16x2048xf32, #tpu.memory_space<vmem>> -> memref<1x16x2048xf32, #tpu.memory_space<vmem>>
    %dma_wait3A_645 = tpu.memref_squeeze %dma_wait3A_644 : memref<1x16x2048xf32, #tpu.memory_space<vmem>> -> memref<16x2048xf32, #tpu.memory_space<vmem>>
    %dma_wait3A_646 = arith.constant 0 : i32
    %dma_wait3A_647 = tpu.memref_slice %arg11[%dma_wait3A_640, %dma_wait3A_646] : memref<24x16xi32, #tpu.memory_space<vmem>> -> memref<1x16xi32, #tpu.memory_space<vmem>>
    %dma_wait3A_648 = tpu.memref_squeeze %dma_wait3A_647 : memref<1x16xi32, #tpu.memory_space<vmem>> -> memref<16xi32, #tpu.memory_space<vmem>>
    %dma_wait3A_649 = tpu.memref_reshape %arg6 : memref<8x2048x2048xf32, #tpu.memory_space<hbm>> -> memref<16384x2048xf32, #tpu.memory_space<hbm>>
    %dma_wait3A_650 = arith.constant 0 : i32
    %dma_wait3A_651 = arith.constant 0 : i32
    %dma_wait3A_652 = tpu.memref_slice %dma_wait3A_649[%dma_wait3A_650, %dma_wait3A_651] : memref<16384x2048xf32, #tpu.memory_space<hbm>> -> memref<16384x2048xf32, #tpu.memory_space<hbm>>
    tpu.wait_indirect_dma semaphore(%arg18 : memref<!tpu.dma_semaphore, #tpu.memory_space<semaphore_mem>>) src(%dma_wait3A_652 : memref<16384x2048xf32, #tpu.memory_space<hbm>>) dst(%dma_wait3A_645 : memref<16x2048xf32, #tpu.memory_space<vmem>>)
    %iota3A_653 = tpu.iota {dimensions = array<i32: 0>} : vector<16xi32>
    %add3A_654 = arith.constant 0 : i32
    %add3A_655 = vector.broadcast %add3A_654 : i32 to vector<16xi32>
    %add3A_656 = arith.addi %iota3A_653, %add3A_655 : vector<16xi32>
    %get3A_657 = arith.constant 176 : index
    %get3A_658 = tpu.vector_load %arg9[%get3A_657] {strides = array<i32>} : memref<384xi32, #tpu.memory_space<vmem>>, vector<16xi32>,
    %get3A_659 = arith.constant 176 : index
    %get3A_660 = tpu.vector_load %arg10[%get3A_659] {strides = array<i32>} : memref<384xf32, #tpu.memory_space<vmem>>, vector<16xf32>,
    %gather3A_661 = arith.constant 1 : i32
    %gather3A_662 = arith.constant 0 : i32
    %gather3A_663 = arith.constant 0 : i32
    %gather3A_664 = tpu.memref_slice %arg12[%gather3A_661, %gather3A_662, %gather3A_663] : memref<2x16x2048xf32, #tpu.memory_space<vmem>> -> memref<1x16x2048xf32, #tpu.memory_space<vmem>>
    %gather3A_665 = tpu.memref_squeeze %gather3A_664 : memref<1x16x2048xf32, #tpu.memory_space<vmem>> -> memref<16x2048xf32, #tpu.memory_space<vmem>>
    %gather3A_666 = tpu.vector_load_idx %gather3A_665[%add3A_656, %get3A_658] : memref<16x2048xf32, #tpu.memory_space<vmem>>[vector<16xi32>, vector<16xi32>], vector<16xf32>,
    %mul3A_667 = arith.mulf %get3A_660, %gather3A_666 : vector<16xf32>
    %swap3A_668 = arith.constant 176 : index
    %swap3A_669 = tpu.vector_load %arg15[%swap3A_668] {strides = array<i32>} : memref<384xf32, #tpu.memory_space<vmem>>, vector<16xf32>,
    tpu.vector_store %arg15[%swap3A_668], %mul3A_667 {strides = array<i32>} : memref<384xf32, #tpu.memory_space<vmem>>, vector<16xf32>,
    %dma_start3A_670 = arith.constant 13 : i32
    %dma_start3A_671 = arith.constant 1 : i32
    %dma_start3A_672 = arith.constant 0 : i32
    %dma_start3A_673 = arith.constant 0 : i32
    %dma_start3A_674 = tpu.memref_slice %arg12[%dma_start3A_671, %dma_start3A_672, %dma_start3A_673] : memref<2x16x2048xf32, #tpu.memory_space<vmem>> -> memref<1x16x2048xf32, #tpu.memory_space<vmem>>
    %dma_start3A_675 = tpu.memref_squeeze %dma_start3A_674 : memref<1x16x2048xf32, #tpu.memory_space<vmem>> -> memref<16x2048xf32, #tpu.memory_space<vmem>>
    %dma_start3A_676 = arith.constant 0 : i32
    %dma_start3A_677 = tpu.memref_slice %arg11[%dma_start3A_670, %dma_start3A_676] : memref<24x16xi32, #tpu.memory_space<vmem>> -> memref<1x16xi32, #tpu.memory_space<vmem>>
    %dma_start3A_678 = tpu.memref_squeeze %dma_start3A_677 : memref<1x16xi32, #tpu.memory_space<vmem>> -> memref<16xi32, #tpu.memory_space<vmem>>
    %dma_start3A_679 = tpu.memref_reshape %arg6 : memref<8x2048x2048xf32, #tpu.memory_space<hbm>> -> memref<16384x2048xf32, #tpu.memory_space<hbm>>
    %dma_start3A_680 = arith.constant 0 : i32
    %dma_start3A_681 = arith.constant 0 : i32
    %dma_start3A_682 = tpu.memref_slice %dma_start3A_679[%dma_start3A_680, %dma_start3A_681] : memref<16384x2048xf32, #tpu.memory_space<hbm>> -> memref<16384x2048xf32, #tpu.memory_space<hbm>>
    tpu.enqueue_indirect_dma source(%dma_start3A_682 : memref<16384x2048xf32, #tpu.memory_space<hbm>>) target(%dma_start3A_675 : memref<16x2048xf32, #tpu.memory_space<vmem>>) offsets(%dma_start3A_678 : memref<16xi32, #tpu.memory_space<vmem>>) semaphore(%arg18 : memref<!tpu.dma_semaphore, #tpu.memory_space<semaphore_mem>>)
    %dma_wait3A_683 = arith.constant 12 : i32
    %dma_wait3A_684 = arith.constant 0 : i32
    %dma_wait3A_685 = arith.constant 0 : i32
    %dma_wait3A_686 = arith.constant 0 : i32
    %dma_wait3A_687 = tpu.memref_slice %arg12[%dma_wait3A_684, %dma_wait3A_685, %dma_wait3A_686] : memref<2x16x2048xf32, #tpu.memory_space<vmem>> -> memref<1x16x2048xf32, #tpu.memory_space<vmem>>
    %dma_wait3A_688 = tpu.memref_squeeze %dma_wait3A_687 : memref<1x16x2048xf32, #tpu.memory_space<vmem>> -> memref<16x2048xf32, #tpu.memory_space<vmem>>
    %dma_wait3A_689 = arith.constant 0 : i32
    %dma_wait3A_690 = tpu.memref_slice %arg11[%dma_wait3A_683, %dma_wait3A_689] : memref<24x16xi32, #tpu.memory_space<vmem>> -> memref<1x16xi32, #tpu.memory_space<vmem>>
    %dma_wait3A_691 = tpu.memref_squeeze %dma_wait3A_690 : memref<1x16xi32, #tpu.memory_space<vmem>> -> memref<16xi32, #tpu.memory_space<vmem>>
    %dma_wait3A_692 = tpu.memref_reshape %arg6 : memref<8x2048x2048xf32, #tpu.memory_space<hbm>> -> memref<16384x2048xf32, #tpu.memory_space<hbm>>
    %dma_wait3A_693 = arith.constant 0 : i32
    %dma_wait3A_694 = arith.constant 0 : i32
    %dma_wait3A_695 = tpu.memref_slice %dma_wait3A_692[%dma_wait3A_693, %dma_wait3A_694] : memref<16384x2048xf32, #tpu.memory_space<hbm>> -> memref<16384x2048xf32, #tpu.memory_space<hbm>>
    tpu.wait_indirect_dma semaphore(%arg17 : memref<!tpu.dma_semaphore, #tpu.memory_space<semaphore_mem>>) src(%dma_wait3A_695 : memref<16384x2048xf32, #tpu.memory_space<hbm>>) dst(%dma_wait3A_688 : memref<16x2048xf32, #tpu.memory_space<vmem>>)
    %iota3A_696 = tpu.iota {dimensions = array<i32: 0>} : vector<16xi32>
    %add3A_697 = arith.constant 0 : i32
    %add3A_698 = vector.broadcast %add3A_697 : i32 to vector<16xi32>
    %add3A_699 = arith.addi %iota3A_696, %add3A_698 : vector<16xi32>
    %get3A_700 = arith.constant 192 : index
    %get3A_701 = tpu.vector_load %arg9[%get3A_700] {strides = array<i32>} : memref<384xi32, #tpu.memory_space<vmem>>, vector<16xi32>,
    %get3A_702 = arith.constant 192 : index
    %get3A_703 = tpu.vector_load %arg10[%get3A_702] {strides = array<i32>} : memref<384xf32, #tpu.memory_space<vmem>>, vector<16xf32>,
    %gather3A_704 = arith.constant 0 : i32
    %gather3A_705 = arith.constant 0 : i32
    %gather3A_706 = arith.constant 0 : i32
    %gather3A_707 = tpu.memref_slice %arg12[%gather3A_704, %gather3A_705, %gather3A_706] : memref<2x16x2048xf32, #tpu.memory_space<vmem>> -> memref<1x16x2048xf32, #tpu.memory_space<vmem>>
    %gather3A_708 = tpu.memref_squeeze %gather3A_707 : memref<1x16x2048xf32, #tpu.memory_space<vmem>> -> memref<16x2048xf32, #tpu.memory_space<vmem>>
    %gather3A_709 = tpu.vector_load_idx %gather3A_708[%add3A_699, %get3A_701] : memref<16x2048xf32, #tpu.memory_space<vmem>>[vector<16xi32>, vector<16xi32>], vector<16xf32>,
    %mul3A_710 = arith.mulf %get3A_703, %gather3A_709 : vector<16xf32>
    %swap3A_711 = arith.constant 192 : index
    %swap3A_712 = tpu.vector_load %arg15[%swap3A_711] {strides = array<i32>} : memref<384xf32, #tpu.memory_space<vmem>>, vector<16xf32>,
    tpu.vector_store %arg15[%swap3A_711], %mul3A_710 {strides = array<i32>} : memref<384xf32, #tpu.memory_space<vmem>>, vector<16xf32>,
    %dma_start3A_713 = arith.constant 14 : i32
    %dma_start3A_714 = arith.constant 0 : i32
    %dma_start3A_715 = arith.constant 0 : i32
    %dma_start3A_716 = arith.constant 0 : i32
    %dma_start3A_717 = tpu.memref_slice %arg12[%dma_start3A_714, %dma_start3A_715, %dma_start3A_716] : memref<2x16x2048xf32, #tpu.memory_space<vmem>> -> memref<1x16x2048xf32, #tpu.memory_space<vmem>>
    %dma_start3A_718 = tpu.memref_squeeze %dma_start3A_717 : memref<1x16x2048xf32, #tpu.memory_space<vmem>> -> memref<16x2048xf32, #tpu.memory_space<vmem>>
    %dma_start3A_719 = arith.constant 0 : i32
    %dma_start3A_720 = tpu.memref_slice %arg11[%dma_start3A_713, %dma_start3A_719] : memref<24x16xi32, #tpu.memory_space<vmem>> -> memref<1x16xi32, #tpu.memory_space<vmem>>
    %dma_start3A_721 = tpu.memref_squeeze %dma_start3A_720 : memref<1x16xi32, #tpu.memory_space<vmem>> -> memref<16xi32, #tpu.memory_space<vmem>>
    %dma_start3A_722 = tpu.memref_reshape %arg6 : memref<8x2048x2048xf32, #tpu.memory_space<hbm>> -> memref<16384x2048xf32, #tpu.memory_space<hbm>>
    %dma_start3A_723 = arith.constant 0 : i32
    %dma_start3A_724 = arith.constant 0 : i32
    %dma_start3A_725 = tpu.memref_slice %dma_start3A_722[%dma_start3A_723, %dma_start3A_724] : memref<16384x2048xf32, #tpu.memory_space<hbm>> -> memref<16384x2048xf32, #tpu.memory_space<hbm>>
    tpu.enqueue_indirect_dma source(%dma_start3A_725 : memref<16384x2048xf32, #tpu.memory_space<hbm>>) target(%dma_start3A_718 : memref<16x2048xf32, #tpu.memory_space<vmem>>) offsets(%dma_start3A_721 : memref<16xi32, #tpu.memory_space<vmem>>) semaphore(%arg17 : memref<!tpu.dma_semaphore, #tpu.memory_space<semaphore_mem>>)
    %dma_wait3A_726 = arith.constant 13 : i32
    %dma_wait3A_727 = arith.constant 1 : i32
    %dma_wait3A_728 = arith.constant 0 : i32
    %dma_wait3A_729 = arith.constant 0 : i32
    %dma_wait3A_730 = tpu.memref_slice %arg12[%dma_wait3A_727, %dma_wait3A_728, %dma_wait3A_729] : memref<2x16x2048xf32, #tpu.memory_space<vmem>> -> memref<1x16x2048xf32, #tpu.memory_space<vmem>>
    %dma_wait3A_731 = tpu.memref_squeeze %dma_wait3A_730 : memref<1x16x2048xf32, #tpu.memory_space<vmem>> -> memref<16x2048xf32, #tpu.memory_space<vmem>>
    %dma_wait3A_732 = arith.constant 0 : i32
    %dma_wait3A_733 = tpu.memref_slice %arg11[%dma_wait3A_726, %dma_wait3A_732] : memref<24x16xi32, #tpu.memory_space<vmem>> -> memref<1x16xi32, #tpu.memory_space<vmem>>
    %dma_wait3A_734 = tpu.memref_squeeze %dma_wait3A_733 : memref<1x16xi32, #tpu.memory_space<vmem>> -> memref<16xi32, #tpu.memory_space<vmem>>
    %dma_wait3A_735 = tpu.memref_reshape %arg6 : memref<8x2048x2048xf32, #tpu.memory_space<hbm>> -> memref<16384x2048xf32, #tpu.memory_space<hbm>>
    %dma_wait3A_736 = arith.constant 0 : i32
    %dma_wait3A_737 = arith.constant 0 : i32
    %dma_wait3A_738 = tpu.memref_slice %dma_wait3A_735[%dma_wait3A_736, %dma_wait3A_737] : memref<16384x2048xf32, #tpu.memory_space<hbm>> -> memref<16384x2048xf32, #tpu.memory_space<hbm>>
    tpu.wait_indirect_dma semaphore(%arg18 : memref<!tpu.dma_semaphore, #tpu.memory_space<semaphore_mem>>) src(%dma_wait3A_738 : memref<16384x2048xf32, #tpu.memory_space<hbm>>) dst(%dma_wait3A_731 : memref<16x2048xf32, #tpu.memory_space<vmem>>)
    %iota3A_739 = tpu.iota {dimensions = array<i32: 0>} : vector<16xi32>
    %add3A_740 = arith.constant 0 : i32
    %add3A_741 = vector.broadcast %add3A_740 : i32 to vector<16xi32>
    %add3A_742 = arith.addi %iota3A_739, %add3A_741 : vector<16xi32>
    %get3A_743 = arith.constant 208 : index
    %get3A_744 = tpu.vector_load %arg9[%get3A_743] {strides = array<i32>} : memref<384xi32, #tpu.memory_space<vmem>>, vector<16xi32>,
    %get3A_745 = arith.constant 208 : index
    %get3A_746 = tpu.vector_load %arg10[%get3A_745] {strides = array<i32>} : memref<384xf32, #tpu.memory_space<vmem>>, vector<16xf32>,
    %gather3A_747 = arith.constant 1 : i32
    %gather3A_748 = arith.constant 0 : i32
    %gather3A_749 = arith.constant 0 : i32
    %gather3A_750 = tpu.memref_slice %arg12[%gather3A_747, %gather3A_748, %gather3A_749] : memref<2x16x2048xf32, #tpu.memory_space<vmem>> -> memref<1x16x2048xf32, #tpu.memory_space<vmem>>
    %gather3A_751 = tpu.memref_squeeze %gather3A_750 : memref<1x16x2048xf32, #tpu.memory_space<vmem>> -> memref<16x2048xf32, #tpu.memory_space<vmem>>
    %gather3A_752 = tpu.vector_load_idx %gather3A_751[%add3A_742, %get3A_744] : memref<16x2048xf32, #tpu.memory_space<vmem>>[vector<16xi32>, vector<16xi32>], vector<16xf32>,
    %mul3A_753 = arith.mulf %get3A_746, %gather3A_752 : vector<16xf32>
    %swap3A_754 = arith.constant 208 : index
    %swap3A_755 = tpu.vector_load %arg15[%swap3A_754] {strides = array<i32>} : memref<384xf32, #tpu.memory_space<vmem>>, vector<16xf32>,
    tpu.vector_store %arg15[%swap3A_754], %mul3A_753 {strides = array<i32>} : memref<384xf32, #tpu.memory_space<vmem>>, vector<16xf32>,
    %dma_start3A_756 = arith.constant 15 : i32
    %dma_start3A_757 = arith.constant 1 : i32
    %dma_start3A_758 = arith.constant 0 : i32
    %dma_start3A_759 = arith.constant 0 : i32
    %dma_start3A_760 = tpu.memref_slice %arg12[%dma_start3A_757, %dma_start3A_758, %dma_start3A_759] : memref<2x16x2048xf32, #tpu.memory_space<vmem>> -> memref<1x16x2048xf32, #tpu.memory_space<vmem>>
    %dma_start3A_761 = tpu.memref_squeeze %dma_start3A_760 : memref<1x16x2048xf32, #tpu.memory_space<vmem>> -> memref<16x2048xf32, #tpu.memory_space<vmem>>
    %dma_start3A_762 = arith.constant 0 : i32
    %dma_start3A_763 = tpu.memref_slice %arg11[%dma_start3A_756, %dma_start3A_762] : memref<24x16xi32, #tpu.memory_space<vmem>> -> memref<1x16xi32, #tpu.memory_space<vmem>>
    %dma_start3A_764 = tpu.memref_squeeze %dma_start3A_763 : memref<1x16xi32, #tpu.memory_space<vmem>> -> memref<16xi32, #tpu.memory_space<vmem>>
    %dma_start3A_765 = tpu.memref_reshape %arg6 : memref<8x2048x2048xf32, #tpu.memory_space<hbm>> -> memref<16384x2048xf32, #tpu.memory_space<hbm>>
    %dma_start3A_766 = arith.constant 0 : i32
    %dma_start3A_767 = arith.constant 0 : i32
    %dma_start3A_768 = tpu.memref_slice %dma_start3A_765[%dma_start3A_766, %dma_start3A_767] : memref<16384x2048xf32, #tpu.memory_space<hbm>> -> memref<16384x2048xf32, #tpu.memory_space<hbm>>
    tpu.enqueue_indirect_dma source(%dma_start3A_768 : memref<16384x2048xf32, #tpu.memory_space<hbm>>) target(%dma_start3A_761 : memref<16x2048xf32, #tpu.memory_space<vmem>>) offsets(%dma_start3A_764 : memref<16xi32, #tpu.memory_space<vmem>>) semaphore(%arg18 : memref<!tpu.dma_semaphore, #tpu.memory_space<semaphore_mem>>)
    %dma_wait3A_769 = arith.constant 14 : i32
    %dma_wait3A_770 = arith.constant 0 : i32
    %dma_wait3A_771 = arith.constant 0 : i32
    %dma_wait3A_772 = arith.constant 0 : i32
    %dma_wait3A_773 = tpu.memref_slice %arg12[%dma_wait3A_770, %dma_wait3A_771, %dma_wait3A_772] : memref<2x16x2048xf32, #tpu.memory_space<vmem>> -> memref<1x16x2048xf32, #tpu.memory_space<vmem>>
    %dma_wait3A_774 = tpu.memref_squeeze %dma_wait3A_773 : memref<1x16x2048xf32, #tpu.memory_space<vmem>> -> memref<16x2048xf32, #tpu.memory_space<vmem>>
    %dma_wait3A_775 = arith.constant 0 : i32
    %dma_wait3A_776 = tpu.memref_slice %arg11[%dma_wait3A_769, %dma_wait3A_775] : memref<24x16xi32, #tpu.memory_space<vmem>> -> memref<1x16xi32, #tpu.memory_space<vmem>>
    %dma_wait3A_777 = tpu.memref_squeeze %dma_wait3A_776 : memref<1x16xi32, #tpu.memory_space<vmem>> -> memref<16xi32, #tpu.memory_space<vmem>>
    %dma_wait3A_778 = tpu.memref_reshape %arg6 : memref<8x2048x2048xf32, #tpu.memory_space<hbm>> -> memref<16384x2048xf32, #tpu.memory_space<hbm>>
    %dma_wait3A_779 = arith.constant 0 : i32
    %dma_wait3A_780 = arith.constant 0 : i32
    %dma_wait3A_781 = tpu.memref_slice %dma_wait3A_778[%dma_wait3A_779, %dma_wait3A_780] : memref<16384x2048xf32, #tpu.memory_space<hbm>> -> memref<16384x2048xf32, #tpu.memory_space<hbm>>
    tpu.wait_indirect_dma semaphore(%arg17 : memref<!tpu.dma_semaphore, #tpu.memory_space<semaphore_mem>>) src(%dma_wait3A_781 : memref<16384x2048xf32, #tpu.memory_space<hbm>>) dst(%dma_wait3A_774 : memref<16x2048xf32, #tpu.memory_space<vmem>>)
    %iota3A_782 = tpu.iota {dimensions = array<i32: 0>} : vector<16xi32>
    %add3A_783 = arith.constant 0 : i32
    %add3A_784 = vector.broadcast %add3A_783 : i32 to vector<16xi32>
    %add3A_785 = arith.addi %iota3A_782, %add3A_784 : vector<16xi32>
    %get3A_786 = arith.constant 224 : index
    %get3A_787 = tpu.vector_load %arg9[%get3A_786] {strides = array<i32>} : memref<384xi32, #tpu.memory_space<vmem>>, vector<16xi32>,
    %get3A_788 = arith.constant 224 : index
    %get3A_789 = tpu.vector_load %arg10[%get3A_788] {strides = array<i32>} : memref<384xf32, #tpu.memory_space<vmem>>, vector<16xf32>,
    %gather3A_790 = arith.constant 0 : i32
    %gather3A_791 = arith.constant 0 : i32
    %gather3A_792 = arith.constant 0 : i32
    %gather3A_793 = tpu.memref_slice %arg12[%gather3A_790, %gather3A_791, %gather3A_792] : memref<2x16x2048xf32, #tpu.memory_space<vmem>> -> memref<1x16x2048xf32, #tpu.memory_space<vmem>>
    %gather3A_794 = tpu.memref_squeeze %gather3A_793 : memref<1x16x2048xf32, #tpu.memory_space<vmem>> -> memref<16x2048xf32, #tpu.memory_space<vmem>>
    %gather3A_795 = tpu.vector_load_idx %gather3A_794[%add3A_785, %get3A_787] : memref<16x2048xf32, #tpu.memory_space<vmem>>[vector<16xi32>, vector<16xi32>], vector<16xf32>,
    %mul3A_796 = arith.mulf %get3A_789, %gather3A_795 : vector<16xf32>
    %swap3A_797 = arith.constant 224 : index
    %swap3A_798 = tpu.vector_load %arg15[%swap3A_797] {strides = array<i32>} : memref<384xf32, #tpu.memory_space<vmem>>, vector<16xf32>,
    tpu.vector_store %arg15[%swap3A_797], %mul3A_796 {strides = array<i32>} : memref<384xf32, #tpu.memory_space<vmem>>, vector<16xf32>,
    %dma_start3A_799 = arith.constant 16 : i32
    %dma_start3A_800 = arith.constant 0 : i32
    %dma_start3A_801 = arith.constant 0 : i32
    %dma_start3A_802 = arith.constant 0 : i32
    %dma_start3A_803 = tpu.memref_slice %arg12[%dma_start3A_800, %dma_start3A_801, %dma_start3A_802] : memref<2x16x2048xf32, #tpu.memory_space<vmem>> -> memref<1x16x2048xf32, #tpu.memory_space<vmem>>
    %dma_start3A_804 = tpu.memref_squeeze %dma_start3A_803 : memref<1x16x2048xf32, #tpu.memory_space<vmem>> -> memref<16x2048xf32, #tpu.memory_space<vmem>>
    %dma_start3A_805 = arith.constant 0 : i32
    %dma_start3A_806 = tpu.memref_slice %arg11[%dma_start3A_799, %dma_start3A_805] : memref<24x16xi32, #tpu.memory_space<vmem>> -> memref<1x16xi32, #tpu.memory_space<vmem>>
    %dma_start3A_807 = tpu.memref_squeeze %dma_start3A_806 : memref<1x16xi32, #tpu.memory_space<vmem>> -> memref<16xi32, #tpu.memory_space<vmem>>
    %dma_start3A_808 = tpu.memref_reshape %arg6 : memref<8x2048x2048xf32, #tpu.memory_space<hbm>> -> memref<16384x2048xf32, #tpu.memory_space<hbm>>
    %dma_start3A_809 = arith.constant 0 : i32
    %dma_start3A_810 = arith.constant 0 : i32
    %dma_start3A_811 = tpu.memref_slice %dma_start3A_808[%dma_start3A_809, %dma_start3A_810] : memref<16384x2048xf32, #tpu.memory_space<hbm>> -> memref<16384x2048xf32, #tpu.memory_space<hbm>>
    tpu.enqueue_indirect_dma source(%dma_start3A_811 : memref<16384x2048xf32, #tpu.memory_space<hbm>>) target(%dma_start3A_804 : memref<16x2048xf32, #tpu.memory_space<vmem>>) offsets(%dma_start3A_807 : memref<16xi32, #tpu.memory_space<vmem>>) semaphore(%arg17 : memref<!tpu.dma_semaphore, #tpu.memory_space<semaphore_mem>>)
    %dma_wait3A_812 = arith.constant 15 : i32
    %dma_wait3A_813 = arith.constant 1 : i32
    %dma_wait3A_814 = arith.constant 0 : i32
    %dma_wait3A_815 = arith.constant 0 : i32
    %dma_wait3A_816 = tpu.memref_slice %arg12[%dma_wait3A_813, %dma_wait3A_814, %dma_wait3A_815] : memref<2x16x2048xf32, #tpu.memory_space<vmem>> -> memref<1x16x2048xf32, #tpu.memory_space<vmem>>
    %dma_wait3A_817 = tpu.memref_squeeze %dma_wait3A_816 : memref<1x16x2048xf32, #tpu.memory_space<vmem>> -> memref<16x2048xf32, #tpu.memory_space<vmem>>
    %dma_wait3A_818 = arith.constant 0 : i32
    %dma_wait3A_819 = tpu.memref_slice %arg11[%dma_wait3A_812, %dma_wait3A_818] : memref<24x16xi32, #tpu.memory_space<vmem>> -> memref<1x16xi32, #tpu.memory_space<vmem>>
    %dma_wait3A_820 = tpu.memref_squeeze %dma_wait3A_819 : memref<1x16xi32, #tpu.memory_space<vmem>> -> memref<16xi32, #tpu.memory_space<vmem>>
    %dma_wait3A_821 = tpu.memref_reshape %arg6 : memref<8x2048x2048xf32, #tpu.memory_space<hbm>> -> memref<16384x2048xf32, #tpu.memory_space<hbm>>
    %dma_wait3A_822 = arith.constant 0 : i32
    %dma_wait3A_823 = arith.constant 0 : i32
    %dma_wait3A_824 = tpu.memref_slice %dma_wait3A_821[%dma_wait3A_822, %dma_wait3A_823] : memref<16384x2048xf32, #tpu.memory_space<hbm>> -> memref<16384x2048xf32, #tpu.memory_space<hbm>>
    tpu.wait_indirect_dma semaphore(%arg18 : memref<!tpu.dma_semaphore, #tpu.memory_space<semaphore_mem>>) src(%dma_wait3A_824 : memref<16384x2048xf32, #tpu.memory_space<hbm>>) dst(%dma_wait3A_817 : memref<16x2048xf32, #tpu.memory_space<vmem>>)
    %iota3A_825 = tpu.iota {dimensions = array<i32: 0>} : vector<16xi32>
    %add3A_826 = arith.constant 0 : i32
    %add3A_827 = vector.broadcast %add3A_826 : i32 to vector<16xi32>
    %add3A_828 = arith.addi %iota3A_825, %add3A_827 : vector<16xi32>
    %get3A_829 = arith.constant 240 : index
    %get3A_830 = tpu.vector_load %arg9[%get3A_829] {strides = array<i32>} : memref<384xi32, #tpu.memory_space<vmem>>, vector<16xi32>,
    %get3A_831 = arith.constant 240 : index
    %get3A_832 = tpu.vector_load %arg10[%get3A_831] {strides = array<i32>} : memref<384xf32, #tpu.memory_space<vmem>>, vector<16xf32>,
    %gather3A_833 = arith.constant 1 : i32
    %gather3A_834 = arith.constant 0 : i32
    %gather3A_835 = arith.constant 0 : i32
    %gather3A_836 = tpu.memref_slice %arg12[%gather3A_833, %gather3A_834, %gather3A_835] : memref<2x16x2048xf32, #tpu.memory_space<vmem>> -> memref<1x16x2048xf32, #tpu.memory_space<vmem>>
    %gather3A_837 = tpu.memref_squeeze %gather3A_836 : memref<1x16x2048xf32, #tpu.memory_space<vmem>> -> memref<16x2048xf32, #tpu.memory_space<vmem>>
    %gather3A_838 = tpu.vector_load_idx %gather3A_837[%add3A_828, %get3A_830] : memref<16x2048xf32, #tpu.memory_space<vmem>>[vector<16xi32>, vector<16xi32>], vector<16xf32>,
    %mul3A_839 = arith.mulf %get3A_832, %gather3A_838 : vector<16xf32>
    %swap3A_840 = arith.constant 240 : index
    %swap3A_841 = tpu.vector_load %arg15[%swap3A_840] {strides = array<i32>} : memref<384xf32, #tpu.memory_space<vmem>>, vector<16xf32>,
    tpu.vector_store %arg15[%swap3A_840], %mul3A_839 {strides = array<i32>} : memref<384xf32, #tpu.memory_space<vmem>>, vector<16xf32>,
    %dma_start3A_842 = arith.constant 17 : i32
    %dma_start3A_843 = arith.constant 1 : i32
    %dma_start3A_844 = arith.constant 0 : i32
    %dma_start3A_845 = arith.constant 0 : i32
    %dma_start3A_846 = tpu.memref_slice %arg12[%dma_start3A_843, %dma_start3A_844, %dma_start3A_845] : memref<2x16x2048xf32, #tpu.memory_space<vmem>> -> memref<1x16x2048xf32, #tpu.memory_space<vmem>>
    %dma_start3A_847 = tpu.memref_squeeze %dma_start3A_846 : memref<1x16x2048xf32, #tpu.memory_space<vmem>> -> memref<16x2048xf32, #tpu.memory_space<vmem>>
    %dma_start3A_848 = arith.constant 0 : i32
    %dma_start3A_849 = tpu.memref_slice %arg11[%dma_start3A_842, %dma_start3A_848] : memref<24x16xi32, #tpu.memory_space<vmem>> -> memref<1x16xi32, #tpu.memory_space<vmem>>
    %dma_start3A_850 = tpu.memref_squeeze %dma_start3A_849 : memref<1x16xi32, #tpu.memory_space<vmem>> -> memref<16xi32, #tpu.memory_space<vmem>>
    %dma_start3A_851 = tpu.memref_reshape %arg6 : memref<8x2048x2048xf32, #tpu.memory_space<hbm>> -> memref<16384x2048xf32, #tpu.memory_space<hbm>>
    %dma_start3A_852 = arith.constant 0 : i32
    %dma_start3A_853 = arith.constant 0 : i32
    %dma_start3A_854 = tpu.memref_slice %dma_start3A_851[%dma_start3A_852, %dma_start3A_853] : memref<16384x2048xf32, #tpu.memory_space<hbm>> -> memref<16384x2048xf32, #tpu.memory_space<hbm>>
    tpu.enqueue_indirect_dma source(%dma_start3A_854 : memref<16384x2048xf32, #tpu.memory_space<hbm>>) target(%dma_start3A_847 : memref<16x2048xf32, #tpu.memory_space<vmem>>) offsets(%dma_start3A_850 : memref<16xi32, #tpu.memory_space<vmem>>) semaphore(%arg18 : memref<!tpu.dma_semaphore, #tpu.memory_space<semaphore_mem>>)
    %dma_wait3A_855 = arith.constant 16 : i32
    %dma_wait3A_856 = arith.constant 0 : i32
    %dma_wait3A_857 = arith.constant 0 : i32
    %dma_wait3A_858 = arith.constant 0 : i32
    %dma_wait3A_859 = tpu.memref_slice %arg12[%dma_wait3A_856, %dma_wait3A_857, %dma_wait3A_858] : memref<2x16x2048xf32, #tpu.memory_space<vmem>> -> memref<1x16x2048xf32, #tpu.memory_space<vmem>>
    %dma_wait3A_860 = tpu.memref_squeeze %dma_wait3A_859 : memref<1x16x2048xf32, #tpu.memory_space<vmem>> -> memref<16x2048xf32, #tpu.memory_space<vmem>>
    %dma_wait3A_861 = arith.constant 0 : i32
    %dma_wait3A_862 = tpu.memref_slice %arg11[%dma_wait3A_855, %dma_wait3A_861] : memref<24x16xi32, #tpu.memory_space<vmem>> -> memref<1x16xi32, #tpu.memory_space<vmem>>
    %dma_wait3A_863 = tpu.memref_squeeze %dma_wait3A_862 : memref<1x16xi32, #tpu.memory_space<vmem>> -> memref<16xi32, #tpu.memory_space<vmem>>
    %dma_wait3A_864 = tpu.memref_reshape %arg6 : memref<8x2048x2048xf32, #tpu.memory_space<hbm>> -> memref<16384x2048xf32, #tpu.memory_space<hbm>>
    %dma_wait3A_865 = arith.constant 0 : i32
    %dma_wait3A_866 = arith.constant 0 : i32
    %dma_wait3A_867 = tpu.memref_slice %dma_wait3A_864[%dma_wait3A_865, %dma_wait3A_866] : memref<16384x2048xf32, #tpu.memory_space<hbm>> -> memref<16384x2048xf32, #tpu.memory_space<hbm>>
    tpu.wait_indirect_dma semaphore(%arg17 : memref<!tpu.dma_semaphore, #tpu.memory_space<semaphore_mem>>) src(%dma_wait3A_867 : memref<16384x2048xf32, #tpu.memory_space<hbm>>) dst(%dma_wait3A_860 : memref<16x2048xf32, #tpu.memory_space<vmem>>)
    %iota3A_868 = tpu.iota {dimensions = array<i32: 0>} : vector<16xi32>
    %add3A_869 = arith.constant 0 : i32
    %add3A_870 = vector.broadcast %add3A_869 : i32 to vector<16xi32>
    %add3A_871 = arith.addi %iota3A_868, %add3A_870 : vector<16xi32>
    %get3A_872 = arith.constant 256 : index
    %get3A_873 = tpu.vector_load %arg9[%get3A_872] {strides = array<i32>} : memref<384xi32, #tpu.memory_space<vmem>>, vector<16xi32>,
    %get3A_874 = arith.constant 256 : index
    %get3A_875 = tpu.vector_load %arg10[%get3A_874] {strides = array<i32>} : memref<384xf32, #tpu.memory_space<vmem>>, vector<16xf32>,
    %gather3A_876 = arith.constant 0 : i32
    %gather3A_877 = arith.constant 0 : i32
    %gather3A_878 = arith.constant 0 : i32
    %gather3A_879 = tpu.memref_slice %arg12[%gather3A_876, %gather3A_877, %gather3A_878] : memref<2x16x2048xf32, #tpu.memory_space<vmem>> -> memref<1x16x2048xf32, #tpu.memory_space<vmem>>
    %gather3A_880 = tpu.memref_squeeze %gather3A_879 : memref<1x16x2048xf32, #tpu.memory_space<vmem>> -> memref<16x2048xf32, #tpu.memory_space<vmem>>
    %gather3A_881 = tpu.vector_load_idx %gather3A_880[%add3A_871, %get3A_873] : memref<16x2048xf32, #tpu.memory_space<vmem>>[vector<16xi32>, vector<16xi32>], vector<16xf32>,
    %mul3A_882 = arith.mulf %get3A_875, %gather3A_881 : vector<16xf32>
    %swap3A_883 = arith.constant 256 : index
    %swap3A_884 = tpu.vector_load %arg15[%swap3A_883] {strides = array<i32>} : memref<384xf32, #tpu.memory_space<vmem>>, vector<16xf32>,
    tpu.vector_store %arg15[%swap3A_883], %mul3A_882 {strides = array<i32>} : memref<384xf32, #tpu.memory_space<vmem>>, vector<16xf32>,
    %dma_start3A_885 = arith.constant 18 : i32
    %dma_start3A_886 = arith.constant 0 : i32
    %dma_start3A_887 = arith.constant 0 : i32
    %dma_start3A_888 = arith.constant 0 : i32
    %dma_start3A_889 = tpu.memref_slice %arg12[%dma_start3A_886, %dma_start3A_887, %dma_start3A_888] : memref<2x16x2048xf32, #tpu.memory_space<vmem>> -> memref<1x16x2048xf32, #tpu.memory_space<vmem>>
    %dma_start3A_890 = tpu.memref_squeeze %dma_start3A_889 : memref<1x16x2048xf32, #tpu.memory_space<vmem>> -> memref<16x2048xf32, #tpu.memory_space<vmem>>
    %dma_start3A_891 = arith.constant 0 : i32
    %dma_start3A_892 = tpu.memref_slice %arg11[%dma_start3A_885, %dma_start3A_891] : memref<24x16xi32, #tpu.memory_space<vmem>> -> memref<1x16xi32, #tpu.memory_space<vmem>>
    %dma_start3A_893 = tpu.memref_squeeze %dma_start3A_892 : memref<1x16xi32, #tpu.memory_space<vmem>> -> memref<16xi32, #tpu.memory_space<vmem>>
    %dma_start3A_894 = tpu.memref_reshape %arg6 : memref<8x2048x2048xf32, #tpu.memory_space<hbm>> -> memref<16384x2048xf32, #tpu.memory_space<hbm>>
    %dma_start3A_895 = arith.constant 0 : i32
    %dma_start3A_896 = arith.constant 0 : i32
    %dma_start3A_897 = tpu.memref_slice %dma_start3A_894[%dma_start3A_895, %dma_start3A_896] : memref<16384x2048xf32, #tpu.memory_space<hbm>> -> memref<16384x2048xf32, #tpu.memory_space<hbm>>
    tpu.enqueue_indirect_dma source(%dma_start3A_897 : memref<16384x2048xf32, #tpu.memory_space<hbm>>) target(%dma_start3A_890 : memref<16x2048xf32, #tpu.memory_space<vmem>>) offsets(%dma_start3A_893 : memref<16xi32, #tpu.memory_space<vmem>>) semaphore(%arg17 : memref<!tpu.dma_semaphore, #tpu.memory_space<semaphore_mem>>)
    %dma_wait3A_898 = arith.constant 17 : i32
    %dma_wait3A_899 = arith.constant 1 : i32
    %dma_wait3A_900 = arith.constant 0 : i32
    %dma_wait3A_901 = arith.constant 0 : i32
    %dma_wait3A_902 = tpu.memref_slice %arg12[%dma_wait3A_899, %dma_wait3A_900, %dma_wait3A_901] : memref<2x16x2048xf32, #tpu.memory_space<vmem>> -> memref<1x16x2048xf32, #tpu.memory_space<vmem>>
    %dma_wait3A_903 = tpu.memref_squeeze %dma_wait3A_902 : memref<1x16x2048xf32, #tpu.memory_space<vmem>> -> memref<16x2048xf32, #tpu.memory_space<vmem>>
    %dma_wait3A_904 = arith.constant 0 : i32
    %dma_wait3A_905 = tpu.memref_slice %arg11[%dma_wait3A_898, %dma_wait3A_904] : memref<24x16xi32, #tpu.memory_space<vmem>> -> memref<1x16xi32, #tpu.memory_space<vmem>>
    %dma_wait3A_906 = tpu.memref_squeeze %dma_wait3A_905 : memref<1x16xi32, #tpu.memory_space<vmem>> -> memref<16xi32, #tpu.memory_space<vmem>>
    %dma_wait3A_907 = tpu.memref_reshape %arg6 : memref<8x2048x2048xf32, #tpu.memory_space<hbm>> -> memref<16384x2048xf32, #tpu.memory_space<hbm>>
    %dma_wait3A_908 = arith.constant 0 : i32
    %dma_wait3A_909 = arith.constant 0 : i32
    %dma_wait3A_910 = tpu.memref_slice %dma_wait3A_907[%dma_wait3A_908, %dma_wait3A_909] : memref<16384x2048xf32, #tpu.memory_space<hbm>> -> memref<16384x2048xf32, #tpu.memory_space<hbm>>
    tpu.wait_indirect_dma semaphore(%arg18 : memref<!tpu.dma_semaphore, #tpu.memory_space<semaphore_mem>>) src(%dma_wait3A_910 : memref<16384x2048xf32, #tpu.memory_space<hbm>>) dst(%dma_wait3A_903 : memref<16x2048xf32, #tpu.memory_space<vmem>>)
    %iota3A_911 = tpu.iota {dimensions = array<i32: 0>} : vector<16xi32>
    %add3A_912 = arith.constant 0 : i32
    %add3A_913 = vector.broadcast %add3A_912 : i32 to vector<16xi32>
    %add3A_914 = arith.addi %iota3A_911, %add3A_913 : vector<16xi32>
    %get3A_915 = arith.constant 272 : index
    %get3A_916 = tpu.vector_load %arg9[%get3A_915] {strides = array<i32>} : memref<384xi32, #tpu.memory_space<vmem>>, vector<16xi32>,
    %get3A_917 = arith.constant 272 : index
    %get3A_918 = tpu.vector_load %arg10[%get3A_917] {strides = array<i32>} : memref<384xf32, #tpu.memory_space<vmem>>, vector<16xf32>,
    %gather3A_919 = arith.constant 1 : i32
    %gather3A_920 = arith.constant 0 : i32
    %gather3A_921 = arith.constant 0 : i32
    %gather3A_922 = tpu.memref_slice %arg12[%gather3A_919, %gather3A_920, %gather3A_921] : memref<2x16x2048xf32, #tpu.memory_space<vmem>> -> memref<1x16x2048xf32, #tpu.memory_space<vmem>>
    %gather3A_923 = tpu.memref_squeeze %gather3A_922 : memref<1x16x2048xf32, #tpu.memory_space<vmem>> -> memref<16x2048xf32, #tpu.memory_space<vmem>>
    %gather3A_924 = tpu.vector_load_idx %gather3A_923[%add3A_914, %get3A_916] : memref<16x2048xf32, #tpu.memory_space<vmem>>[vector<16xi32>, vector<16xi32>], vector<16xf32>,
    %mul3A_925 = arith.mulf %get3A_918, %gather3A_924 : vector<16xf32>
    %swap3A_926 = arith.constant 272 : index
    %swap3A_927 = tpu.vector_load %arg15[%swap3A_926] {strides = array<i32>} : memref<384xf32, #tpu.memory_space<vmem>>, vector<16xf32>,
    tpu.vector_store %arg15[%swap3A_926], %mul3A_925 {strides = array<i32>} : memref<384xf32, #tpu.memory_space<vmem>>, vector<16xf32>,
    %dma_start3A_928 = arith.constant 19 : i32
    %dma_start3A_929 = arith.constant 1 : i32
    %dma_start3A_930 = arith.constant 0 : i32
    %dma_start3A_931 = arith.constant 0 : i32
    %dma_start3A_932 = tpu.memref_slice %arg12[%dma_start3A_929, %dma_start3A_930, %dma_start3A_931] : memref<2x16x2048xf32, #tpu.memory_space<vmem>> -> memref<1x16x2048xf32, #tpu.memory_space<vmem>>
    %dma_start3A_933 = tpu.memref_squeeze %dma_start3A_932 : memref<1x16x2048xf32, #tpu.memory_space<vmem>> -> memref<16x2048xf32, #tpu.memory_space<vmem>>
    %dma_start3A_934 = arith.constant 0 : i32
    %dma_start3A_935 = tpu.memref_slice %arg11[%dma_start3A_928, %dma_start3A_934] : memref<24x16xi32, #tpu.memory_space<vmem>> -> memref<1x16xi32, #tpu.memory_space<vmem>>
    %dma_start3A_936 = tpu.memref_squeeze %dma_start3A_935 : memref<1x16xi32, #tpu.memory_space<vmem>> -> memref<16xi32, #tpu.memory_space<vmem>>
    %dma_start3A_937 = tpu.memref_reshape %arg6 : memref<8x2048x2048xf32, #tpu.memory_space<hbm>> -> memref<16384x2048xf32, #tpu.memory_space<hbm>>
    %dma_start3A_938 = arith.constant 0 : i32
    %dma_start3A_939 = arith.constant 0 : i32
    %dma_start3A_940 = tpu.memref_slice %dma_start3A_937[%dma_start3A_938, %dma_start3A_939] : memref<16384x2048xf32, #tpu.memory_space<hbm>> -> memref<16384x2048xf32, #tpu.memory_space<hbm>>
    tpu.enqueue_indirect_dma source(%dma_start3A_940 : memref<16384x2048xf32, #tpu.memory_space<hbm>>) target(%dma_start3A_933 : memref<16x2048xf32, #tpu.memory_space<vmem>>) offsets(%dma_start3A_936 : memref<16xi32, #tpu.memory_space<vmem>>) semaphore(%arg18 : memref<!tpu.dma_semaphore, #tpu.memory_space<semaphore_mem>>)
    %dma_wait3A_941 = arith.constant 18 : i32
    %dma_wait3A_942 = arith.constant 0 : i32
    %dma_wait3A_943 = arith.constant 0 : i32
    %dma_wait3A_944 = arith.constant 0 : i32
    %dma_wait3A_945 = tpu.memref_slice %arg12[%dma_wait3A_942, %dma_wait3A_943, %dma_wait3A_944] : memref<2x16x2048xf32, #tpu.memory_space<vmem>> -> memref<1x16x2048xf32, #tpu.memory_space<vmem>>
    %dma_wait3A_946 = tpu.memref_squeeze %dma_wait3A_945 : memref<1x16x2048xf32, #tpu.memory_space<vmem>> -> memref<16x2048xf32, #tpu.memory_space<vmem>>
    %dma_wait3A_947 = arith.constant 0 : i32
    %dma_wait3A_948 = tpu.memref_slice %arg11[%dma_wait3A_941, %dma_wait3A_947] : memref<24x16xi32, #tpu.memory_space<vmem>> -> memref<1x16xi32, #tpu.memory_space<vmem>>
    %dma_wait3A_949 = tpu.memref_squeeze %dma_wait3A_948 : memref<1x16xi32, #tpu.memory_space<vmem>> -> memref<16xi32, #tpu.memory_space<vmem>>
    %dma_wait3A_950 = tpu.memref_reshape %arg6 : memref<8x2048x2048xf32, #tpu.memory_space<hbm>> -> memref<16384x2048xf32, #tpu.memory_space<hbm>>
    %dma_wait3A_951 = arith.constant 0 : i32
    %dma_wait3A_952 = arith.constant 0 : i32
    %dma_wait3A_953 = tpu.memref_slice %dma_wait3A_950[%dma_wait3A_951, %dma_wait3A_952] : memref<16384x2048xf32, #tpu.memory_space<hbm>> -> memref<16384x2048xf32, #tpu.memory_space<hbm>>
    tpu.wait_indirect_dma semaphore(%arg17 : memref<!tpu.dma_semaphore, #tpu.memory_space<semaphore_mem>>) src(%dma_wait3A_953 : memref<16384x2048xf32, #tpu.memory_space<hbm>>) dst(%dma_wait3A_946 : memref<16x2048xf32, #tpu.memory_space<vmem>>)
    %iota3A_954 = tpu.iota {dimensions = array<i32: 0>} : vector<16xi32>
    %add3A_955 = arith.constant 0 : i32
    %add3A_956 = vector.broadcast %add3A_955 : i32 to vector<16xi32>
    %add3A_957 = arith.addi %iota3A_954, %add3A_956 : vector<16xi32>
    %get3A_958 = arith.constant 288 : index
    %get3A_959 = tpu.vector_load %arg9[%get3A_958] {strides = array<i32>} : memref<384xi32, #tpu.memory_space<vmem>>, vector<16xi32>,
    %get3A_960 = arith.constant 288 : index
    %get3A_961 = tpu.vector_load %arg10[%get3A_960] {strides = array<i32>} : memref<384xf32, #tpu.memory_space<vmem>>, vector<16xf32>,
    %gather3A_962 = arith.constant 0 : i32
    %gather3A_963 = arith.constant 0 : i32
    %gather3A_964 = arith.constant 0 : i32
    %gather3A_965 = tpu.memref_slice %arg12[%gather3A_962, %gather3A_963, %gather3A_964] : memref<2x16x2048xf32, #tpu.memory_space<vmem>> -> memref<1x16x2048xf32, #tpu.memory_space<vmem>>
    %gather3A_966 = tpu.memref_squeeze %gather3A_965 : memref<1x16x2048xf32, #tpu.memory_space<vmem>> -> memref<16x2048xf32, #tpu.memory_space<vmem>>
    %gather3A_967 = tpu.vector_load_idx %gather3A_966[%add3A_957, %get3A_959] : memref<16x2048xf32, #tpu.memory_space<vmem>>[vector<16xi32>, vector<16xi32>], vector<16xf32>,
    %mul3A_968 = arith.mulf %get3A_961, %gather3A_967 : vector<16xf32>
    %swap3A_969 = arith.constant 288 : index
    %swap3A_970 = tpu.vector_load %arg15[%swap3A_969] {strides = array<i32>} : memref<384xf32, #tpu.memory_space<vmem>>, vector<16xf32>,
    tpu.vector_store %arg15[%swap3A_969], %mul3A_968 {strides = array<i32>} : memref<384xf32, #tpu.memory_space<vmem>>, vector<16xf32>,
    %dma_start3A_971 = arith.constant 20 : i32
    %dma_start3A_972 = arith.constant 0 : i32
    %dma_start3A_973 = arith.constant 0 : i32
    %dma_start3A_974 = arith.constant 0 : i32
    %dma_start3A_975 = tpu.memref_slice %arg12[%dma_start3A_972, %dma_start3A_973, %dma_start3A_974] : memref<2x16x2048xf32, #tpu.memory_space<vmem>> -> memref<1x16x2048xf32, #tpu.memory_space<vmem>>
    %dma_start3A_976 = tpu.memref_squeeze %dma_start3A_975 : memref<1x16x2048xf32, #tpu.memory_space<vmem>> -> memref<16x2048xf32, #tpu.memory_space<vmem>>
    %dma_start3A_977 = arith.constant 0 : i32
    %dma_start3A_978 = tpu.memref_slice %arg11[%dma_start3A_971, %dma_start3A_977] : memref<24x16xi32, #tpu.memory_space<vmem>> -> memref<1x16xi32, #tpu.memory_space<vmem>>
    %dma_start3A_979 = tpu.memref_squeeze %dma_start3A_978 : memref<1x16xi32, #tpu.memory_space<vmem>> -> memref<16xi32, #tpu.memory_space<vmem>>
    %dma_start3A_980 = tpu.memref_reshape %arg6 : memref<8x2048x2048xf32, #tpu.memory_space<hbm>> -> memref<16384x2048xf32, #tpu.memory_space<hbm>>
    %dma_start3A_981 = arith.constant 0 : i32
    %dma_start3A_982 = arith.constant 0 : i32
    %dma_start3A_983 = tpu.memref_slice %dma_start3A_980[%dma_start3A_981, %dma_start3A_982] : memref<16384x2048xf32, #tpu.memory_space<hbm>> -> memref<16384x2048xf32, #tpu.memory_space<hbm>>
    tpu.enqueue_indirect_dma source(%dma_start3A_983 : memref<16384x2048xf32, #tpu.memory_space<hbm>>) target(%dma_start3A_976 : memref<16x2048xf32, #tpu.memory_space<vmem>>) offsets(%dma_start3A_979 : memref<16xi32, #tpu.memory_space<vmem>>) semaphore(%arg17 : memref<!tpu.dma_semaphore, #tpu.memory_space<semaphore_mem>>)
    %dma_wait3A_984 = arith.constant 19 : i32
    %dma_wait3A_985 = arith.constant 1 : i32
    %dma_wait3A_986 = arith.constant 0 : i32
    %dma_wait3A_987 = arith.constant 0 : i32
    %dma_wait3A_988 = tpu.memref_slice %arg12[%dma_wait3A_985, %dma_wait3A_986, %dma_wait3A_987] : memref<2x16x2048xf32, #tpu.memory_space<vmem>> -> memref<1x16x2048xf32, #tpu.memory_space<vmem>>
    %dma_wait3A_989 = tpu.memref_squeeze %dma_wait3A_988 : memref<1x16x2048xf32, #tpu.memory_space<vmem>> -> memref<16x2048xf32, #tpu.memory_space<vmem>>
    %dma_wait3A_990 = arith.constant 0 : i32
    %dma_wait3A_991 = tpu.memref_slice %arg11[%dma_wait3A_984, %dma_wait3A_990] : memref<24x16xi32, #tpu.memory_space<vmem>> -> memref<1x16xi32, #tpu.memory_space<vmem>>
    %dma_wait3A_992 = tpu.memref_squeeze %dma_wait3A_991 : memref<1x16xi32, #tpu.memory_space<vmem>> -> memref<16xi32, #tpu.memory_space<vmem>>
    %dma_wait3A_993 = tpu.memref_reshape %arg6 : memref<8x2048x2048xf32, #tpu.memory_space<hbm>> -> memref<16384x2048xf32, #tpu.memory_space<hbm>>
    %dma_wait3A_994 = arith.constant 0 : i32
    %dma_wait3A_995 = arith.constant 0 : i32
    %dma_wait3A_996 = tpu.memref_slice %dma_wait3A_993[%dma_wait3A_994, %dma_wait3A_995] : memref<16384x2048xf32, #tpu.memory_space<hbm>> -> memref<16384x2048xf32, #tpu.memory_space<hbm>>
    tpu.wait_indirect_dma semaphore(%arg18 : memref<!tpu.dma_semaphore, #tpu.memory_space<semaphore_mem>>) src(%dma_wait3A_996 : memref<16384x2048xf32, #tpu.memory_space<hbm>>) dst(%dma_wait3A_989 : memref<16x2048xf32, #tpu.memory_space<vmem>>)
    %iota3A_997 = tpu.iota {dimensions = array<i32: 0>} : vector<16xi32>
    %add3A_998 = arith.constant 0 : i32
    %add3A_999 = vector.broadcast %add3A_998 : i32 to vector<16xi32>
    %add3A_1000 = arith.addi %iota3A_997, %add3A_999 : vector<16xi32>
    %get3A_1001 = arith.constant 304 : index
    %get3A_1002 = tpu.vector_load %arg9[%get3A_1001] {strides = array<i32>} : memref<384xi32, #tpu.memory_space<vmem>>, vector<16xi32>,
    %get3A_1003 = arith.constant 304 : index
    %get3A_1004 = tpu.vector_load %arg10[%get3A_1003] {strides = array<i32>} : memref<384xf32, #tpu.memory_space<vmem>>, vector<16xf32>,
    %gather3A_1005 = arith.constant 1 : i32
    %gather3A_1006 = arith.constant 0 : i32
    %gather3A_1007 = arith.constant 0 : i32
    %gather3A_1008 = tpu.memref_slice %arg12[%gather3A_1005, %gather3A_1006, %gather3A_1007] : memref<2x16x2048xf32, #tpu.memory_space<vmem>> -> memref<1x16x2048xf32, #tpu.memory_space<vmem>>
    %gather3A_1009 = tpu.memref_squeeze %gather3A_1008 : memref<1x16x2048xf32, #tpu.memory_space<vmem>> -> memref<16x2048xf32, #tpu.memory_space<vmem>>
    %gather3A_1010 = tpu.vector_load_idx %gather3A_1009[%add3A_1000, %get3A_1002] : memref<16x2048xf32, #tpu.memory_space<vmem>>[vector<16xi32>, vector<16xi32>], vector<16xf32>,
    %mul3A_1011 = arith.mulf %get3A_1004, %gather3A_1010 : vector<16xf32>
    %swap3A_1012 = arith.constant 304 : index
    %swap3A_1013 = tpu.vector_load %arg15[%swap3A_1012] {strides = array<i32>} : memref<384xf32, #tpu.memory_space<vmem>>, vector<16xf32>,
    tpu.vector_store %arg15[%swap3A_1012], %mul3A_1011 {strides = array<i32>} : memref<384xf32, #tpu.memory_space<vmem>>, vector<16xf32>,
    %dma_start3A_1014 = arith.constant 21 : i32
    %dma_start3A_1015 = arith.constant 1 : i32
    %dma_start3A_1016 = arith.constant 0 : i32
    %dma_start3A_1017 = arith.constant 0 : i32
    %dma_start3A_1018 = tpu.memref_slice %arg12[%dma_start3A_1015, %dma_start3A_1016, %dma_start3A_1017] : memref<2x16x2048xf32, #tpu.memory_space<vmem>> -> memref<1x16x2048xf32, #tpu.memory_space<vmem>>
    %dma_start3A_1019 = tpu.memref_squeeze %dma_start3A_1018 : memref<1x16x2048xf32, #tpu.memory_space<vmem>> -> memref<16x2048xf32, #tpu.memory_space<vmem>>
    %dma_start3A_1020 = arith.constant 0 : i32
    %dma_start3A_1021 = tpu.memref_slice %arg11[%dma_start3A_1014, %dma_start3A_1020] : memref<24x16xi32, #tpu.memory_space<vmem>> -> memref<1x16xi32, #tpu.memory_space<vmem>>
    %dma_start3A_1022 = tpu.memref_squeeze %dma_start3A_1021 : memref<1x16xi32, #tpu.memory_space<vmem>> -> memref<16xi32, #tpu.memory_space<vmem>>
    %dma_start3A_1023 = tpu.memref_reshape %arg6 : memref<8x2048x2048xf32, #tpu.memory_space<hbm>> -> memref<16384x2048xf32, #tpu.memory_space<hbm>>
    %dma_start3A_1024 = arith.constant 0 : i32
    %dma_start3A_1025 = arith.constant 0 : i32
    %dma_start3A_1026 = tpu.memref_slice %dma_start3A_1023[%dma_start3A_1024, %dma_start3A_1025] : memref<16384x2048xf32, #tpu.memory_space<hbm>> -> memref<16384x2048xf32, #tpu.memory_space<hbm>>
    tpu.enqueue_indirect_dma source(%dma_start3A_1026 : memref<16384x2048xf32, #tpu.memory_space<hbm>>) target(%dma_start3A_1019 : memref<16x2048xf32, #tpu.memory_space<vmem>>) offsets(%dma_start3A_1022 : memref<16xi32, #tpu.memory_space<vmem>>) semaphore(%arg18 : memref<!tpu.dma_semaphore, #tpu.memory_space<semaphore_mem>>)
    %dma_wait3A_1027 = arith.constant 20 : i32
    %dma_wait3A_1028 = arith.constant 0 : i32
    %dma_wait3A_1029 = arith.constant 0 : i32
    %dma_wait3A_1030 = arith.constant 0 : i32
    %dma_wait3A_1031 = tpu.memref_slice %arg12[%dma_wait3A_1028, %dma_wait3A_1029, %dma_wait3A_1030] : memref<2x16x2048xf32, #tpu.memory_space<vmem>> -> memref<1x16x2048xf32, #tpu.memory_space<vmem>>
    %dma_wait3A_1032 = tpu.memref_squeeze %dma_wait3A_1031 : memref<1x16x2048xf32, #tpu.memory_space<vmem>> -> memref<16x2048xf32, #tpu.memory_space<vmem>>
    %dma_wait3A_1033 = arith.constant 0 : i32
    %dma_wait3A_1034 = tpu.memref_slice %arg11[%dma_wait3A_1027, %dma_wait3A_1033] : memref<24x16xi32, #tpu.memory_space<vmem>> -> memref<1x16xi32, #tpu.memory_space<vmem>>
    %dma_wait3A_1035 = tpu.memref_squeeze %dma_wait3A_1034 : memref<1x16xi32, #tpu.memory_space<vmem>> -> memref<16xi32, #tpu.memory_space<vmem>>
    %dma_wait3A_1036 = tpu.memref_reshape %arg6 : memref<8x2048x2048xf32, #tpu.memory_space<hbm>> -> memref<16384x2048xf32, #tpu.memory_space<hbm>>
    %dma_wait3A_1037 = arith.constant 0 : i32
    %dma_wait3A_1038 = arith.constant 0 : i32
    %dma_wait3A_1039 = tpu.memref_slice %dma_wait3A_1036[%dma_wait3A_1037, %dma_wait3A_1038] : memref<16384x2048xf32, #tpu.memory_space<hbm>> -> memref<16384x2048xf32, #tpu.memory_space<hbm>>
    tpu.wait_indirect_dma semaphore(%arg17 : memref<!tpu.dma_semaphore, #tpu.memory_space<semaphore_mem>>) src(%dma_wait3A_1039 : memref<16384x2048xf32, #tpu.memory_space<hbm>>) dst(%dma_wait3A_1032 : memref<16x2048xf32, #tpu.memory_space<vmem>>)
    %iota3A_1040 = tpu.iota {dimensions = array<i32: 0>} : vector<16xi32>
    %add3A_1041 = arith.constant 0 : i32
    %add3A_1042 = vector.broadcast %add3A_1041 : i32 to vector<16xi32>
    %add3A_1043 = arith.addi %iota3A_1040, %add3A_1042 : vector<16xi32>
    %get3A_1044 = arith.constant 320 : index
    %get3A_1045 = tpu.vector_load %arg9[%get3A_1044] {strides = array<i32>} : memref<384xi32, #tpu.memory_space<vmem>>, vector<16xi32>,
    %get3A_1046 = arith.constant 320 : index
    %get3A_1047 = tpu.vector_load %arg10[%get3A_1046] {strides = array<i32>} : memref<384xf32, #tpu.memory_space<vmem>>, vector<16xf32>,
    %gather3A_1048 = arith.constant 0 : i32
    %gather3A_1049 = arith.constant 0 : i32
    %gather3A_1050 = arith.constant 0 : i32
    %gather3A_1051 = tpu.memref_slice %arg12[%gather3A_1048, %gather3A_1049, %gather3A_1050] : memref<2x16x2048xf32, #tpu.memory_space<vmem>> -> memref<1x16x2048xf32, #tpu.memory_space<vmem>>
    %gather3A_1052 = tpu.memref_squeeze %gather3A_1051 : memref<1x16x2048xf32, #tpu.memory_space<vmem>> -> memref<16x2048xf32, #tpu.memory_space<vmem>>
    %gather3A_1053 = tpu.vector_load_idx %gather3A_1052[%add3A_1043, %get3A_1045] : memref<16x2048xf32, #tpu.memory_space<vmem>>[vector<16xi32>, vector<16xi32>], vector<16xf32>,
    %mul3A_1054 = arith.mulf %get3A_1047, %gather3A_1053 : vector<16xf32>
    %swap3A_1055 = arith.constant 320 : index
    %swap3A_1056 = tpu.vector_load %arg15[%swap3A_1055] {strides = array<i32>} : memref<384xf32, #tpu.memory_space<vmem>>, vector<16xf32>,
    tpu.vector_store %arg15[%swap3A_1055], %mul3A_1054 {strides = array<i32>} : memref<384xf32, #tpu.memory_space<vmem>>, vector<16xf32>,
    %dma_start3A_1057 = arith.constant 22 : i32
    %dma_start3A_1058 = arith.constant 0 : i32
    %dma_start3A_1059 = arith.constant 0 : i32
    %dma_start3A_1060 = arith.constant 0 : i32
    %dma_start3A_1061 = tpu.memref_slice %arg12[%dma_start3A_1058, %dma_start3A_1059, %dma_start3A_1060] : memref<2x16x2048xf32, #tpu.memory_space<vmem>> -> memref<1x16x2048xf32, #tpu.memory_space<vmem>>
    %dma_start3A_1062 = tpu.memref_squeeze %dma_start3A_1061 : memref<1x16x2048xf32, #tpu.memory_space<vmem>> -> memref<16x2048xf32, #tpu.memory_space<vmem>>
    %dma_start3A_1063 = arith.constant 0 : i32
    %dma_start3A_1064 = tpu.memref_slice %arg11[%dma_start3A_1057, %dma_start3A_1063] : memref<24x16xi32, #tpu.memory_space<vmem>> -> memref<1x16xi32, #tpu.memory_space<vmem>>
    %dma_start3A_1065 = tpu.memref_squeeze %dma_start3A_1064 : memref<1x16xi32, #tpu.memory_space<vmem>> -> memref<16xi32, #tpu.memory_space<vmem>>
    %dma_start3A_1066 = tpu.memref_reshape %arg6 : memref<8x2048x2048xf32, #tpu.memory_space<hbm>> -> memref<16384x2048xf32, #tpu.memory_space<hbm>>
    %dma_start3A_1067 = arith.constant 0 : i32
    %dma_start3A_1068 = arith.constant 0 : i32
    %dma_start3A_1069 = tpu.memref_slice %dma_start3A_1066[%dma_start3A_1067, %dma_start3A_1068] : memref<16384x2048xf32, #tpu.memory_space<hbm>> -> memref<16384x2048xf32, #tpu.memory_space<hbm>>
    tpu.enqueue_indirect_dma source(%dma_start3A_1069 : memref<16384x2048xf32, #tpu.memory_space<hbm>>) target(%dma_start3A_1062 : memref<16x2048xf32, #tpu.memory_space<vmem>>) offsets(%dma_start3A_1065 : memref<16xi32, #tpu.memory_space<vmem>>) semaphore(%arg17 : memref<!tpu.dma_semaphore, #tpu.memory_space<semaphore_mem>>)
    %dma_wait3A_1070 = arith.constant 21 : i32
    %dma_wait3A_1071 = arith.constant 1 : i32
    %dma_wait3A_1072 = arith.constant 0 : i32
    %dma_wait3A_1073 = arith.constant 0 : i32
    %dma_wait3A_1074 = tpu.memref_slice %arg12[%dma_wait3A_1071, %dma_wait3A_1072, %dma_wait3A_1073] : memref<2x16x2048xf32, #tpu.memory_space<vmem>> -> memref<1x16x2048xf32, #tpu.memory_space<vmem>>
    %dma_wait3A_1075 = tpu.memref_squeeze %dma_wait3A_1074 : memref<1x16x2048xf32, #tpu.memory_space<vmem>> -> memref<16x2048xf32, #tpu.memory_space<vmem>>
    %dma_wait3A_1076 = arith.constant 0 : i32
    %dma_wait3A_1077 = tpu.memref_slice %arg11[%dma_wait3A_1070, %dma_wait3A_1076] : memref<24x16xi32, #tpu.memory_space<vmem>> -> memref<1x16xi32, #tpu.memory_space<vmem>>
    %dma_wait3A_1078 = tpu.memref_squeeze %dma_wait3A_1077 : memref<1x16xi32, #tpu.memory_space<vmem>> -> memref<16xi32, #tpu.memory_space<vmem>>
    %dma_wait3A_1079 = tpu.memref_reshape %arg6 : memref<8x2048x2048xf32, #tpu.memory_space<hbm>> -> memref<16384x2048xf32, #tpu.memory_space<hbm>>
    %dma_wait3A_1080 = arith.constant 0 : i32
    %dma_wait3A_1081 = arith.constant 0 : i32
    %dma_wait3A_1082 = tpu.memref_slice %dma_wait3A_1079[%dma_wait3A_1080, %dma_wait3A_1081] : memref<16384x2048xf32, #tpu.memory_space<hbm>> -> memref<16384x2048xf32, #tpu.memory_space<hbm>>
    tpu.wait_indirect_dma semaphore(%arg18 : memref<!tpu.dma_semaphore, #tpu.memory_space<semaphore_mem>>) src(%dma_wait3A_1082 : memref<16384x2048xf32, #tpu.memory_space<hbm>>) dst(%dma_wait3A_1075 : memref<16x2048xf32, #tpu.memory_space<vmem>>)
    %iota3A_1083 = tpu.iota {dimensions = array<i32: 0>} : vector<16xi32>
    %add3A_1084 = arith.constant 0 : i32
    %add3A_1085 = vector.broadcast %add3A_1084 : i32 to vector<16xi32>
    %add3A_1086 = arith.addi %iota3A_1083, %add3A_1085 : vector<16xi32>
    %get3A_1087 = arith.constant 336 : index
    %get3A_1088 = tpu.vector_load %arg9[%get3A_1087] {strides = array<i32>} : memref<384xi32, #tpu.memory_space<vmem>>, vector<16xi32>,
    %get3A_1089 = arith.constant 336 : index
    %get3A_1090 = tpu.vector_load %arg10[%get3A_1089] {strides = array<i32>} : memref<384xf32, #tpu.memory_space<vmem>>, vector<16xf32>,
    %gather3A_1091 = arith.constant 1 : i32
    %gather3A_1092 = arith.constant 0 : i32
    %gather3A_1093 = arith.constant 0 : i32
    %gather3A_1094 = tpu.memref_slice %arg12[%gather3A_1091, %gather3A_1092, %gather3A_1093] : memref<2x16x2048xf32, #tpu.memory_space<vmem>> -> memref<1x16x2048xf32, #tpu.memory_space<vmem>>
    %gather3A_1095 = tpu.memref_squeeze %gather3A_1094 : memref<1x16x2048xf32, #tpu.memory_space<vmem>> -> memref<16x2048xf32, #tpu.memory_space<vmem>>
    %gather3A_1096 = tpu.vector_load_idx %gather3A_1095[%add3A_1086, %get3A_1088] : memref<16x2048xf32, #tpu.memory_space<vmem>>[vector<16xi32>, vector<16xi32>], vector<16xf32>,
    %mul3A_1097 = arith.mulf %get3A_1090, %gather3A_1096 : vector<16xf32>
    %swap3A_1098 = arith.constant 336 : index
    %swap3A_1099 = tpu.vector_load %arg15[%swap3A_1098] {strides = array<i32>} : memref<384xf32, #tpu.memory_space<vmem>>, vector<16xf32>,
    tpu.vector_store %arg15[%swap3A_1098], %mul3A_1097 {strides = array<i32>} : memref<384xf32, #tpu.memory_space<vmem>>, vector<16xf32>,
    %dma_start3A_1100 = arith.constant 23 : i32
    %dma_start3A_1101 = arith.constant 1 : i32
    %dma_start3A_1102 = arith.constant 0 : i32
    %dma_start3A_1103 = arith.constant 0 : i32
    %dma_start3A_1104 = tpu.memref_slice %arg12[%dma_start3A_1101, %dma_start3A_1102, %dma_start3A_1103] : memref<2x16x2048xf32, #tpu.memory_space<vmem>> -> memref<1x16x2048xf32, #tpu.memory_space<vmem>>
    %dma_start3A_1105 = tpu.memref_squeeze %dma_start3A_1104 : memref<1x16x2048xf32, #tpu.memory_space<vmem>> -> memref<16x2048xf32, #tpu.memory_space<vmem>>
    %dma_start3A_1106 = arith.constant 0 : i32
    %dma_start3A_1107 = tpu.memref_slice %arg11[%dma_start3A_1100, %dma_start3A_1106] : memref<24x16xi32, #tpu.memory_space<vmem>> -> memref<1x16xi32, #tpu.memory_space<vmem>>
    %dma_start3A_1108 = tpu.memref_squeeze %dma_start3A_1107 : memref<1x16xi32, #tpu.memory_space<vmem>> -> memref<16xi32, #tpu.memory_space<vmem>>
    %dma_start3A_1109 = tpu.memref_reshape %arg6 : memref<8x2048x2048xf32, #tpu.memory_space<hbm>> -> memref<16384x2048xf32, #tpu.memory_space<hbm>>
    %dma_start3A_1110 = arith.constant 0 : i32
    %dma_start3A_1111 = arith.constant 0 : i32
    %dma_start3A_1112 = tpu.memref_slice %dma_start3A_1109[%dma_start3A_1110, %dma_start3A_1111] : memref<16384x2048xf32, #tpu.memory_space<hbm>> -> memref<16384x2048xf32, #tpu.memory_space<hbm>>
    tpu.enqueue_indirect_dma source(%dma_start3A_1112 : memref<16384x2048xf32, #tpu.memory_space<hbm>>) target(%dma_start3A_1105 : memref<16x2048xf32, #tpu.memory_space<vmem>>) offsets(%dma_start3A_1108 : memref<16xi32, #tpu.memory_space<vmem>>) semaphore(%arg18 : memref<!tpu.dma_semaphore, #tpu.memory_space<semaphore_mem>>)
    %dma_wait3A_1113 = arith.constant 22 : i32
    %dma_wait3A_1114 = arith.constant 0 : i32
    %dma_wait3A_1115 = arith.constant 0 : i32
    %dma_wait3A_1116 = arith.constant 0 : i32
    %dma_wait3A_1117 = tpu.memref_slice %arg12[%dma_wait3A_1114, %dma_wait3A_1115, %dma_wait3A_1116] : memref<2x16x2048xf32, #tpu.memory_space<vmem>> -> memref<1x16x2048xf32, #tpu.memory_space<vmem>>
    %dma_wait3A_1118 = tpu.memref_squeeze %dma_wait3A_1117 : memref<1x16x2048xf32, #tpu.memory_space<vmem>> -> memref<16x2048xf32, #tpu.memory_space<vmem>>
    %dma_wait3A_1119 = arith.constant 0 : i32
    %dma_wait3A_1120 = tpu.memref_slice %arg11[%dma_wait3A_1113, %dma_wait3A_1119] : memref<24x16xi32, #tpu.memory_space<vmem>> -> memref<1x16xi32, #tpu.memory_space<vmem>>
    %dma_wait3A_1121 = tpu.memref_squeeze %dma_wait3A_1120 : memref<1x16xi32, #tpu.memory_space<vmem>> -> memref<16xi32, #tpu.memory_space<vmem>>
    %dma_wait3A_1122 = tpu.memref_reshape %arg6 : memref<8x2048x2048xf32, #tpu.memory_space<hbm>> -> memref<16384x2048xf32, #tpu.memory_space<hbm>>
    %dma_wait3A_1123 = arith.constant 0 : i32
    %dma_wait3A_1124 = arith.constant 0 : i32
    %dma_wait3A_1125 = tpu.memref_slice %dma_wait3A_1122[%dma_wait3A_1123, %dma_wait3A_1124] : memref<16384x2048xf32, #tpu.memory_space<hbm>> -> memref<16384x2048xf32, #tpu.memory_space<hbm>>
    tpu.wait_indirect_dma semaphore(%arg17 : memref<!tpu.dma_semaphore, #tpu.memory_space<semaphore_mem>>) src(%dma_wait3A_1125 : memref<16384x2048xf32, #tpu.memory_space<hbm>>) dst(%dma_wait3A_1118 : memref<16x2048xf32, #tpu.memory_space<vmem>>)
    %iota3A_1126 = tpu.iota {dimensions = array<i32: 0>} : vector<16xi32>
    %add3A_1127 = arith.constant 0 : i32
    %add3A_1128 = vector.broadcast %add3A_1127 : i32 to vector<16xi32>
    %add3A_1129 = arith.addi %iota3A_1126, %add3A_1128 : vector<16xi32>
    %get3A_1130 = arith.constant 352 : index
    %get3A_1131 = tpu.vector_load %arg9[%get3A_1130] {strides = array<i32>} : memref<384xi32, #tpu.memory_space<vmem>>, vector<16xi32>,
    %get3A_1132 = arith.constant 352 : index
    %get3A_1133 = tpu.vector_load %arg10[%get3A_1132] {strides = array<i32>} : memref<384xf32, #tpu.memory_space<vmem>>, vector<16xf32>,
    %gather3A_1134 = arith.constant 0 : i32
    %gather3A_1135 = arith.constant 0 : i32
    %gather3A_1136 = arith.constant 0 : i32
    %gather3A_1137 = tpu.memref_slice %arg12[%gather3A_1134, %gather3A_1135, %gather3A_1136] : memref<2x16x2048xf32, #tpu.memory_space<vmem>> -> memref<1x16x2048xf32, #tpu.memory_space<vmem>>
    %gather3A_1138 = tpu.memref_squeeze %gather3A_1137 : memref<1x16x2048xf32, #tpu.memory_space<vmem>> -> memref<16x2048xf32, #tpu.memory_space<vmem>>
    %gather3A_1139 = tpu.vector_load_idx %gather3A_1138[%add3A_1129, %get3A_1131] : memref<16x2048xf32, #tpu.memory_space<vmem>>[vector<16xi32>, vector<16xi32>], vector<16xf32>,
    %mul3A_1140 = arith.mulf %get3A_1133, %gather3A_1139 : vector<16xf32>
    %swap3A_1141 = arith.constant 352 : index
    %swap3A_1142 = tpu.vector_load %arg15[%swap3A_1141] {strides = array<i32>} : memref<384xf32, #tpu.memory_space<vmem>>, vector<16xf32>,
    tpu.vector_store %arg15[%swap3A_1141], %mul3A_1140 {strides = array<i32>} : memref<384xf32, #tpu.memory_space<vmem>>, vector<16xf32>,
    %dma_wait3A_1143 = arith.constant 23 : i32
    %dma_wait3A_1144 = arith.constant 1 : i32
    %dma_wait3A_1145 = arith.constant 0 : i32
    %dma_wait3A_1146 = arith.constant 0 : i32
    %dma_wait3A_1147 = tpu.memref_slice %arg12[%dma_wait3A_1144, %dma_wait3A_1145, %dma_wait3A_1146] : memref<2x16x2048xf32, #tpu.memory_space<vmem>> -> memref<1x16x2048xf32, #tpu.memory_space<vmem>>
    %dma_wait3A_1148 = tpu.memref_squeeze %dma_wait3A_1147 : memref<1x16x2048xf32, #tpu.memory_space<vmem>> -> memref<16x2048xf32, #tpu.memory_space<vmem>>
    %dma_wait3A_1149 = arith.constant 0 : i32
    %dma_wait3A_1150 = tpu.memref_slice %arg11[%dma_wait3A_1143, %dma_wait3A_1149] : memref<24x16xi32, #tpu.memory_space<vmem>> -> memref<1x16xi32, #tpu.memory_space<vmem>>
    %dma_wait3A_1151 = tpu.memref_squeeze %dma_wait3A_1150 : memref<1x16xi32, #tpu.memory_space<vmem>> -> memref<16xi32, #tpu.memory_space<vmem>>
    %dma_wait3A_1152 = tpu.memref_reshape %arg6 : memref<8x2048x2048xf32, #tpu.memory_space<hbm>> -> memref<16384x2048xf32, #tpu.memory_space<hbm>>
    %dma_wait3A_1153 = arith.constant 0 : i32
    %dma_wait3A_1154 = arith.constant 0 : i32
    %dma_wait3A_1155 = tpu.memref_slice %dma_wait3A_1152[%dma_wait3A_1153, %dma_wait3A_1154] : memref<16384x2048xf32, #tpu.memory_space<hbm>> -> memref<16384x2048xf32, #tpu.memory_space<hbm>>
    tpu.wait_indirect_dma semaphore(%arg18 : memref<!tpu.dma_semaphore, #tpu.memory_space<semaphore_mem>>) src(%dma_wait3A_1155 : memref<16384x2048xf32, #tpu.memory_space<hbm>>) dst(%dma_wait3A_1148 : memref<16x2048xf32, #tpu.memory_space<vmem>>)
    %iota3A_1156 = tpu.iota {dimensions = array<i32: 0>} : vector<16xi32>
    %add3A_1157 = arith.constant 0 : i32
    %add3A_1158 = vector.broadcast %add3A_1157 : i32 to vector<16xi32>
    %add3A_1159 = arith.addi %iota3A_1156, %add3A_1158 : vector<16xi32>
    %get3A_1160 = arith.constant 368 : index
    %get3A_1161 = tpu.vector_load %arg9[%get3A_1160] {strides = array<i32>} : memref<384xi32, #tpu.memory_space<vmem>>, vector<16xi32>,
    %get3A_1162 = arith.constant 368 : index
    %get3A_1163 = tpu.vector_load %arg10[%get3A_1162] {strides = array<i32>} : memref<384xf32, #tpu.memory_space<vmem>>, vector<16xf32>,
    %gather3A_1164 = arith.constant 1 : i32
    %gather3A_1165 = arith.constant 0 : i32
    %gather3A_1166 = arith.constant 0 : i32
    %gather3A_1167 = tpu.memref_slice %arg12[%gather3A_1164, %gather3A_1165, %gather3A_1166] : memref<2x16x2048xf32, #tpu.memory_space<vmem>> -> memref<1x16x2048xf32, #tpu.memory_space<vmem>>
    %gather3A_1168 = tpu.memref_squeeze %gather3A_1167 : memref<1x16x2048xf32, #tpu.memory_space<vmem>> -> memref<16x2048xf32, #tpu.memory_space<vmem>>
    %gather3A_1169 = tpu.vector_load_idx %gather3A_1168[%add3A_1159, %get3A_1161] : memref<16x2048xf32, #tpu.memory_space<vmem>>[vector<16xi32>, vector<16xi32>], vector<16xf32>,
    %mul3A_1170 = arith.mulf %get3A_1163, %gather3A_1169 : vector<16xf32>
    %swap3A_1171 = arith.constant 368 : index
    %swap3A_1172 = tpu.vector_load %arg15[%swap3A_1171] {strides = array<i32>} : memref<384xf32, #tpu.memory_space<vmem>>, vector<16xf32>,
    tpu.vector_store %arg15[%swap3A_1171], %mul3A_1170 {strides = array<i32>} : memref<384xf32, #tpu.memory_space<vmem>>, vector<16xf32>,
    %broadcast_in_dim3A = arith.constant 0.000000e+00 : f32
    %broadcast_in_dim3A_1173 = vector.broadcast %broadcast_in_dim3A : f32 to vector<16xf32>
    %get3A_1174 = arith.constant 0 : index
    %get3A_1175 = tpu.vector_load %arg15[%get3A_1174] {strides = array<i32>} : memref<384xf32, #tpu.memory_space<vmem>>, vector<16xf32>,
    %add3A_1176 = arith.addf %broadcast_in_dim3A_1173, %get3A_1175 : vector<16xf32>
    %get3A_1177 = arith.constant 16 : index
    %get3A_1178 = tpu.vector_load %arg15[%get3A_1177] {strides = array<i32>} : memref<384xf32, #tpu.memory_space<vmem>>, vector<16xf32>,
    %add3A_1179 = arith.addf %add3A_1176, %get3A_1178 : vector<16xf32>
    %get3A_1180 = arith.constant 32 : index
    %get3A_1181 = tpu.vector_load %arg15[%get3A_1180] {strides = array<i32>} : memref<384xf32, #tpu.memory_space<vmem>>, vector<16xf32>,
    %add3A_1182 = arith.addf %add3A_1179, %get3A_1181 : vector<16xf32>
    %get3A_1183 = arith.constant 48 : index
    %get3A_1184 = tpu.vector_load %arg15[%get3A_1183] {strides = array<i32>} : memref<384xf32, #tpu.memory_space<vmem>>, vector<16xf32>,
    %add3A_1185 = arith.addf %add3A_1182, %get3A_1184 : vector<16xf32>
    %get3A_1186 = arith.constant 64 : index
    %get3A_1187 = tpu.vector_load %arg15[%get3A_1186] {strides = array<i32>} : memref<384xf32, #tpu.memory_space<vmem>>, vector<16xf32>,
    %add3A_1188 = arith.addf %add3A_1185, %get3A_1187 : vector<16xf32>
    %get3A_1189 = arith.constant 80 : index
    %get3A_1190 = tpu.vector_load %arg15[%get3A_1189] {strides = array<i32>} : memref<384xf32, #tpu.memory_space<vmem>>, vector<16xf32>,
    %add3A_1191 = arith.addf %add3A_1188, %get3A_1190 : vector<16xf32>
    %get3A_1192 = arith.constant 96 : index
    %get3A_1193 = tpu.vector_load %arg15[%get3A_1192] {strides = array<i32>} : memref<384xf32, #tpu.memory_space<vmem>>, vector<16xf32>,
    %add3A_1194 = arith.addf %add3A_1191, %get3A_1193 : vector<16xf32>
    %get3A_1195 = arith.constant 112 : index
    %get3A_1196 = tpu.vector_load %arg15[%get3A_1195] {strides = array<i32>} : memref<384xf32, #tpu.memory_space<vmem>>, vector<16xf32>,
    %add3A_1197 = arith.addf %add3A_1194, %get3A_1196 : vector<16xf32>
    %get3A_1198 = arith.constant 128 : index
    %get3A_1199 = tpu.vector_load %arg15[%get3A_1198] {strides = array<i32>} : memref<384xf32, #tpu.memory_space<vmem>>, vector<16xf32>,
    %add3A_1200 = arith.addf %add3A_1197, %get3A_1199 : vector<16xf32>
    %get3A_1201 = arith.constant 144 : index
    %get3A_1202 = tpu.vector_load %arg15[%get3A_1201] {strides = array<i32>} : memref<384xf32, #tpu.memory_space<vmem>>, vector<16xf32>,
    %add3A_1203 = arith.addf %add3A_1200, %get3A_1202 : vector<16xf32>
    %get3A_1204 = arith.constant 160 : index
    %get3A_1205 = tpu.vector_load %arg15[%get3A_1204] {strides = array<i32>} : memref<384xf32, #tpu.memory_space<vmem>>, vector<16xf32>,
    %add3A_1206 = arith.addf %add3A_1203, %get3A_1205 : vector<16xf32>
    %get3A_1207 = arith.constant 176 : index
    %get3A_1208 = tpu.vector_load %arg15[%get3A_1207] {strides = array<i32>} : memref<384xf32, #tpu.memory_space<vmem>>, vector<16xf32>,
    %add3A_1209 = arith.addf %add3A_1206, %get3A_1208 : vector<16xf32>
    %get3A_1210 = arith.constant 192 : index
    %get3A_1211 = tpu.vector_load %arg15[%get3A_1210] {strides = array<i32>} : memref<384xf32, #tpu.memory_space<vmem>>, vector<16xf32>,
    %add3A_1212 = arith.addf %add3A_1209, %get3A_1211 : vector<16xf32>
    %get3A_1213 = arith.constant 208 : index
    %get3A_1214 = tpu.vector_load %arg15[%get3A_1213] {strides = array<i32>} : memref<384xf32, #tpu.memory_space<vmem>>, vector<16xf32>,
    %add3A_1215 = arith.addf %add3A_1212, %get3A_1214 : vector<16xf32>
    %get3A_1216 = arith.constant 224 : index
    %get3A_1217 = tpu.vector_load %arg15[%get3A_1216] {strides = array<i32>} : memref<384xf32, #tpu.memory_space<vmem>>, vector<16xf32>,
    %add3A_1218 = arith.addf %add3A_1215, %get3A_1217 : vector<16xf32>
    %get3A_1219 = arith.constant 240 : index
    %get3A_1220 = tpu.vector_load %arg15[%get3A_1219] {strides = array<i32>} : memref<384xf32, #tpu.memory_space<vmem>>, vector<16xf32>,
    %add3A_1221 = arith.addf %add3A_1218, %get3A_1220 : vector<16xf32>
    %get3A_1222 = arith.constant 256 : index
    %get3A_1223 = tpu.vector_load %arg15[%get3A_1222] {strides = array<i32>} : memref<384xf32, #tpu.memory_space<vmem>>, vector<16xf32>,
    %add3A_1224 = arith.addf %add3A_1221, %get3A_1223 : vector<16xf32>
    %get3A_1225 = arith.constant 272 : index
    %get3A_1226 = tpu.vector_load %arg15[%get3A_1225] {strides = array<i32>} : memref<384xf32, #tpu.memory_space<vmem>>, vector<16xf32>,
    %add3A_1227 = arith.addf %add3A_1224, %get3A_1226 : vector<16xf32>
    %get3A_1228 = arith.constant 288 : index
    %get3A_1229 = tpu.vector_load %arg15[%get3A_1228] {strides = array<i32>} : memref<384xf32, #tpu.memory_space<vmem>>, vector<16xf32>,
    %add3A_1230 = arith.addf %add3A_1227, %get3A_1229 : vector<16xf32>
    %get3A_1231 = arith.constant 304 : index
    %get3A_1232 = tpu.vector_load %arg15[%get3A_1231] {strides = array<i32>} : memref<384xf32, #tpu.memory_space<vmem>>, vector<16xf32>,
    %add3A_1233 = arith.addf %add3A_1230, %get3A_1232 : vector<16xf32>
    %get3A_1234 = arith.constant 320 : index
    %get3A_1235 = tpu.vector_load %arg15[%get3A_1234] {strides = array<i32>} : memref<384xf32, #tpu.memory_space<vmem>>, vector<16xf32>,
    %add3A_1236 = arith.addf %add3A_1233, %get3A_1235 : vector<16xf32>
    %get3A_1237 = arith.constant 336 : index
    %get3A_1238 = tpu.vector_load %arg15[%get3A_1237] {strides = array<i32>} : memref<384xf32, #tpu.memory_space<vmem>>, vector<16xf32>,
    %add3A_1239 = arith.addf %add3A_1236, %get3A_1238 : vector<16xf32>
    %get3A_1240 = arith.constant 352 : index
    %get3A_1241 = tpu.vector_load %arg15[%get3A_1240] {strides = array<i32>} : memref<384xf32, #tpu.memory_space<vmem>>, vector<16xf32>,
    %add3A_1242 = arith.addf %add3A_1239, %get3A_1241 : vector<16xf32>
    %get3A_1243 = arith.constant 368 : index
    %get3A_1244 = tpu.vector_load %arg15[%get3A_1243] {strides = array<i32>} : memref<384xf32, #tpu.memory_space<vmem>>, vector<16xf32>,
    %add3A_1245 = arith.addf %add3A_1242, %get3A_1244 : vector<16xf32>
    %jit3A = arith.constant 4 : i32
    %div3A = arith.divsi %add3A, %jit3A : i32
    %sign3A = arith.constant 0 : i32
    %sign3A_1246 = arith.cmpi sgt, %add3A, %sign3A : i32
    %sign3A_1247 = arith.extui %sign3A_1246 : i1 to i32
    %sign3A_1248 = arith.constant 0 : i32
    %sign3A_1249 = arith.cmpi slt, %add3A, %sign3A_1248 : i32
    %sign3A_1250 = arith.extui %sign3A_1249 : i1 to i32
    %sign3A_1251 = arith.subi %sign3A_1247, %sign3A_1250 : i32
    %sign3A_1252 = arith.constant 0 : i32
    %sign3A_1253 = arith.cmpi sgt, %jit3A, %sign3A_1252 : i32
    %sign3A_1254 = arith.extui %sign3A_1253 : i1 to i32
    %sign3A_1255 = arith.constant 0 : i32
    %sign3A_1256 = arith.cmpi slt, %jit3A, %sign3A_1255 : i32
    %sign3A_1257 = arith.extui %sign3A_1256 : i1 to i32
    %sign3A_1258 = arith.subi %sign3A_1254, %sign3A_1257 : i32
    %ne3A = arith.cmpi ne, %sign3A_1251, %sign3A_1258 : i32
    %rem3A = arith.remsi %add3A, %jit3A : i32
    %ne3A_1259 = arith.constant 0 : i32
    %ne3A_1260 = arith.cmpi ne, %rem3A, %ne3A_1259 : i32
    %and3A = arith.andi %ne3A, %ne3A_1260 : i1
    %sub3A = arith.constant 1 : i32
    %sub3A_1261 = arith.subi %div3A, %sub3A : i32
    %select_n3A = arith.select %and3A, %sub3A_1261, %div3A : i32
    %jit3A_1262 = arith.constant 4 : i32
    %eq3A = arith.constant 0 : i32
    %eq3A_1263 = arith.cmpi eq, %jit3A_1262, %eq3A : i32
    %jit3A_1264 = arith.constant 1 : i32
    %select_n3A_1265 = arith.select %eq3A_1263, %jit3A_1264, %jit3A_1262 : i32
    %rem3A_1266 = arith.remsi %add3A, %select_n3A_1265 : i32
    %ne3A_1267 = arith.constant 0 : i32
    %ne3A_1268 = arith.cmpi ne, %rem3A_1266, %ne3A_1267 : i32
    %lt3A = arith.constant 0 : i32
    %lt3A_1269 = arith.cmpi slt, %rem3A_1266, %lt3A : i32
    %lt3A_1270 = arith.constant 0 : i32
    %lt3A_1271 = arith.cmpi slt, %select_n3A_1265, %lt3A_1270 : i32
    %ne3A_1272 = arith.xori %lt3A_1269, %lt3A_1271 : i1
    %and3A_1273 = arith.andi %ne3A_1272, %ne3A_1268 : i1
    %add3A_1274 = arith.addi %rem3A_1266, %select_n3A_1265 : i32
    %select_n3A_1275 = arith.select %and3A_1273, %add3A_1274, %rem3A_1266 : i32
    %mul3A_1276 = arith.constant 2048 : i32
    %mul3A_1277 = arith.muli %select_n3A, %mul3A_1276 : i32
    %add3A_1278 = arith.constant 2048 : i32
    %add3A_1279 = arith.addi %mul3A_1277, %add3A_1278 : i32
    %sub3A_1280 = arith.constant 1 : i32
    %sub3A_1281 = arith.subi %add3A_1279, %sub3A_1280 : i32
    "tpu.region"() ({
      %run_scoped3A = tpu.sem_alloc : memref<!tpu.dma_semaphore, #tpu.memory_space<semaphore_mem>>
      %dma_start3A_1361 = tpu.memref_reshape %arg6 : memref<8x2048x2048xf32, #tpu.memory_space<hbm>> -> memref<16384x2048xf32, #tpu.memory_space<hbm>>
      %dma_start3A_1362 = arith.constant 0 : i32
      %dma_start3A_1363 = tpu.memref_slice %dma_start3A_1361[%sub3A_1281, %dma_start3A_1362] : memref<16384x2048xf32, #tpu.memory_space<hbm>> -> memref<1x2048xf32, #tpu.memory_space<hbm>>
      %dma_start3A_1364 = tpu.memref_reshape %arg6 : memref<8x2048x2048xf32, #tpu.memory_space<hbm>> -> memref<16384x2048xf32, #tpu.memory_space<hbm>>
      %dma_start3A_1365 = arith.constant 0 : i32
      %dma_start3A_1366 = tpu.memref_slice %dma_start3A_1364[%sub3A_1281, %dma_start3A_1365] : memref<16384x2048xf32, #tpu.memory_space<hbm>> -> memref<1x2048xf32, #tpu.memory_space<hbm>>
      tpu.enqueue_dma source(%dma_start3A_1366 : memref<1x2048xf32, #tpu.memory_space<hbm>>) target(%arg13 : memref<1x2048xf32, #tpu.memory_space<vmem>>) target_semaphore(%run_scoped3A : memref<!tpu.dma_semaphore, #tpu.memory_space<semaphore_mem>>)
      %dma_wait3A_1367 = tpu.memref_reshape %arg6 : memref<8x2048x2048xf32, #tpu.memory_space<hbm>> -> memref<16384x2048xf32, #tpu.memory_space<hbm>>
      %dma_wait3A_1368 = arith.constant 0 : i32
      %dma_wait3A_1369 = tpu.memref_slice %dma_wait3A_1367[%sub3A_1281, %dma_wait3A_1368] : memref<16384x2048xf32, #tpu.memory_space<hbm>> -> memref<1x2048xf32, #tpu.memory_space<hbm>>
      %dma_wait3A_1370 = tpu.memref_reshape %arg6 : memref<8x2048x2048xf32, #tpu.memory_space<hbm>> -> memref<16384x2048xf32, #tpu.memory_space<hbm>>
      %dma_wait3A_1371 = arith.constant 0 : i32
      %dma_wait3A_1372 = tpu.memref_slice %dma_wait3A_1370[%sub3A_1281, %dma_wait3A_1371] : memref<16384x2048xf32, #tpu.memory_space<hbm>> -> memref<1x2048xf32, #tpu.memory_space<hbm>>
      tpu.wait_dma2 semaphore(%run_scoped3A : memref<!tpu.dma_semaphore, #tpu.memory_space<semaphore_mem>>) src(%dma_wait3A_1372 : memref<1x2048xf32, #tpu.memory_space<hbm>>) dst(%arg13 : memref<1x2048xf32, #tpu.memory_space<vmem>>)
      tpu.yield
    }) : () -> ()
    %mul3A_1282 = arith.constant 512 : i32
    %mul3A_1283 = arith.muli %select_n3A, %mul3A_1282 : i32
    %mul3A_1284 = arith.constant 128 : i32
    %mul3A_1285 = arith.muli %select_n3A_1275, %mul3A_1284 : i32
    %add3A_1286 = arith.addi %mul3A_1283, %mul3A_1285 : i32
    "tpu.region"() ({
      %run_scoped3A = tpu.sem_alloc : memref<!tpu.dma_semaphore, #tpu.memory_space<semaphore_mem>>
      %dma_start3A_1361 = tpu.memref_slice %arg5[%add3A_1286] : memref<4096xi32, #tpu.memory_space<hbm>> -> memref<128xi32, #tpu.memory_space<hbm>>
      %dma_start3A_1362 = tpu.memref_slice %arg5[%add3A_1286] : memref<4096xi32, #tpu.memory_space<hbm>> -> memref<128xi32, #tpu.memory_space<hbm>>
      tpu.enqueue_dma source(%dma_start3A_1362 : memref<128xi32, #tpu.memory_space<hbm>>) target(%arg14 : memref<128xi32, #tpu.memory_space<vmem>>) target_semaphore(%run_scoped3A : memref<!tpu.dma_semaphore, #tpu.memory_space<semaphore_mem>>)
      %dma_wait3A_1363 = tpu.memref_slice %arg5[%add3A_1286] : memref<4096xi32, #tpu.memory_space<hbm>> -> memref<128xi32, #tpu.memory_space<hbm>>
      %dma_wait3A_1364 = tpu.memref_slice %arg5[%add3A_1286] : memref<4096xi32, #tpu.memory_space<hbm>> -> memref<128xi32, #tpu.memory_space<hbm>>
      tpu.wait_dma2 semaphore(%run_scoped3A : memref<!tpu.dma_semaphore, #tpu.memory_space<semaphore_mem>>) src(%dma_wait3A_1364 : memref<128xi32, #tpu.memory_space<hbm>>) dst(%arg14 : memref<128xi32, #tpu.memory_space<vmem>>)
      tpu.yield
    }) : () -> ()
    %broadcast_in_dim3A_1287 = arith.constant 0 : i32
    %broadcast_in_dim3A_1288 = vector.broadcast %broadcast_in_dim3A_1287 : i32 to vector<16xi32>
    %get3A_1289 = arith.constant 0 : index
    %get3A_1290 = tpu.vector_load %arg14[%get3A_1289] {strides = array<i32>} : memref<128xi32, #tpu.memory_space<vmem>>, vector<16xi32>,
    %gather3A_1291 = tpu.vector_load_idx %arg13[%broadcast_in_dim3A_1288, %get3A_1290] : memref<1x2048xf32, #tpu.memory_space<vmem>>[vector<16xi32>, vector<16xi32>], vector<16xf32>,
    %swap3A_1292 = arith.constant 0 : index
    %swap3A_1293 = tpu.vector_load %arg15[%swap3A_1292] {strides = array<i32>} : memref<384xf32, #tpu.memory_space<vmem>>, vector<16xf32>,
    tpu.vector_store %arg15[%swap3A_1292], %gather3A_1291 {strides = array<i32>} : memref<384xf32, #tpu.memory_space<vmem>>, vector<16xf32>,
    %get3A_1294 = arith.constant 16 : index
    %get3A_1295 = tpu.vector_load %arg14[%get3A_1294] {strides = array<i32>} : memref<128xi32, #tpu.memory_space<vmem>>, vector<16xi32>,
    %gather3A_1296 = tpu.vector_load_idx %arg13[%broadcast_in_dim3A_1288, %get3A_1295] : memref<1x2048xf32, #tpu.memory_space<vmem>>[vector<16xi32>, vector<16xi32>], vector<16xf32>,
    %swap3A_1297 = arith.constant 16 : index
    %swap3A_1298 = tpu.vector_load %arg15[%swap3A_1297] {strides = array<i32>} : memref<384xf32, #tpu.memory_space<vmem>>, vector<16xf32>,
    tpu.vector_store %arg15[%swap3A_1297], %gather3A_1296 {strides = array<i32>} : memref<384xf32, #tpu.memory_space<vmem>>, vector<16xf32>,
    %get3A_1299 = arith.constant 32 : index
    %get3A_1300 = tpu.vector_load %arg14[%get3A_1299] {strides = array<i32>} : memref<128xi32, #tpu.memory_space<vmem>>, vector<16xi32>,
    %gather3A_1301 = tpu.vector_load_idx %arg13[%broadcast_in_dim3A_1288, %get3A_1300] : memref<1x2048xf32, #tpu.memory_space<vmem>>[vector<16xi32>, vector<16xi32>], vector<16xf32>,
    %swap3A_1302 = arith.constant 32 : index
    %swap3A_1303 = tpu.vector_load %arg15[%swap3A_1302] {strides = array<i32>} : memref<384xf32, #tpu.memory_space<vmem>>, vector<16xf32>,
    tpu.vector_store %arg15[%swap3A_1302], %gather3A_1301 {strides = array<i32>} : memref<384xf32, #tpu.memory_space<vmem>>, vector<16xf32>,
    %get3A_1304 = arith.constant 48 : index
    %get3A_1305 = tpu.vector_load %arg14[%get3A_1304] {strides = array<i32>} : memref<128xi32, #tpu.memory_space<vmem>>, vector<16xi32>,
    %gather3A_1306 = tpu.vector_load_idx %arg13[%broadcast_in_dim3A_1288, %get3A_1305] : memref<1x2048xf32, #tpu.memory_space<vmem>>[vector<16xi32>, vector<16xi32>], vector<16xf32>,
    %swap3A_1307 = arith.constant 48 : index
    %swap3A_1308 = tpu.vector_load %arg15[%swap3A_1307] {strides = array<i32>} : memref<384xf32, #tpu.memory_space<vmem>>, vector<16xf32>,
    tpu.vector_store %arg15[%swap3A_1307], %gather3A_1306 {strides = array<i32>} : memref<384xf32, #tpu.memory_space<vmem>>, vector<16xf32>,
    %get3A_1309 = arith.constant 64 : index
    %get3A_1310 = tpu.vector_load %arg14[%get3A_1309] {strides = array<i32>} : memref<128xi32, #tpu.memory_space<vmem>>, vector<16xi32>,
    %gather3A_1311 = tpu.vector_load_idx %arg13[%broadcast_in_dim3A_1288, %get3A_1310] : memref<1x2048xf32, #tpu.memory_space<vmem>>[vector<16xi32>, vector<16xi32>], vector<16xf32>,
    %swap3A_1312 = arith.constant 64 : index
    %swap3A_1313 = tpu.vector_load %arg15[%swap3A_1312] {strides = array<i32>} : memref<384xf32, #tpu.memory_space<vmem>>, vector<16xf32>,
    tpu.vector_store %arg15[%swap3A_1312], %gather3A_1311 {strides = array<i32>} : memref<384xf32, #tpu.memory_space<vmem>>, vector<16xf32>,
    %get3A_1314 = arith.constant 80 : index
    %get3A_1315 = tpu.vector_load %arg14[%get3A_1314] {strides = array<i32>} : memref<128xi32, #tpu.memory_space<vmem>>, vector<16xi32>,
    %gather3A_1316 = tpu.vector_load_idx %arg13[%broadcast_in_dim3A_1288, %get3A_1315] : memref<1x2048xf32, #tpu.memory_space<vmem>>[vector<16xi32>, vector<16xi32>], vector<16xf32>,
    %swap3A_1317 = arith.constant 80 : index
    %swap3A_1318 = tpu.vector_load %arg15[%swap3A_1317] {strides = array<i32>} : memref<384xf32, #tpu.memory_space<vmem>>, vector<16xf32>,
    tpu.vector_store %arg15[%swap3A_1317], %gather3A_1316 {strides = array<i32>} : memref<384xf32, #tpu.memory_space<vmem>>, vector<16xf32>,
    %get3A_1319 = arith.constant 96 : index
    %get3A_1320 = tpu.vector_load %arg14[%get3A_1319] {strides = array<i32>} : memref<128xi32, #tpu.memory_space<vmem>>, vector<16xi32>,
    %gather3A_1321 = tpu.vector_load_idx %arg13[%broadcast_in_dim3A_1288, %get3A_1320] : memref<1x2048xf32, #tpu.memory_space<vmem>>[vector<16xi32>, vector<16xi32>], vector<16xf32>,
    %swap3A_1322 = arith.constant 96 : index
    %swap3A_1323 = tpu.vector_load %arg15[%swap3A_1322] {strides = array<i32>} : memref<384xf32, #tpu.memory_space<vmem>>, vector<16xf32>,
    tpu.vector_store %arg15[%swap3A_1322], %gather3A_1321 {strides = array<i32>} : memref<384xf32, #tpu.memory_space<vmem>>, vector<16xf32>,
    %get3A_1324 = arith.constant 112 : index
    %get3A_1325 = tpu.vector_load %arg14[%get3A_1324] {strides = array<i32>} : memref<128xi32, #tpu.memory_space<vmem>>, vector<16xi32>,
    %gather3A_1326 = tpu.vector_load_idx %arg13[%broadcast_in_dim3A_1288, %get3A_1325] : memref<1x2048xf32, #tpu.memory_space<vmem>>[vector<16xi32>, vector<16xi32>], vector<16xf32>,
    %swap3A_1327 = arith.constant 112 : index
    %swap3A_1328 = tpu.vector_load %arg15[%swap3A_1327] {strides = array<i32>} : memref<384xf32, #tpu.memory_space<vmem>>, vector<16xf32>,
    tpu.vector_store %arg15[%swap3A_1327], %gather3A_1326 {strides = array<i32>} : memref<384xf32, #tpu.memory_space<vmem>>, vector<16xf32>,
    %broadcast_in_dim3A_1329 = arith.constant 0.000000e+00 : f32
    %broadcast_in_dim3A_1330 = vector.broadcast %broadcast_in_dim3A_1329 : f32 to vector<16xf32>
    %get3A_1331 = arith.constant 0 : index
    %get3A_1332 = tpu.vector_load %arg15[%get3A_1331] {strides = array<i32>} : memref<384xf32, #tpu.memory_space<vmem>>, vector<16xf32>,
    %add3A_1333 = arith.addf %broadcast_in_dim3A_1330, %get3A_1332 : vector<16xf32>
    %get3A_1334 = arith.constant 16 : index
    %get3A_1335 = tpu.vector_load %arg15[%get3A_1334] {strides = array<i32>} : memref<384xf32, #tpu.memory_space<vmem>>, vector<16xf32>,
    %add3A_1336 = arith.addf %add3A_1333, %get3A_1335 : vector<16xf32>
    %get3A_1337 = arith.constant 32 : index
    %get3A_1338 = tpu.vector_load %arg15[%get3A_1337] {strides = array<i32>} : memref<384xf32, #tpu.memory_space<vmem>>, vector<16xf32>,
    %add3A_1339 = arith.addf %add3A_1336, %get3A_1338 : vector<16xf32>
    %get3A_1340 = arith.constant 48 : index
    %get3A_1341 = tpu.vector_load %arg15[%get3A_1340] {strides = array<i32>} : memref<384xf32, #tpu.memory_space<vmem>>, vector<16xf32>,
    %add3A_1342 = arith.addf %add3A_1339, %get3A_1341 : vector<16xf32>
    %get3A_1343 = arith.constant 64 : index
    %get3A_1344 = tpu.vector_load %arg15[%get3A_1343] {strides = array<i32>} : memref<384xf32, #tpu.memory_space<vmem>>, vector<16xf32>,
    %add3A_1345 = arith.addf %add3A_1342, %get3A_1344 : vector<16xf32>
    %get3A_1346 = arith.constant 80 : index
    %get3A_1347 = tpu.vector_load %arg15[%get3A_1346] {strides = array<i32>} : memref<384xf32, #tpu.memory_space<vmem>>, vector<16xf32>,
    %add3A_1348 = arith.addf %add3A_1345, %get3A_1347 : vector<16xf32>
    %get3A_1349 = arith.constant 96 : index
    %get3A_1350 = tpu.vector_load %arg15[%get3A_1349] {strides = array<i32>} : memref<384xf32, #tpu.memory_space<vmem>>, vector<16xf32>,
    %add3A_1351 = arith.addf %add3A_1348, %get3A_1350 : vector<16xf32>
    %get3A_1352 = arith.constant 112 : index
    %get3A_1353 = tpu.vector_load %arg15[%get3A_1352] {strides = array<i32>} : memref<384xf32, #tpu.memory_space<vmem>>, vector<16xf32>,
    %add3A_1354 = arith.addf %add3A_1351, %get3A_1353 : vector<16xf32>
    %mul3A_1355 = arith.constant -2.44140625E-4 : f32
    %mul3A_1356 = vector.broadcast %mul3A_1355 : f32 to vector<16xf32>
    %mul3A_1357 = arith.mulf %mul3A_1356, %add3A_1354 : vector<16xf32>
    %add3A_1358 = arith.addf %add3A_1245, %mul3A_1357 : vector<16xf32>
    %swap3A_1359 = arith.constant 0 : index
    %swap3A_1360 = tpu.vector_load %arg16[%swap3A_1359] {strides = array<i32>} : memref<16xf32, #tpu.memory_space<vmem>>, vector<16xf32>,
    tpu.vector_store %arg16[%swap3A_1359], %add3A_1358 {strides = array<i32>} : memref<16xf32, #tpu.memory_space<vmem>>, vector<16xf32>,
    "tpu.region"() ({
      %run_scoped3A = tpu.sem_alloc : memref<!tpu.dma_semaphore, #tpu.memory_space<semaphore_mem>>
      %dma_start3A_1361 = arith.constant 0 : i32
      %dma_start3A_1362 = tpu.memref_slice %arg7[%add3A, %dma_start3A_1361] : memref<32x16xf32, #tpu.memory_space<hbm>> -> memref<1x16xf32, #tpu.memory_space<hbm>>
      %dma_start3A_1363 = tpu.memref_squeeze %dma_start3A_1362 : memref<1x16xf32, #tpu.memory_space<hbm>> -> memref<16xf32, #tpu.memory_space<hbm>>
      %dma_start3A_1364 = arith.constant 0 : i32
      %dma_start3A_1365 = tpu.memref_slice %arg7[%add3A, %dma_start3A_1364] : memref<32x16xf32, #tpu.memory_space<hbm>> -> memref<1x16xf32, #tpu.memory_space<hbm>>
      %dma_start3A_1366 = tpu.memref_squeeze %dma_start3A_1365 : memref<1x16xf32, #tpu.memory_space<hbm>> -> memref<16xf32, #tpu.memory_space<hbm>>
      tpu.enqueue_dma source(%arg16 : memref<16xf32, #tpu.memory_space<vmem>>) target(%dma_start3A_1366 : memref<16xf32, #tpu.memory_space<hbm>>) target_semaphore(%run_scoped3A : memref<!tpu.dma_semaphore, #tpu.memory_space<semaphore_mem>>)
      %dma_wait3A_1367 = arith.constant 0 : i32
      %dma_wait3A_1368 = tpu.memref_slice %arg7[%add3A, %dma_wait3A_1367] : memref<32x16xf32, #tpu.memory_space<hbm>> -> memref<1x16xf32, #tpu.memory_space<hbm>>
      %dma_wait3A_1369 = tpu.memref_squeeze %dma_wait3A_1368 : memref<1x16xf32, #tpu.memory_space<hbm>> -> memref<16xf32, #tpu.memory_space<hbm>>
      %dma_wait3A_1370 = arith.constant 0 : i32
      %dma_wait3A_1371 = tpu.memref_slice %arg7[%add3A, %dma_wait3A_1370] : memref<32x16xf32, #tpu.memory_space<hbm>> -> memref<1x16xf32, #tpu.memory_space<hbm>>
      %dma_wait3A_1372 = tpu.memref_squeeze %dma_wait3A_1371 : memref<1x16xf32, #tpu.memory_space<hbm>> -> memref<16xf32, #tpu.memory_space<hbm>>
      tpu.wait_dma2 semaphore(%run_scoped3A : memref<!tpu.dma_semaphore, #tpu.memory_space<semaphore_mem>>) src(%arg16 : memref<16xf32, #tpu.memory_space<vmem>>) dst(%dma_wait3A_1372 : memref<16xf32, #tpu.memory_space<hbm>>)
      tpu.yield
    }) : () -> ()
    return
  }
}

</mosaic_0001>

<sc_bundles>
// kernel: kernel.3.cloned.1.call-start
scs
__scs_entry_jumppad:
0x0: {  	(pc) =	sbr.rel $0x88, $3  }
0x1: {  	(tag) =	ssettag $0x0;
	lr =	simm.s32 $0x1  }
0x2: {  	[smem:$0x3F9D] =	sst lr;
	_ =	strace $0xD0000000  }
0x3: {  	_ = 	snop  }
0x4: {  	_ = 	snop  }
0x5: {  	_ = 	snop  }
0x6: {  	_ = 	snop  }
0x7: {  	_ = 	snop  }
__scs_overlays_trampoline_lowered:
0x8: {  	[smem:$0x3FAC] =	sst s0  }
0x9: {  	[smem:$0x3FAD] =	sst s1  }
0xa: {  	[smem:$0x3FAE] =	sst s2  }
0xb: {  	[smem:$0x3FAF] =	sst s3  }
0xc: {  	[smem:$0x3FB0] =	sst s4  }
0xd: {  	[smem:$0x3FB1] =	sst s5  }
0xe: {  	[smem:$0x3FB2] =	sst s6  }
0xf: {  	[smem:$0x3FB3] =	sst s7  }
0x10: {  	[smem:$0x3FB4] =	sst s8  }
0x11: {  	[smem:$0x3FB5] =	sst s9;
	s0 =	simm.s32 @!p0 $0x0  }
0x12: {  	s1 =	sld [smem:$0x3F9B];
	s0 =	simm.s32 @p0 $0x1  }
0x13: {  	[smem:$0x3FB6] =	sst s0;
	s0 =	simm.s32 @!p1 $0x0  }
0x14: {  	s2 =	sld [smem:$0x3F9A];
	s0 =	simm.s32 @p1 $0x1  }
0x15: {  	[smem:$0x3FB7] =	sst s0;
	s0 =	simm.s32 @!p2 $0x0  }
0x16: {  	s3 =	sld [smem:$0x3FDB];
	s0 =	simm.s32 @p2 $0x1  }
0x17: {  	s4 =	simm.s32 $0x1BF5;
	[smem:$0x3FB9] =	sst s0  }
0x18: {  	s0 =	sld [smem:$0x3F9C];
	_ =	swait.ge [sflag:s4], $0x0  }
0x19: {  	s7 =	sld [smem:$0x3F9D]  }
0x1a: {  	s8 =	sadd.s32 $0xFFFFE003, lr  }
0x1b: {  	s9 =	sadd.s32 $0xFFFFFEF7, lr;
	s5 =	simm.s32 $0xFFFFFFFF;
	p2 =	slt.u32 s8, $0xFFFFF086  }
0x1c: {  	p1 =	slt.u32 s9, $0xF7A;
	s5 =	simm.s32 @!p2 $0x0  }
0x1d: {  	s5 =	simm.s32 @p1 $0x1;
	p0 =	seq.s32 s7, s2  }
0x1e: {  	s7 =	smul.u32 @!p0 $0xF7A, s2;
	p2 =	seq.s32 @!p0 s5, $0x0  }
0x1f: {  	s9 =	smul.u32 $0xF7A, s1;
	s8 =	simm.s32 @!p0 $0x1BF5;
	p2 =	por !p2, p0  }
0x20: {  	[sflag:s8] =	ssyncset.s32 @!p0 $0xFFFFF086;
	s6 =	sadd.s32 @!p0 s3, s7;
	s7 =	simm.s32 @!p0 $0x108  }
0x21: {  	s3 =	sadd.s32 s3, s9;
	s6 =	sadd.s32 @!p0 $0x88, s6;
	s7 =	simm.s32 @p2 $0x1082  }
0x22: {  	[simem:s7], [sflag:s8] =	dma.local @!p0 [hbm:s6], $0xF7A  }
0x23: {  	s9 =	sor.u32 $0xD0000000, s2;
	s6 =	simm.s32 $0x108;
	_ =	swait.ge @!p0 [sflag:s8], $0x0  }
0x24: {  	s3 =	sadd.s32 $0x88, s3;
	s6 =	simm.s32 @!p1 $0x1082;
	[sflag:s4] =	ssyncset.s32 $0xFFFFF086  }
0x25: {  	[simem:s6], [sflag:s4] =	dma.local [hbm:s3], $0xF7A  }
0x26: {  	[smem:$0x3F9D] =	sst s1;
	(tag) =	ssettag s2;
	_ =	strace s9  }
0x27: {  	s1 =	sld [smem:$0x3FAD]  }
0x28: {  	s2 =	sld [smem:$0x3FAE]  }
0x29: {  	s4 =	sld [smem:$0x3FB0]  }
0x2a: {  	p0 =	seq.s32 s5, $0x0;
	s5 =	sld [smem:$0x3FB1]  }
0x2b: {  	s6 =	sld [smem:$0x3FB2]  }
0x2c: {  	s7 =	sld [smem:$0x3FB3]  }
0x2d: {  	s3 =	simm.s32 $0x108;
	s8 =	sld [smem:$0x3FB4]  }
0x2e: {  	s3 =	simm.s32 @!p0 $0x1082;
	s9 =	sld [smem:$0x3FB5]  }
0x2f: {  	lr =	sadd.s32 s0, s3;
	s0 =	sld [smem:$0x3FAC]  }
0x30: {  	s3 =	sld [smem:$0x3FAF]  }
0x31: {  	[smem:$0x3FB8] =	sst s10  }
0x32: {  	s10 =	sld [smem:$0x3FB6];
	_ =	sdelay $0x3  }
0x33: {  	p0 =	seq.s32 s10, $0x1;
	s10 =	sld [smem:$0x3FB8];
	_ =	sdelay $0x3  }
0x34: {  	[smem:$0x3FB8] =	sst s10  }
0x35: {  	s10 =	sld [smem:$0x3FB7];
	_ =	sdelay $0x3  }
0x36: {  	p1 =	seq.s32 s10, $0x1;
	s10 =	sld [smem:$0x3FB8];
	_ =	sdelay $0x3  }
0x37: {  	[smem:$0x3FB8] =	sst s10  }
0x38: {  	s10 =	sld [smem:$0x3FB9]  }
0x39: {  	_ = 	snop;
	(pc) =	sbr.ind lr, $3  }
0x3a: {  	_ = 	snop  }
0x3b: {  	_ = 	snop  }
0x3c: {  	p2 =	seq.s32 s10, $0x1;
	s10 =	sld [smem:$0x3FB8]  }
0x3d: {  	_ =	shalt  }
0x3e: {  	_ =	shalt  }
0x3f: {  	_ =	shalt  }
0x40: {  	_ =	shalt  }
0x41: {  	_ =	shalt  }
0x42: {  	_ =	shalt  }
0x43: {  	_ =	shalt  }
0x44: {  	_ =	shalt  }
0x45: {  	_ =	shalt  }
0x46: {  	_ =	shalt  }
0x47: {  	_ =	shalt  }
0x48: {  	_ =	shalt  }
0x49: {  	_ =	shalt  }
0x4a: {  	_ =	shalt  }
0x4b: {  	_ =	shalt  }
0x4c: {  	_ =	shalt  }
0x4d: {  	_ =	shalt  }
0x4e: {  	_ =	shalt  }
0x4f: {  	_ =	shalt  }
0x50: {  	_ =	shalt  }
0x51: {  	_ =	shalt  }
0x52: {  	_ =	shalt  }
0x53: {  	_ =	shalt  }
0x54: {  	_ =	shalt  }
0x55: {  	_ =	shalt  }
0x56: {  	_ =	shalt  }
0x57: {  	_ =	shalt  }
0x58: {  	_ =	shalt  }
0x59: {  	_ =	shalt  }
0x5a: {  	_ =	shalt  }
0x5b: {  	_ =	shalt  }
0x5c: {  	_ =	shalt  }
0x5d: {  	_ =	shalt  }
0x5e: {  	_ =	shalt  }
0x5f: {  	_ =	shalt  }
0x60: {  	_ =	shalt  }
0x61: {  	_ =	shalt  }
0x62: {  	_ =	shalt  }
0x63: {  	_ =	shalt  }
0x64: {  	_ =	shalt  }
0x65: {  	_ =	shalt  }
0x66: {  	_ =	shalt  }
0x67: {  	_ =	shalt  }
0x68: {  	_ =	shalt  }
0x69: {  	_ =	shalt  }
0x6a: {  	_ =	shalt  }
0x6b: {  	_ =	shalt  }
0x6c: {  	_ =	shalt  }
0x6d: {  	_ =	shalt  }
0x6e: {  	_ =	shalt  }
0x6f: {  	_ =	shalt  }
0x70: {  	_ =	shalt  }
0x71: {  	_ =	shalt  }
0x72: {  	_ =	shalt  }
0x73: {  	_ =	shalt  }
0x74: {  	_ =	shalt  }
0x75: {  	_ =	shalt  }
0x76: {  	_ =	shalt  }
0x77: {  	_ =	shalt  }
0x78: {  	_ =	shalt  }
0x79: {  	_ =	shalt  }
0x7a: {  	_ =	shalt  }
0x7b: {  	_ =	shalt  }
0x7c: {  	_ =	shalt  }
0x7d: {  	_ =	shalt  }
0x7e: {  	_ =	shalt  }
0x7f: {  	_ =	shalt  }
0x80: {  	_ =	shalt  }
0x81: {  	_ =	shalt  }
0x82: {  	_ =	shalt  }
0x83: {  	_ =	shalt  }
0x84: {  	_ =	shalt  }
0x85: {  	_ =	shalt  }
0x86: {  	_ =	shalt  }
0x87: {  	_ =	shalt  }
.Lfunc_end0:
.L_simem_size_0:
called_computation_lowered:
.L_overlay_start_0:
0x88: {  	s2 =	sld [smem:$0x3FD9]  }
0x89: {  	s3 =	sld [smem:$0x3FFE];
	_ =	sdelay $0x1  }
0x8a: {  	s1 =	srdreg.scid  }
0x8b: {  	s0 =	sand.u32 $0x1, s1  }
0x8c: {  	s17 =	sshll.u32 s0, $0xA;
	s2 =	sadd.s32 s3, s2  }
0x8d: {  	s2 =	sadd.s32 s2, s17  }
0x8e: {  	[smem:$0x3FC4] =	sst s2  }
0x8f: {  	_ = 	snop  }
0x90: {  	s2 =	sld [smem:$0x3FC9];
	(tm) =	ssettm $0x1  }
0x91: {  	s18 =	sld [smem:$0x3FFB];
	_ =	sdelay $0x3  }
0x92: {  	_ =	strace s18  }
0x93: {  	s3 =	sld [smem:$0x3FFC];
	_ =	sdelay $0x3  }
0x94: {  	_ =	strace s3  }
0x95: {  	s3 =	sld [smem:$0x3FFD];
	_ =	sdelay $0x3  }
0x96: {  	_ =	strace s3  }
0x97: {  	_ =	strace $0x8FFFFFFF  }
0x98: {  	s19 =	sld [smem:$0x3FDB];
	_ =	sdelay $0x1  }
0x99: {  	s4 =	simm.s32 $_scs_section_size  }
0x9a: {  	s5 =	simm.s32 $_size__tile_overlayer_lowered;
	s6 =	simm.s32 $_tile_overlayer_lowered  }
0x9b: {  	s22 =	simm.s32 $0x1BFF;
	s21 =	sshll.u32 s6, $0x1;
	s3 =	sadd.s32 s4, s19  }
0x9c: {  	s7 =	simm.s32 $0x0;
	s20 =	sshll.u32 s5, $0x1;
	s5 =	sadd.s32 s21, s3  }
0x9d: {  	[timem:s7], [sflag:s22] =	dma.local [hbm:s5], s20  }
0x9e: {  	_ =	swait.ge [sflag:s22], s20  }
0x9f: {  	s4 =	ssub.s32 $0x0, s20;
	[sflag:s22] =	ssyncset.done $0x0  }
0xa0: {  	[sflag:s22] =	ssyncadd.s32 s4;
	_ =	sdelay $0x1  }
0xa1: {  	s23 =	simm.s32 $0x1B8B  }
0xa2: {  	_ =	swait.ge [sflag:s23], $0x1  }
0xa3: {  	[sflag:s23] =	ssyncset.done $0x0  }
0xa4: {  	s25 =	simm.s32 $0x1B8E;
	s24 =	sld [smem:$0x3FFE];
	[sflag:s23] =	ssyncadd.s32 $0xFFFFFFFF  }
0xa5: {  	s26 =	simm.s32 $execute0_lowered;
	[smem:$0x3FD2] =	sst s25  }
0xa6: {  	s5 =	sshll.u32 s26, $0x1;
	_ =	strace $0x80000046;
	[dreg:$0x1] =	wrdreg $0xFFFFFFFF  }
0xa7: {  	s28 =	simm.s32 $_size_execute0_lowered;
	s3 =	sadd.s32 s3, s5;
	[dreg:$0x0] =	wrdreg $0x0  }
0xa8: {  	s5 =	sshll.u32 s28, $0x1;
	[dreg:$0x2] =	wrdreg s3  }
0xa9: {  	[dreg:$0x3] =	wrdreg s5  }
0xaa: {  	[dreg:$0x4] =	wrdreg $0xC0  }
0xab: {  	_ =	task [dreg:s7], $0x5FFFF  }
0xac: {  	[dreg:$0x1] =	wrdreg $0xFFFFFFFF  }
0xad: {  	[dreg:$0x0] =	wrdreg $0x60  }
0xae: {  	[dreg:$0x2] =	wrdreg s24  }
0xaf: {  	[dreg:$0x3] =	wrdreg s2  }
0xb0: {  	[dreg:$0x4] =	wrdreg $0x9  }
0xb1: {  	_ =	task.clear_ibuf [dreg:s7], $0x5FFFF;
	_ =	strace $0x90000046  }
0xb2: {  	s29 =	simm.s32 $0x9;
	_ =	strace $0x80000048  }
0xb3: {  	_ =	swait.ge [sflag:s29], $0x1  }
0xb4: {  	[sflag:s29] =	ssyncadd.s32 $0xFFFFFFFF  }
0xb5: {  	_ =	strace $0x90000048  }
0xb6: {  	_ =	sfence  }
0xb7: {  	s30 =	sld [smem:$0x0];
	_ =	sdelay $0x2  }
0xb8: {  	s31 =	sshll.u32 s1, $0xD;
	s1 =	sshrl.u32 s1, $0x2  }
0xb9: {  	s3 =	sand.u32 $0x4000, s31;
	s1 =	sadd.s32 s1, s30  }
0xba: {  	s0 =	sor.u32 s3, s0;
	s1 =	sshll.u32 s1, $0x11  }
0xbb: {  	s0 =	sor.u32 s1, s0  }
0xbc: {  	s0 =	sadd.s32 $0x8F2B, s0  }
0xbd: {  	[sflag:s0] =	ssyncadd.remote.s32 $0x1  }
0xbe: {  	_ =	sfence.sel $0xFFFF  }
0xbf: {  	[dreg:$0x0] =	wrdreg $0xFFFFFFFF;
	(pc) =	sbr.abs _section_cstart, $3  }
0xc0: {  	[dreg:$0x1] =	wrdreg $0xFFFFFFFF  }
0xc1: {  	_ =	task.clear_ibuf [dreg:s7], $0x2FFFF;
	_ =	strace $0x9FFFFFFF  }
0xc2: {  	(tm) =	ssettm $0x7FFFFFFF  }
0xc3: {  	_ =	shalt  }
tec
execute0_lowered:
.L_overlay_start_1:
0x0: {  	(tag) =	ssettag $0x1  }
0x1: {  	s0 =	srdreg.scid  }
0x2: {  	s6 =	stileid.u32;
	s1 =	rddreg [dreg:$0x0]  }
0x3: {  	s2 =	rddreg [dreg:$0x1];
	s23 =	simm.s32 $0x180;
	s24 =	simm.s32 $0x300  }
0x4: {  	s25 =	simm.s32 $0x80;
	s26 =	simm.s32 $0x400;
	s29 =	simm.s32 $0x11880  }
0x5: {  	s31 =	simm.s32 $0x11A80;
	s28 =	simm.s32 $0x2;
	s30 =	simm.s32 $0x1080  }
0x6: {  	v0 =	vimm.s32 $0x4380;
	vm0 =	vcmask $0x300;
	s17 =	simm.s32 $0x9080;
	s0 =	sand.u32 $0x1, s0;
	s3 =	sshll.u32 s6, $0x1  }
0x7: {  	s6 =	sshrl.u32 s6, $0x1;
	v0 =	vsel vm0, $0x0, v0;
	vm0 =	vcmask $0x704;
	s4 =	sor.u32 s0, s3;
	s3 =	simm.s32 $0x0  }
0x8: {  	s7 =	sshll.u32 s6, $0x6;
	s0 =	ssub.s32 $0x2, s0;
	v0 =	vsel vm0, $0x80, v0;
	vm0 =	vcmask $0xB08;
	[smem:$0x7FF] =	sst s3  }
0x9: {  	s22 =	sshll.u32 s6, $0x13;
	v0 =	vsel vm0, $0x100, v0;
	vm0 =	vcmask $0xF0C;
	_ =	strace $0x80000047;
	[dreg:$0x9] =	wrdreg s23  }
0xa: {  	s6 =	sadd.s32 $0x300, s2;
	s5 =	smul.u32 $0x30, s4;
	[dreg:$0xa] =	wrdreg s24;
	v0 =	vsel vm0, $0x180, v0;
	vm0 =	vcmask $0x1310  }
0xb: {  	s8 =	sadd.s32 s7, s1;
	s18 =	sshll.u32 s4, $0x4;
	[dreg:$0xb] =	wrdreg s25;
	v0 =	vsel vm0, $0x200, v0;
	vm0 =	vcmask $0x1714  }
0xc: {  	s9 =	sshrl.u32 s0, $0x1;
	s4 =	sadd.s32 $0x100, s2;
	[dreg:$0xc] =	wrdreg s26;
	v0 =	vsel vm0, $0x280, v0;
	vm0 =	vcmask $0x1B18  }
0xd: {  	s7 =	sadd.s32 $0x400, s2;
	s0 =	ssub.s32 s0, s9;
	[dreg:$0xd] =	wrdreg s29;
	v0 =	vsel vm0, $0x300, v0;
	vm0 =	vcmask $0x1F1C  }
0xe: {  	s9 =	sadd.s32 s22, s2;
	s10 =	sand.u32 $0x30, s18;
	[dreg:$0xe] =	wrdreg s31;
	v0 =	vsel vm0, $0x380, v0;
	vm0 =	vcmask $0x2320  }
0xf: {  	s26 =	simm.s32 $0x1;
	s5 =	sadd.s32 s5, s1;
	s9 =	sadd.s32 $0x7F870, s9;
	v0 =	vsel vm0, $0x4000, v0;
	vm0 =	vcmask $0x2724  }
0x10: {  	s1 =	sadd.s32 s18, s1;
	s19 =	sadd.s32 $0x400, s5;
	[dreg:$0x6] =	wrdreg s9;
	v0 =	vsel vm0, $0x4080, v0;
	vm0 =	vcmask $0x2B28  }
0x11: {  	v2 =	vlaneseq.u32;
	s10 =	sadd.s32 s10, s8;
	s20 =	sadd.s32 $0xA00, s5;
	[dreg:$0x3] =	wrdreg s19;
	v1 =	vsel vm0, $0x4100, v0;
	vm0 =	vcmask $0x2F2C  }
0x12: {  	vm1 =	vcmask $0x3B38;
	s8 =	sadd.s32 $0x500, s2;
	s21 =	sadd.s32 $0x1000, s5;
	[dreg:$0x4] =	wrdreg s20;
	v1 =	vsel vm0, $0x4180, v1;
	vm0 =	vcmask $0x3330  }
0x13: {  	v3 =	vshrl.u32 v2, $0x3;
	s11 =	smax.u32 s0, $0x1;
	s10 =	sadd.s32 $0x200, s10;
	[dreg:$0x5] =	wrdreg s21;
	v4 =	vsel vm0, $0x4200, v1;
	vm0 =	vcmask $0x3734  }
0x14: {  	s5 =	sadd.s32 $0x200, s2;
	s1 =	sadd.s32 $0x1600, s1;
	[dreg:$0x7] =	wrdreg s10;
	v0 =	vand.u32 $0x7, v2;
	v1 =	vmul.u32 $0x8, v3;
	v3 =	vsel vm0, $0x4280, v4  }
0x15: {  	s9 =	sadd.s32 $0x600, s2;
	s10 =	sadd.s32 $0x700, s2;
	[dreg:$0x8] =	wrdreg s1;
	v2 =	vor.u32 $0x8, v2;
	vm0 =	vmmov $0xffff;
	v3 =	vsel vm1, $0x4300, v3  }
.LBB2_1:
0x16: {  	[dreg:$0xf] =	wrdreg s11  }
0x17: {  	s29 =	rddreg [dreg:$0x3];
	s0 =	simm.s32 $0x3  }
0x18: {  	[tilespmem:s3], [sflag:$0x3] =	stream.linear.gather [hbm4b:s29+s3], $0x180, $0x38;
	[tilespmem:$0x11B00] =	vst v63  }
0x19: {  	_ =	swait.ge [sflag:s0], $0x180  }
0x1a: {  	s1 =	rddreg [dreg:$0x4];
	[sflag:s0] =	ssyncset.done $0x0  }
0x1b: {  	s31 =	rddreg [dreg:$0x9];
	[sflag:s0] =	ssyncadd.s32 $0xFFFFFE80  }
0x1c: {  	[tilespmem:s31], [sflag:$0x3] =	stream.linear.gather [hbm4b:s1+s3], $0x180, $0x38;
	[tilespmem:$0x11B00] =	vst v63  }
0x1d: {  	_ =	swait.ge [sflag:s0], $0x180  }
0x1e: {  	s11 =	rddreg [dreg:$0x5];
	[sflag:s0] =	ssyncset.done $0x0  }
0x1f: {  	s12 =	rddreg [dreg:$0xa];
	[sflag:s0] =	ssyncadd.s32 $0xFFFFFE80  }
0x20: {  	[tilespmem:s12], [sflag:$0x3] =	stream.linear.gather [hbm4b:s11+s3], $0x180, $0x38;
	[tilespmem:$0x11B00] =	vst v63  }
0x21: {  	_ =	swait.ge [sflag:s0], $0x180  }
0x22: {  	[sflag:s0] =	ssyncset.done $0x0  }
0x23: {  	[sflag:s0] =	ssyncadd.s32 $0xFFFFFE80  }
0x24: {  	v4 =	vld [tilespmem:$0x0]  }
0x25: {  	v5 =	vld [tilespmem:$0x10]  }
0x26: {  	v6 =	vld [tilespmem:$0x20]  }
0x27: {  	v7 =	vld [tilespmem:$0x30]  }
0x28: {  	v8 =	vld [tilespmem:$0x40]  }
0x29: {  	v9 =	vld [tilespmem:$0x50];
	[tilespmem:$0x480] =	vst v4  }
0x2a: {  	v42 =	vld [tilespmem:$0x70];
	[tilespmem:$0x500] =	vst v5  }
0x2b: {  	v43 =	vld [tilespmem:$0x80];
	[tilespmem:$0x580] =	vst v6  }
0x2c: {  	v5 =	vld [tilespmem:$0x60];
	[tilespmem:$0x600] =	vst v7  }
0x2d: {  	v44 =	vld [tilespmem:$0x90];
	[tilespmem:$0x680] =	vst v8  }
0x2e: {  	v45 =	vld [tilespmem:$0xA0];
	[tilespmem:$0x700] =	vst v9  }
0x2f: {  	v46 =	vld [tilespmem:$0xC0];
	[tilespmem:$0x800] =	vst v42  }
0x30: {  	v47 =	vld [tilespmem:$0xD0];
	[tilespmem:$0x880] =	vst v43  }
0x31: {  	[tilespmem:$0x780] =	vst v5;
	v5 =	vld [tilespmem:$0xB0]  }
0x32: {  	v48 =	vld [tilespmem:$0xE0];
	[tilespmem:$0x900] =	vst v44  }
0x33: {  	v49 =	vld [tilespmem:$0xF0];
	[tilespmem:$0x980] =	vst v45  }
0x34: {  	v50 =	vld [tilespmem:$0x110];
	[tilespmem:$0xA80] =	vst v46  }
0x35: {  	v51 =	vld [tilespmem:$0x120];
	[tilespmem:$0xB00] =	vst v47  }
0x36: {  	[tilespmem:$0xA00] =	vst v5;
	v5 =	vld [tilespmem:$0x100]  }
0x37: {  	v52 =	vld [tilespmem:$0x130];
	[tilespmem:$0xB80] =	vst v48;
	v10 =	vshll.u32 v4, $0x4  }
0x38: {  	v53 =	vld [tilespmem:$0x140];
	[tilespmem:$0xC00] =	vst v49;
	v4 =	vand.u32 $0x7, v4;
	v10 =	vand.u32 $0xFFFFFF80, v10  }
0x39: {  	v54 =	vld [tilespmem:$0x160];
	[tilespmem:$0xD00] =	vst v50;
	v4 =	vor.u32 v4, v10  }
0x3a: {  	v55 =	vld [tilespmem:$0x170];
	[tilespmem:$0xD80] =	vst v51;
	v10 =	vperm.xlane v4, v0  }
0x3b: {  	[tilespmem:$0xC80] =	vst v5;
	v5 =	vld [tilespmem:$0x150]  }
0x3c: {  	[tilespmem:$0xE00] =	vst v52;
	v56 =	vadd.s32 v1, v10  }
0x3d: {  	[tilespmem:$0xE80] =	vst v53  }
0x3e: {  	[tilespmem:$0xF80] =	vst v54  }
0x3f: {  	[tilespmem:$0x1000] =	vst v55  }
0x40: {  	[tilespmem:$0xF00] =	vst v5  }
0x41: {  	[tilespmem:s30], [sflag:$0x1] =	stream.indirect_vreg.gather [hbm4b:s2+s3], $0x80, v56, vm0, $0xb8;
	[tilespmem:$0x11B00] =	vst v63  }
0x42: {  	s13 =	simm.s32 $0x1880  }
0x43: {  	[tilespmem:s13], [sflag:$0x1] =	stream.indirect_vreg.gather [hbm4b:s4+s3], $0x80, v56, vm0, $0xb8;
	[tilespmem:$0x11B00] =	vst v63  }
0x44: {  	s14 =	simm.s32 $0x2080  }
0x45: {  	[tilespmem:s14], [sflag:$0x1] =	stream.indirect_vreg.gather [hbm4b:s5+s3], $0x80, v56, vm0, $0xb8;
	[tilespmem:$0x11B00] =	vst v63  }
0x46: {  	s15 =	simm.s32 $0x2880  }
0x47: {  	[tilespmem:s15], [sflag:$0x1] =	stream.indirect_vreg.gather [hbm4b:s6+s3], $0x80, v56, vm0, $0xb8;
	[tilespmem:$0x11B00] =	vst v63  }
0x48: {  	s16 =	simm.s32 $0x3080  }
0x49: {  	[tilespmem:s16], [sflag:$0x1] =	stream.indirect_vreg.gather [hbm4b:s7+s3], $0x80, v56, vm0, $0xb8;
	[tilespmem:$0x11B00] =	vst v63  }
0x4a: {  	s18 =	simm.s32 $0x3880;
	v4 =	vperm.xlane v4, v2  }
0x4b: {  	[tilespmem:s18], [sflag:$0x1] =	stream.indirect_vreg.gather [hbm4b:s8+s3], $0x80, v56, vm0, $0xb8;
	[tilespmem:$0x11B00] =	vst v63  }
0x4c: {  	s20 =	simm.s32 $0x4080;
	v4 =	vadd.s32 v1, v4  }
0x4d: {  	[tilespmem:s20], [sflag:$0x1] =	stream.indirect_vreg.gather [hbm4b:s9+s3], $0x80, v56, vm0, $0xb8;
	[tilespmem:$0x11B00] =	vst v63  }
0x4e: {  	s21 =	simm.s32 $0x4880  }
0x4f: {  	[tilespmem:s21], [sflag:$0x1] =	stream.indirect_vreg.gather [hbm4b:s10+s3], $0x80, v56, vm0, $0xb8;
	[tilespmem:$0x11B00] =	vst v63  }
0x50: {  	s22 =	simm.s32 $0x5080  }
0x51: {  	[tilespmem:s22], [sflag:$0x1] =	stream.indirect_vreg.gather [hbm4b:s2+s3], $0x80, v4, vm0, $0xb8;
	[tilespmem:$0x11B00] =	vst v63  }
0x52: {  	s23 =	simm.s32 $0x5880  }
0x53: {  	[tilespmem:s23], [sflag:$0x1] =	stream.indirect_vreg.gather [hbm4b:s4+s3], $0x80, v4, vm0, $0xb8;
	[tilespmem:$0x11B00] =	vst v63  }
0x54: {  	s24 =	simm.s32 $0x6080  }
0x55: {  	[tilespmem:s24], [sflag:$0x1] =	stream.indirect_vreg.gather [hbm4b:s5+s3], $0x80, v4, vm0, $0xb8;
	[tilespmem:$0x11B00] =	vst v63  }
0x56: {  	s29 =	simm.s32 $0x6880  }
0x57: {  	[tilespmem:s29], [sflag:$0x1] =	stream.indirect_vreg.gather [hbm4b:s6+s3], $0x80, v4, vm0, $0xb8;
	[tilespmem:$0x11B00] =	vst v63  }
0x58: {  	s31 =	simm.s32 $0x7080  }
0x59: {  	[tilespmem:s31], [sflag:$0x1] =	stream.indirect_vreg.gather [hbm4b:s7+s3], $0x80, v4, vm0, $0xb8;
	[tilespmem:$0x11B00] =	vst v63  }
0x5a: {  	s11 =	simm.s32 $0x7880  }
0x5b: {  	[tilespmem:s11], [sflag:$0x1] =	stream.indirect_vreg.gather [hbm4b:s8+s3], $0x80, v4, vm0, $0xb8;
	[tilespmem:$0x11B00] =	vst v63  }
0x5c: {  	s18 =	simm.s32 $0x8080  }
0x5d: {  	[tilespmem:s18], [sflag:$0x1] =	stream.indirect_vreg.gather [hbm4b:s9+s3], $0x80, v4, vm0, $0xb8;
	[tilespmem:$0x11B00] =	vst v63  }
0x5e: {  	s20 =	simm.s32 $0x8880  }
0x5f: {  	[tilespmem:s20], [sflag:$0x1] =	stream.indirect_vreg.gather [hbm4b:s10+s3], $0x80, v4, vm0, $0xb8;
	[tilespmem:$0x11B00] =	vst v63  }
0x60: {  	v4 =	vld [tilespmem:$0x500];
	_ =	sdelay $0x4  }
0x61: {  	v5 =	vshll.u32 v4, $0x4  }
0x62: {  	v4 =	vand.u32 $0x7, v4;
	v5 =	vand.u32 $0xFFFFFF80, v5  }
0x63: {  	v4 =	vor.u32 v4, v5  }
0x64: {  	v5 =	vperm.xlane v4, v0;
	_ =	sdelay $0x1  }
0x65: {  	v5 =	vadd.s32 v1, v5;
	_ =	sdelay $0x4  }
0x66: {  	[tilespmem:s17], [sflag:$0x2] =	stream.indirect_vreg.gather [hbm4b:s2+s3], $0x80, v5, vm0, $0xb8;
	[tilespmem:$0x11B00] =	vst v63  }
0x67: {  	s29 =	simm.s32 $0x9880  }
0x68: {  	[tilespmem:s29], [sflag:$0x2] =	stream.indirect_vreg.gather [hbm4b:s4+s3], $0x80, v5, vm0, $0xb8;
	[tilespmem:$0x11B00] =	vst v63  }
0x69: {  	s31 =	simm.s32 $0xA080  }
0x6a: {  	[tilespmem:s31], [sflag:$0x2] =	stream.indirect_vreg.gather [hbm4b:s5+s3], $0x80, v5, vm0, $0xb8;
	[tilespmem:$0x11B00] =	vst v63  }
0x6b: {  	s0 =	simm.s32 $0xA880  }
0x6c: {  	[tilespmem:s0], [sflag:$0x2] =	stream.indirect_vreg.gather [hbm4b:s6+s3], $0x80, v5, vm0, $0xb8;
	[tilespmem:$0x11B00] =	vst v63  }
0x6d: {  	s20 =	simm.s32 $0xB080  }
0x6e: {  	[tilespmem:s20], [sflag:$0x2] =	stream.indirect_vreg.gather [hbm4b:s7+s3], $0x80, v5, vm0, $0xb8;
	[tilespmem:$0x11B00] =	vst v63  }
0x6f: {  	v4 =	vperm.xlane v4, v2;
	s29 =	simm.s32 $0xB880  }
0x70: {  	[tilespmem:s29], [sflag:$0x2] =	stream.indirect_vreg.gather [hbm4b:s8+s3], $0x80, v5, vm0, $0xb8;
	[tilespmem:$0x11B00] =	vst v63  }
0x71: {  	v4 =	vadd.s32 v1, v4;
	s31 =	simm.s32 $0xC080  }
0x72: {  	[tilespmem:s31], [sflag:$0x2] =	stream.indirect_vreg.gather [hbm4b:s9+s3], $0x80, v5, vm0, $0xb8;
	[tilespmem:$0x11B00] =	vst v63  }
0x73: {  	s20 =	simm.s32 $0xC880  }
0x74: {  	[tilespmem:s20], [sflag:$0x2] =	stream.indirect_vreg.gather [hbm4b:s10+s3], $0x80, v5, vm0, $0xb8;
	[tilespmem:$0x11B00] =	vst v63  }
0x75: {  	s29 =	simm.s32 $0xD080  }
0x76: {  	[tilespmem:s29], [sflag:$0x2] =	stream.indirect_vreg.gather [hbm4b:s2+s3], $0x80, v4, vm0, $0xb8;
	[tilespmem:$0x11B00] =	vst v63  }
0x77: {  	s31 =	simm.s32 $0xD880  }
0x78: {  	[tilespmem:s31], [sflag:$0x2] =	stream.indirect_vreg.gather [hbm4b:s4+s3], $0x80, v4, vm0, $0xb8;
	[tilespmem:$0x11B00] =	vst v63  }
0x79: {  	s20 =	simm.s32 $0xE080  }
0x7a: {  	[tilespmem:s20], [sflag:$0x2] =	stream.indirect_vreg.gather [hbm4b:s5+s3], $0x80, v4, vm0, $0xb8;
	[tilespmem:$0x11B00] =	vst v63  }
0x7b: {  	s29 =	simm.s32 $0xE880  }
0x7c: {  	[tilespmem:s29], [sflag:$0x2] =	stream.indirect_vreg.gather [hbm4b:s6+s3], $0x80, v4, vm0, $0xb8;
	[tilespmem:$0x11B00] =	vst v63  }
0x7d: {  	s31 =	simm.s32 $0xF080  }
0x7e: {  	[tilespmem:s31], [sflag:$0x2] =	stream.indirect_vreg.gather [hbm4b:s7+s3], $0x80, v4, vm0, $0xb8;
	[tilespmem:$0x11B00] =	vst v63  }
0x7f: {  	s20 =	simm.s32 $0xF880  }
0x80: {  	[tilespmem:s20], [sflag:$0x2] =	stream.indirect_vreg.gather [hbm4b:s8+s3], $0x80, v4, vm0, $0xb8;
	[tilespmem:$0x11B00] =	vst v63  }
0x81: {  	s29 =	simm.s32 $0x10080  }
0x82: {  	[tilespmem:s29], [sflag:$0x2] =	stream.indirect_vreg.gather [hbm4b:s9+s3], $0x80, v4, vm0, $0xb8;
	[tilespmem:$0x11B00] =	vst v63  }
0x83: {  	s20 =	simm.s32 $0x10880  }
0x84: {  	[tilespmem:s20], [sflag:$0x2] =	stream.indirect_vreg.gather [hbm4b:s10+s3], $0x80, v4, vm0, $0xb8;
	[tilespmem:$0x11B00] =	vst v63  }
0x85: {  	_ =	swait.ge [sflag:s26], $0x8000  }
0x86: {  	[sflag:s26] =	ssyncset.done $0x0  }
0x87: {  	[sflag:s26] =	ssyncadd.s32 $0xFFFF8000  }
0x88: {  	v4 =	vld [tilespmem:$0x180];
	_ =	sdelay $0x4  }
0x89: {  	v5 =	vshll.u32 v4, $0x3  }
0x8a: {  	v57 =	vld [tilespmem:$0x580];
	v4 =	vand.u32 $0x7F, v4;
	v5 =	vand.u32 $0xFFFFFC00, v5  }
0x8b: {  	v4 =	vor.u32 v4, v5  }
0x8c: {  	v4 =	vadd.s32 v3, v4;
	_ =	sdelay $0x2  }
0x8d: {  	v5 =	vshll.u32 v57, $0x4  }
0x8e: {  	v58 =	vld [tilespmem:$0x300];
	v6 =	vand.u32 $0x7, v57;
	v5 =	vand.u32 $0xFFFFFF80, v5  }
0x8f: {  	v5 =	vor.u32 v6, v5;
	v4 =	vld.idx.msk [tilespmem:v4+s30+$0x0], $0xffff  }
0x90: {  	v6 =	vperm.xlane v5, v0;
	_ =	sdelay $0x1  }
0x91: {  	v6 =	vadd.s32 v1, v6;
	_ =	sdelay $0x1  }
0x92: {  	v4 =	vmul.f32 v4, v58;
	_ =	sdelay $0x1  }
0x93: {  	[tilespmem:$0x11900] =	vst v4  }
0x94: {  	[tilespmem:s30], [sflag:$0x1] =	stream.indirect_vreg.gather [hbm4b:s2+s3], $0x80, v6, vm0, $0xb8;
	[tilespmem:$0x11B00] =	vst v63  }
0x95: {  	s13 =	simm.s32 $0x1880  }
0x96: {  	[tilespmem:s13], [sflag:$0x1] =	stream.indirect_vreg.gather [hbm4b:s4+s3], $0x80, v6, vm0, $0xb8;
	[tilespmem:$0x11B00] =	vst v63  }
0x97: {  	s19 =	simm.s32 $0x2080  }
0x98: {  	[tilespmem:s19], [sflag:$0x1] =	stream.indirect_vreg.gather [hbm4b:s5+s3], $0x80, v6, vm0, $0xb8;
	[tilespmem:$0x11B00] =	vst v63  }
0x99: {  	s12 =	simm.s32 $0x2880  }
0x9a: {  	[tilespmem:s12], [sflag:$0x1] =	stream.indirect_vreg.gather [hbm4b:s6+s3], $0x80, v6, vm0, $0xb8;
	[tilespmem:$0x11B00] =	vst v63  }
0x9b: {  	s1 =	simm.s32 $0x3080  }
0x9c: {  	[tilespmem:s1], [sflag:$0x1] =	stream.indirect_vreg.gather [hbm4b:s7+s3], $0x80, v6, vm0, $0xb8;
	[tilespmem:$0x11B00] =	vst v63  }
0x9d: {  	v4 =	vperm.xlane v5, v2;
	s19 =	simm.s32 $0x3880  }
0x9e: {  	[tilespmem:s19], [sflag:$0x1] =	stream.indirect_vreg.gather [hbm4b:s8+s3], $0x80, v6, vm0, $0xb8;
	[tilespmem:$0x11B00] =	vst v63  }
0x9f: {  	s14 =	simm.s32 $0x4080;
	v4 =	vadd.s32 v1, v4  }
0xa0: {  	[tilespmem:s14], [sflag:$0x1] =	stream.indirect_vreg.gather [hbm4b:s9+s3], $0x80, v6, vm0, $0xb8;
	[tilespmem:$0x11B00] =	vst v63  }
0xa1: {  	s15 =	simm.s32 $0x4880  }
0xa2: {  	[tilespmem:s15], [sflag:$0x1] =	stream.indirect_vreg.gather [hbm4b:s10+s3], $0x80, v6, vm0, $0xb8;
	[tilespmem:$0x11B00] =	vst v63  }
0xa3: {  	s16 =	simm.s32 $0x5080  }
0xa4: {  	[tilespmem:s16], [sflag:$0x1] =	stream.indirect_vreg.gather [hbm4b:s2+s3], $0x80, v4, vm0, $0xb8;
	[tilespmem:$0x11B00] =	vst v63  }
0xa5: {  	s25 =	simm.s32 $0x5880  }
0xa6: {  	[tilespmem:s25], [sflag:$0x1] =	stream.indirect_vreg.gather [hbm4b:s4+s3], $0x80, v4, vm0, $0xb8;
	[tilespmem:$0x11B00] =	vst v63  }
0xa7: {  	s21 =	simm.s32 $0x6080  }
0xa8: {  	[tilespmem:s21], [sflag:$0x1] =	stream.indirect_vreg.gather [hbm4b:s5+s3], $0x80, v4, vm0, $0xb8;
	[tilespmem:$0x11B00] =	vst v63  }
0xa9: {  	s22 =	simm.s32 $0x6880  }
0xaa: {  	[tilespmem:s22], [sflag:$0x1] =	stream.indirect_vreg.gather [hbm4b:s6+s3], $0x80, v4, vm0, $0xb8;
	[tilespmem:$0x11B00] =	vst v63  }
0xab: {  	s23 =	simm.s32 $0x7080  }
0xac: {  	[tilespmem:s23], [sflag:$0x1] =	stream.indirect_vreg.gather [hbm4b:s7+s3], $0x80, v4, vm0, $0xb8;
	[tilespmem:$0x11B00] =	vst v63  }
0xad: {  	s24 =	simm.s32 $0x7880  }
0xae: {  	[tilespmem:s24], [sflag:$0x1] =	stream.indirect_vreg.gather [hbm4b:s8+s3], $0x80, v4, vm0, $0xb8;
	[tilespmem:$0x11B00] =	vst v63  }
0xaf: {  	s18 =	simm.s32 $0x8080  }
0xb0: {  	[tilespmem:s18], [sflag:$0x1] =	stream.indirect_vreg.gather [hbm4b:s9+s3], $0x80, v4, vm0, $0xb8;
	[tilespmem:$0x11B00] =	vst v63  }
0xb1: {  	s18 =	simm.s32 $0x8880  }
0xb2: {  	[tilespmem:s18], [sflag:$0x1] =	stream.indirect_vreg.gather [hbm4b:s10+s3], $0x80, v4, vm0, $0xb8;
	[tilespmem:$0x11B00] =	vst v63  }
0xb3: {  	_ =	swait.ge [sflag:s28], $0x8000  }
0xb4: {  	[sflag:s28] =	ssyncset.done $0x0  }
0xb5: {  	[sflag:s28] =	ssyncadd.s32 $0xFFFF8000  }
0xb6: {  	v4 =	vld [tilespmem:$0x190];
	_ =	sdelay $0x4  }
0xb7: {  	v5 =	vshll.u32 v4, $0x3  }
0xb8: {  	v59 =	vld [tilespmem:$0x600];
	v4 =	vand.u32 $0x7F, v4;
	v5 =	vand.u32 $0xFFFFFC00, v5  }
0xb9: {  	v4 =	vor.u32 v4, v5  }
0xba: {  	v4 =	vadd.s32 v3, v4;
	_ =	sdelay $0x2  }
0xbb: {  	v5 =	vshll.u32 v59, $0x4  }
0xbc: {  	v60 =	vld [tilespmem:$0x310];
	v6 =	vand.u32 $0x7, v59;
	v5 =	vand.u32 $0xFFFFFF80, v5  }
0xbd: {  	v5 =	vor.u32 v6, v5;
	v4 =	vld.idx.msk [tilespmem:v4+s17+$0x0], $0xffff  }
0xbe: {  	v6 =	vperm.xlane v5, v0;
	_ =	sdelay $0x1  }
0xbf: {  	v6 =	vadd.s32 v1, v6;
	_ =	sdelay $0x1  }
0xc0: {  	v4 =	vmul.f32 v4, v60;
	_ =	sdelay $0x1  }
0xc1: {  	[tilespmem:$0x11910] =	vst v4  }
0xc2: {  	[tilespmem:s17], [sflag:$0x2] =	stream.indirect_vreg.gather [hbm4b:s2+s3], $0x80, v6, vm0, $0xb8;
	[tilespmem:$0x11B00] =	vst v63  }
0xc3: {  	s24 =	simm.s32 $0x9880  }
0xc4: {  	[tilespmem:s24], [sflag:$0x2] =	stream.indirect_vreg.gather [hbm4b:s4+s3], $0x80, v6, vm0, $0xb8;
	[tilespmem:$0x11B00] =	vst v63  }
0xc5: {  	s12 =	simm.s32 $0xA080  }
0xc6: {  	[tilespmem:s12], [sflag:$0x2] =	stream.indirect_vreg.gather [hbm4b:s5+s3], $0x80, v6, vm0, $0xb8;
	[tilespmem:$0x11B00] =	vst v63  }
0xc7: {  	s11 =	simm.s32 $0xA880  }
0xc8: {  	[tilespmem:s11], [sflag:$0x2] =	stream.indirect_vreg.gather [hbm4b:s6+s3], $0x80, v6, vm0, $0xb8;
	[tilespmem:$0x11B00] =	vst v63  }
0xc9: {  	s0 =	simm.s32 $0xB080  }
0xca: {  	[tilespmem:s0], [sflag:$0x2] =	stream.indirect_vreg.gather [hbm4b:s7+s3], $0x80, v6, vm0, $0xb8;
	[tilespmem:$0x11B00] =	vst v63  }
0xcb: {  	s25 =	simm.s32 $0xB880;
	v4 =	vperm.xlane v5, v2  }
0xcc: {  	[tilespmem:s25], [sflag:$0x2] =	stream.indirect_vreg.gather [hbm4b:s8+s3], $0x80, v6, vm0, $0xb8;
	[tilespmem:$0x11B00] =	vst v63  }
0xcd: {  	v4 =	vadd.s32 v1, v4;
	s25 =	simm.s32 $0xC080  }
0xce: {  	[tilespmem:s25], [sflag:$0x2] =	stream.indirect_vreg.gather [hbm4b:s9+s3], $0x80, v6, vm0, $0xb8;
	[tilespmem:$0x11B00] =	vst v63  }
0xcf: {  	s0 =	simm.s32 $0xC880  }
0xd0: {  	[tilespmem:s0], [sflag:$0x2] =	stream.indirect_vreg.gather [hbm4b:s10+s3], $0x80, v6, vm0, $0xb8;
	[tilespmem:$0x11B00] =	vst v63  }
0xd1: {  	s1 =	simm.s32 $0xD080  }
0xd2: {  	[tilespmem:s1], [sflag:$0x2] =	stream.indirect_vreg.gather [hbm4b:s2+s3], $0x80, v4, vm0, $0xb8;
	[tilespmem:$0x11B00] =	vst v63  }
0xd3: {  	s13 =	simm.s32 $0xD880  }
0xd4: {  	[tilespmem:s13], [sflag:$0x2] =	stream.indirect_vreg.gather [hbm4b:s4+s3], $0x80, v4, vm0, $0xb8;
	[tilespmem:$0x11B00] =	vst v63  }
0xd5: {  	s14 =	simm.s32 $0xE080  }
0xd6: {  	[tilespmem:s14], [sflag:$0x2] =	stream.indirect_vreg.gather [hbm4b:s5+s3], $0x80, v4, vm0, $0xb8;
	[tilespmem:$0x11B00] =	vst v63  }
0xd7: {  	s15 =	simm.s32 $0xE880  }
0xd8: {  	[tilespmem:s15], [sflag:$0x2] =	stream.indirect_vreg.gather [hbm4b:s6+s3], $0x80, v4, vm0, $0xb8;
	[tilespmem:$0x11B00] =	vst v63  }
0xd9: {  	s16 =	simm.s32 $0xF080  }
0xda: {  	[tilespmem:s16], [sflag:$0x2] =	stream.indirect_vreg.gather [hbm4b:s7+s3], $0x80, v4, vm0, $0xb8;
	[tilespmem:$0x11B00] =	vst v63  }
0xdb: {  	s31 =	simm.s32 $0xF880  }
0xdc: {  	[tilespmem:s31], [sflag:$0x2] =	stream.indirect_vreg.gather [hbm4b:s8+s3], $0x80, v4, vm0, $0xb8;
	[tilespmem:$0x11B00] =	vst v63  }
0xdd: {  	s29 =	simm.s32 $0x10080  }
0xde: {  	[tilespmem:s29], [sflag:$0x2] =	stream.indirect_vreg.gather [hbm4b:s9+s3], $0x80, v4, vm0, $0xb8;
	[tilespmem:$0x11B00] =	vst v63  }
0xdf: {  	s20 =	simm.s32 $0x10880  }
0xe0: {  	[tilespmem:s20], [sflag:$0x2] =	stream.indirect_vreg.gather [hbm4b:s10+s3], $0x80, v4, vm0, $0xb8;
	[tilespmem:$0x11B00] =	vst v63  }
0xe1: {  	_ =	swait.ge [sflag:s26], $0x8000  }
0xe2: {  	[sflag:s26] =	ssyncset.done $0x0  }
0xe3: {  	[sflag:s26] =	ssyncadd.s32 $0xFFFF8000  }
0xe4: {  	v4 =	vld [tilespmem:$0x1A0];
	_ =	sdelay $0x4  }
0xe5: {  	v5 =	vshll.u32 v4, $0x3  }
0xe6: {  	v61 =	vld [tilespmem:$0x680];
	v4 =	vand.u32 $0x7F, v4;
	v5 =	vand.u32 $0xFFFFFC00, v5  }
0xe7: {  	v4 =	vor.u32 v4, v5  }
0xe8: {  	v4 =	vadd.s32 v3, v4;
	_ =	sdelay $0x2  }
0xe9: {  	v5 =	vshll.u32 v61, $0x4  }
0xea: {  	v62 =	vld [tilespmem:$0x320];
	v6 =	vand.u32 $0x7, v61;
	v5 =	vand.u32 $0xFFFFFF80, v5  }
0xeb: {  	v5 =	vor.u32 v6, v5;
	v4 =	vld.idx.msk [tilespmem:v4+s30+$0x0], $0xffff  }
0xec: {  	v6 =	vperm.xlane v5, v0;
	_ =	sdelay $0x1  }
0xed: {  	v6 =	vadd.s32 v1, v6;
	_ =	sdelay $0x1  }
0xee: {  	v4 =	vmul.f32 v4, v62;
	_ =	sdelay $0x1  }
0xef: {  	[tilespmem:$0x11920] =	vst v4  }
0xf0: {  	[tilespmem:s30], [sflag:$0x1] =	stream.indirect_vreg.gather [hbm4b:s2+s3], $0x80, v6, vm0, $0xb8;
	[tilespmem:$0x11B00] =	vst v63  }
0xf1: {  	s31 =	simm.s32 $0x1880  }
0xf2: {  	[tilespmem:s31], [sflag:$0x1] =	stream.indirect_vreg.gather [hbm4b:s4+s3], $0x80, v6, vm0, $0xb8;
	[tilespmem:$0x11B00] =	vst v63  }
0xf3: {  	s29 =	simm.s32 $0x2080  }
0xf4: {  	[tilespmem:s29], [sflag:$0x1] =	stream.indirect_vreg.gather [hbm4b:s5+s3], $0x80, v6, vm0, $0xb8;
	[tilespmem:$0x11B00] =	vst v63  }
0xf5: {  	s29 =	simm.s32 $0x2880  }
0xf6: {  	[tilespmem:s29], [sflag:$0x1] =	stream.indirect_vreg.gather [hbm4b:s6+s3], $0x80, v6, vm0, $0xb8;
	[tilespmem:$0x11B00] =	vst v63  }
0xf7: {  	s29 =	simm.s32 $0x3080  }
0xf8: {  	[tilespmem:s29], [sflag:$0x1] =	stream.indirect_vreg.gather [hbm4b:s7+s3], $0x80, v6, vm0, $0xb8;
	[tilespmem:$0x11B00] =	vst v63  }
0xf9: {  	v4 =	vperm.xlane v5, v2  }
0xfa: {  	[tilespmem:s19], [sflag:$0x1] =	stream.indirect_vreg.gather [hbm4b:s8+s3], $0x80, v6, vm0, $0xb8;
	[tilespmem:$0x11B00] =	vst v63  }
0xfb: {  	v4 =	vadd.s32 v1, v4;
	s29 =	simm.s32 $0x4080  }
0xfc: {  	[tilespmem:s29], [sflag:$0x1] =	stream.indirect_vreg.gather [hbm4b:s9+s3], $0x80, v6, vm0, $0xb8;
	[tilespmem:$0x11B00] =	vst v63  }
0xfd: {  	s29 =	simm.s32 $0x4880  }
0xfe: {  	[tilespmem:s29], [sflag:$0x1] =	stream.indirect_vreg.gather [hbm4b:s10+s3], $0x80, v6, vm0, $0xb8;
	[tilespmem:$0x11B00] =	vst v63  }
0xff: {  	s29 =	simm.s32 $0x5080  }
0x100: {  	[tilespmem:s29], [sflag:$0x1] =	stream.indirect_vreg.gather [hbm4b:s2+s3], $0x80, v4, vm0, $0xb8;
	[tilespmem:$0x11B00] =	vst v63  }
0x101: {  	s29 =	simm.s32 $0x5880  }
0x102: {  	[tilespmem:s29], [sflag:$0x1] =	stream.indirect_vreg.gather [hbm4b:s4+s3], $0x80, v4, vm0, $0xb8;
	[tilespmem:$0x11B00] =	vst v63  }
0x103: {  	s29 =	simm.s32 $0x6080  }
0x104: {  	[tilespmem:s29], [sflag:$0x1] =	stream.indirect_vreg.gather [hbm4b:s5+s3], $0x80, v4, vm0, $0xb8;
	[tilespmem:$0x11B00] =	vst v63  }
0x105: {  	s29 =	simm.s32 $0x6880  }
0x106: {  	[tilespmem:s29], [sflag:$0x1] =	stream.indirect_vreg.gather [hbm4b:s6+s3], $0x80, v4, vm0, $0xb8;
	[tilespmem:$0x11B00] =	vst v63  }
0x107: {  	s29 =	simm.s32 $0x7080  }
0x108: {  	[tilespmem:s29], [sflag:$0x1] =	stream.indirect_vreg.gather [hbm4b:s7+s3], $0x80, v4, vm0, $0xb8;
	[tilespmem:$0x11B00] =	vst v63  }
0x109: {  	s29 =	simm.s32 $0x7880  }
0x10a: {  	[tilespmem:s29], [sflag:$0x1] =	stream.indirect_vreg.gather [hbm4b:s8+s3], $0x80, v4, vm0, $0xb8;
	[tilespmem:$0x11B00] =	vst v63  }
0x10b: {  	s29 =	simm.s32 $0x8080  }
0x10c: {  	[tilespmem:s29], [sflag:$0x1] =	stream.indirect_vreg.gather [hbm4b:s9+s3], $0x80, v4, vm0, $0xb8;
	[tilespmem:$0x11B00] =	vst v63  }
0x10d: {  	_ = 	snop  }
0x10e: {  	[tilespmem:s18], [sflag:$0x1] =	stream.indirect_vreg.gather [hbm4b:s10+s3], $0x80, v4, vm0, $0xb8;
	[tilespmem:$0x11B00] =	vst v63  }
0x10f: {  	_ =	swait.ge [sflag:s28], $0x8000  }
0x110: {  	[sflag:s28] =	ssyncset.done $0x0  }
0x111: {  	[sflag:s28] =	ssyncadd.s32 $0xFFFF8000  }
0x112: {  	v4 =	vld [tilespmem:$0x1B0];
	_ =	sdelay $0x4  }
0x113: {  	v5 =	vshll.u32 v4, $0x3  }
0x114: {  	v63 =	vld [tilespmem:$0x700];
	v4 =	vand.u32 $0x7F, v4;
	v5 =	vand.u32 $0xFFFFFC00, v5  }
0x115: {  	v4 =	vor.u32 v4, v5  }
0x116: {  	v4 =	vadd.s32 v3, v4;
	_ =	sdelay $0x2  }
0x117: {  	v5 =	vshll.u32 v63, $0x4  }
0x118: {  	v9 =	vld [tilespmem:$0x330];
	v6 =	vand.u32 $0x7, v63;
	v5 =	vand.u32 $0xFFFFFF80, v5  }
0x119: {  	v5 =	vor.u32 v6, v5;
	v4 =	vld.idx.msk [tilespmem:v4+s17+$0x0], $0xffff  }
0x11a: {  	v6 =	vperm.xlane v5, v0;
	_ =	sdelay $0x1  }
0x11b: {  	v6 =	vadd.s32 v1, v6;
	_ =	sdelay $0x1  }
0x11c: {  	v4 =	vmul.f32 v4, v9;
	_ =	sdelay $0x1  }
0x11d: {  	[tilespmem:$0x11930] =	vst v4  }
0x11e: {  	[tilespmem:s17], [sflag:$0x2] =	stream.indirect_vreg.gather [hbm4b:s2+s3], $0x80, v6, vm0, $0xb8;
	[tilespmem:$0x11B00] =	vst v63  }
0x11f: {  	s19 =	simm.s32 $0x9880  }
0x120: {  	[tilespmem:s19], [sflag:$0x2] =	stream.indirect_vreg.gather [hbm4b:s4+s3], $0x80, v6, vm0, $0xb8;
	[tilespmem:$0x11B00] =	vst v63  }
0x121: {  	_ = 	snop  }
0x122: {  	[tilespmem:s12], [sflag:$0x2] =	stream.indirect_vreg.gather [hbm4b:s5+s3], $0x80, v6, vm0, $0xb8;
	[tilespmem:$0x11B00] =	vst v63  }
0x123: {  	_ = 	snop  }
0x124: {  	[tilespmem:s11], [sflag:$0x2] =	stream.indirect_vreg.gather [hbm4b:s6+s3], $0x80, v6, vm0, $0xb8;
	[tilespmem:$0x11B00] =	vst v63  }
0x125: {  	s22 =	simm.s32 $0xB080  }
0x126: {  	[tilespmem:s22], [sflag:$0x2] =	stream.indirect_vreg.gather [hbm4b:s7+s3], $0x80, v6, vm0, $0xb8;
	[tilespmem:$0x11B00] =	vst v63  }
0x127: {  	s23 =	simm.s32 $0xB880;
	v4 =	vperm.xlane v5, v2  }
0x128: {  	[tilespmem:s23], [sflag:$0x2] =	stream.indirect_vreg.gather [hbm4b:s8+s3], $0x80, v6, vm0, $0xb8;
	[tilespmem:$0x11B00] =	vst v63  }
0x129: {  	v4 =	vadd.s32 v1, v4  }
0x12a: {  	[tilespmem:s25], [sflag:$0x2] =	stream.indirect_vreg.gather [hbm4b:s9+s3], $0x80, v6, vm0, $0xb8;
	[tilespmem:$0x11B00] =	vst v63  }
0x12b: {  	_ = 	snop  }
0x12c: {  	[tilespmem:s0], [sflag:$0x2] =	stream.indirect_vreg.gather [hbm4b:s10+s3], $0x80, v6, vm0, $0xb8;
	[tilespmem:$0x11B00] =	vst v63  }
0x12d: {  	_ = 	snop  }
0x12e: {  	[tilespmem:s1], [sflag:$0x2] =	stream.indirect_vreg.gather [hbm4b:s2+s3], $0x80, v4, vm0, $0xb8;
	[tilespmem:$0x11B00] =	vst v63  }
0x12f: {  	_ = 	snop  }
0x130: {  	[tilespmem:s13], [sflag:$0x2] =	stream.indirect_vreg.gather [hbm4b:s4+s3], $0x80, v4, vm0, $0xb8;
	[tilespmem:$0x11B00] =	vst v63  }
0x131: {  	_ = 	snop  }
0x132: {  	[tilespmem:s14], [sflag:$0x2] =	stream.indirect_vreg.gather [hbm4b:s5+s3], $0x80, v4, vm0, $0xb8;
	[tilespmem:$0x11B00] =	vst v63  }
0x133: {  	_ = 	snop  }
0x134: {  	[tilespmem:s15], [sflag:$0x2] =	stream.indirect_vreg.gather [hbm4b:s6+s3], $0x80, v4, vm0, $0xb8;
	[tilespmem:$0x11B00] =	vst v63  }
0x135: {  	_ = 	snop  }
0x136: {  	[tilespmem:s16], [sflag:$0x2] =	stream.indirect_vreg.gather [hbm4b:s7+s3], $0x80, v4, vm0, $0xb8;
	[tilespmem:$0x11B00] =	vst v63  }
0x137: {  	s21 =	simm.s32 $0xF880  }
0x138: {  	[tilespmem:s21], [sflag:$0x2] =	stream.indirect_vreg.gather [hbm4b:s8+s3], $0x80, v4, vm0, $0xb8;
	[tilespmem:$0x11B00] =	vst v63  }
0x139: {  	s24 =	simm.s32 $0x10080  }
0x13a: {  	[tilespmem:s24], [sflag:$0x2] =	stream.indirect_vreg.gather [hbm4b:s9+s3], $0x80, v4, vm0, $0xb8;
	[tilespmem:$0x11B00] =	vst v63  }
0x13b: {  	s20 =	simm.s32 $0x10880  }
0x13c: {  	[tilespmem:s20], [sflag:$0x2] =	stream.indirect_vreg.gather [hbm4b:s10+s3], $0x80, v4, vm0, $0xb8;
	[tilespmem:$0x11B00] =	vst v63  }
0x13d: {  	_ =	swait.ge [sflag:s26], $0x8000  }
0x13e: {  	[sflag:s26] =	ssyncset.done $0x0  }
0x13f: {  	[sflag:s26] =	ssyncadd.s32 $0xFFFF8000  }
0x140: {  	v4 =	vld [tilespmem:$0x1C0];
	_ =	sdelay $0x4  }
0x141: {  	v5 =	vshll.u32 v4, $0x3  }
0x142: {  	v10 =	vld [tilespmem:$0x780];
	v4 =	vand.u32 $0x7F, v4;
	v5 =	vand.u32 $0xFFFFFC00, v5  }
0x143: {  	v4 =	vor.u32 v4, v5  }
0x144: {  	v4 =	vadd.s32 v3, v4;
	_ =	sdelay $0x2  }
0x145: {  	v5 =	vshll.u32 v10, $0x4  }
0x146: {  	v11 =	vld [tilespmem:$0x340];
	v6 =	vand.u32 $0x7, v10;
	v5 =	vand.u32 $0xFFFFFF80, v5  }
0x147: {  	v5 =	vor.u32 v6, v5;
	v4 =	vld.idx.msk [tilespmem:v4+s30+$0x0], $0xffff  }
0x148: {  	v6 =	vperm.xlane v5, v0;
	_ =	sdelay $0x1  }
0x149: {  	v6 =	vadd.s32 v1, v6;
	_ =	sdelay $0x1  }
0x14a: {  	v4 =	vmul.f32 v4, v11;
	_ =	sdelay $0x1  }
0x14b: {  	[tilespmem:$0x11940] =	vst v4  }
0x14c: {  	[tilespmem:s30], [sflag:$0x1] =	stream.indirect_vreg.gather [hbm4b:s2+s3], $0x80, v6, vm0, $0xb8;
	[tilespmem:$0x11B00] =	vst v63  }
0x14d: {  	s31 =	simm.s32 $0x1880  }
0x14e: {  	[tilespmem:s31], [sflag:$0x1] =	stream.indirect_vreg.gather [hbm4b:s4+s3], $0x80, v6, vm0, $0xb8;
	[tilespmem:$0x11B00] =	vst v63  }
0x14f: {  	s24 =	simm.s32 $0x2080  }
0x150: {  	[tilespmem:s24], [sflag:$0x1] =	stream.indirect_vreg.gather [hbm4b:s5+s3], $0x80, v6, vm0, $0xb8;
	[tilespmem:$0x11B00] =	vst v63  }
0x151: {  	s24 =	simm.s32 $0x2880  }
0x152: {  	[tilespmem:s24], [sflag:$0x1] =	stream.indirect_vreg.gather [hbm4b:s6+s3], $0x80, v6, vm0, $0xb8;
	[tilespmem:$0x11B00] =	vst v63  }
0x153: {  	s24 =	simm.s32 $0x3080  }
0x154: {  	[tilespmem:s24], [sflag:$0x1] =	stream.indirect_vreg.gather [hbm4b:s7+s3], $0x80, v6, vm0, $0xb8;
	[tilespmem:$0x11B00] =	vst v63  }
0x155: {  	v4 =	vperm.xlane v5, v2;
	s24 =	simm.s32 $0x3880  }
0x156: {  	[tilespmem:s24], [sflag:$0x1] =	stream.indirect_vreg.gather [hbm4b:s8+s3], $0x80, v6, vm0, $0xb8;
	[tilespmem:$0x11B00] =	vst v63  }
0x157: {  	v4 =	vadd.s32 v1, v4;
	s24 =	simm.s32 $0x4080  }
0x158: {  	[tilespmem:s24], [sflag:$0x1] =	stream.indirect_vreg.gather [hbm4b:s9+s3], $0x80, v6, vm0, $0xb8;
	[tilespmem:$0x11B00] =	vst v63  }
0x159: {  	s24 =	simm.s32 $0x4880  }
0x15a: {  	[tilespmem:s24], [sflag:$0x1] =	stream.indirect_vreg.gather [hbm4b:s10+s3], $0x80, v6, vm0, $0xb8;
	[tilespmem:$0x11B00] =	vst v63  }
0x15b: {  	s24 =	simm.s32 $0x5080  }
0x15c: {  	[tilespmem:s24], [sflag:$0x1] =	stream.indirect_vreg.gather [hbm4b:s2+s3], $0x80, v4, vm0, $0xb8;
	[tilespmem:$0x11B00] =	vst v63  }
0x15d: {  	s24 =	simm.s32 $0x5880  }
0x15e: {  	[tilespmem:s24], [sflag:$0x1] =	stream.indirect_vreg.gather [hbm4b:s4+s3], $0x80, v4, vm0, $0xb8;
	[tilespmem:$0x11B00] =	vst v63  }
0x15f: {  	s24 =	simm.s32 $0x6080  }
0x160: {  	[tilespmem:s24], [sflag:$0x1] =	stream.indirect_vreg.gather [hbm4b:s5+s3], $0x80, v4, vm0, $0xb8;
	[tilespmem:$0x11B00] =	vst v63  }
0x161: {  	s24 =	simm.s32 $0x6880  }
0x162: {  	[tilespmem:s24], [sflag:$0x1] =	stream.indirect_vreg.gather [hbm4b:s6+s3], $0x80, v4, vm0, $0xb8;
	[tilespmem:$0x11B00] =	vst v63  }
0x163: {  	s24 =	simm.s32 $0x7080  }
0x164: {  	[tilespmem:s24], [sflag:$0x1] =	stream.indirect_vreg.gather [hbm4b:s7+s3], $0x80, v4, vm0, $0xb8;
	[tilespmem:$0x11B00] =	vst v63  }
0x165: {  	s24 =	simm.s32 $0x7880  }
0x166: {  	[tilespmem:s24], [sflag:$0x1] =	stream.indirect_vreg.gather [hbm4b:s8+s3], $0x80, v4, vm0, $0xb8;
	[tilespmem:$0x11B00] =	vst v63  }
0x167: {  	s24 =	simm.s32 $0x8080  }
0x168: {  	[tilespmem:s24], [sflag:$0x1] =	stream.indirect_vreg.gather [hbm4b:s9+s3], $0x80, v4, vm0, $0xb8;
	[tilespmem:$0x11B00] =	vst v63  }
0x169: {  	s29 =	simm.s32 $0x8880  }
0x16a: {  	[tilespmem:s29], [sflag:$0x1] =	stream.indirect_vreg.gather [hbm4b:s10+s3], $0x80, v4, vm0, $0xb8;
	[tilespmem:$0x11B00] =	vst v63  }
0x16b: {  	_ =	swait.ge [sflag:s28], $0x8000  }
0x16c: {  	[sflag:s28] =	ssyncset.done $0x0  }
0x16d: {  	[sflag:s28] =	ssyncadd.s32 $0xFFFF8000  }
0x16e: {  	v4 =	vld [tilespmem:$0x1D0];
	_ =	sdelay $0x4  }
0x16f: {  	v5 =	vshll.u32 v4, $0x3  }
0x170: {  	v12 =	vld [tilespmem:$0x800];
	v4 =	vand.u32 $0x7F, v4;
	v5 =	vand.u32 $0xFFFFFC00, v5  }
0x171: {  	v4 =	vor.u32 v4, v5  }
0x172: {  	v4 =	vadd.s32 v3, v4;
	_ =	sdelay $0x2  }
0x173: {  	v5 =	vshll.u32 v12, $0x4  }
0x174: {  	v13 =	vld [tilespmem:$0x350];
	v6 =	vand.u32 $0x7, v12;
	v5 =	vand.u32 $0xFFFFFF80, v5  }
0x175: {  	v5 =	vor.u32 v6, v5;
	v4 =	vld.idx.msk [tilespmem:v4+s17+$0x0], $0xffff  }
0x176: {  	v6 =	vperm.xlane v5, v0;
	_ =	sdelay $0x1  }
0x177: {  	v6 =	vadd.s32 v1, v6;
	_ =	sdelay $0x1  }
0x178: {  	v4 =	vmul.f32 v4, v13;
	_ =	sdelay $0x1  }
0x179: {  	[tilespmem:$0x11950] =	vst v4  }
0x17a: {  	[tilespmem:s17], [sflag:$0x2] =	stream.indirect_vreg.gather [hbm4b:s2+s3], $0x80, v6, vm0, $0xb8;
	[tilespmem:$0x11B00] =	vst v63  }
0x17b: {  	s19 =	simm.s32 $0x9880  }
0x17c: {  	[tilespmem:s19], [sflag:$0x2] =	stream.indirect_vreg.gather [hbm4b:s4+s3], $0x80, v6, vm0, $0xb8;
	[tilespmem:$0x11B00] =	vst v63  }
0x17d: {  	s12 =	simm.s32 $0xA080  }
0x17e: {  	[tilespmem:s12], [sflag:$0x2] =	stream.indirect_vreg.gather [hbm4b:s5+s3], $0x80, v6, vm0, $0xb8;
	[tilespmem:$0x11B00] =	vst v63  }
0x17f: {  	s11 =	simm.s32 $0xA880  }
0x180: {  	[tilespmem:s11], [sflag:$0x2] =	stream.indirect_vreg.gather [hbm4b:s6+s3], $0x80, v6, vm0, $0xb8;
	[tilespmem:$0x11B00] =	vst v63  }
0x181: {  	s22 =	simm.s32 $0xB080  }
0x182: {  	[tilespmem:s22], [sflag:$0x2] =	stream.indirect_vreg.gather [hbm4b:s7+s3], $0x80, v6, vm0, $0xb8;
	[tilespmem:$0x11B00] =	vst v63  }
0x183: {  	s23 =	simm.s32 $0xB880;
	v4 =	vperm.xlane v5, v2  }
0x184: {  	[tilespmem:s23], [sflag:$0x2] =	stream.indirect_vreg.gather [hbm4b:s8+s3], $0x80, v6, vm0, $0xb8;
	[tilespmem:$0x11B00] =	vst v63  }
0x185: {  	s18 =	simm.s32 $0xC080;
	v4 =	vadd.s32 v1, v4  }
0x186: {  	[tilespmem:s18], [sflag:$0x2] =	stream.indirect_vreg.gather [hbm4b:s9+s3], $0x80, v6, vm0, $0xb8;
	[tilespmem:$0x11B00] =	vst v63  }
0x187: {  	s25 =	simm.s32 $0xC880  }
0x188: {  	[tilespmem:s25], [sflag:$0x2] =	stream.indirect_vreg.gather [hbm4b:s10+s3], $0x80, v6, vm0, $0xb8;
	[tilespmem:$0x11B00] =	vst v63  }
0x189: {  	s0 =	simm.s32 $0xD080  }
0x18a: {  	[tilespmem:s0], [sflag:$0x2] =	stream.indirect_vreg.gather [hbm4b:s2+s3], $0x80, v4, vm0, $0xb8;
	[tilespmem:$0x11B00] =	vst v63  }
0x18b: {  	s1 =	simm.s32 $0xD880  }
0x18c: {  	[tilespmem:s1], [sflag:$0x2] =	stream.indirect_vreg.gather [hbm4b:s4+s3], $0x80, v4, vm0, $0xb8;
	[tilespmem:$0x11B00] =	vst v63  }
0x18d: {  	s13 =	simm.s32 $0xE080  }
0x18e: {  	[tilespmem:s13], [sflag:$0x2] =	stream.indirect_vreg.gather [hbm4b:s5+s3], $0x80, v4, vm0, $0xb8;
	[tilespmem:$0x11B00] =	vst v63  }
0x18f: {  	s14 =	simm.s32 $0xE880  }
0x190: {  	[tilespmem:s14], [sflag:$0x2] =	stream.indirect_vreg.gather [hbm4b:s6+s3], $0x80, v4, vm0, $0xb8;
	[tilespmem:$0x11B00] =	vst v63  }
0x191: {  	s15 =	simm.s32 $0xF080  }
0x192: {  	[tilespmem:s15], [sflag:$0x2] =	stream.indirect_vreg.gather [hbm4b:s7+s3], $0x80, v4, vm0, $0xb8;
	[tilespmem:$0x11B00] =	vst v63  }
0x193: {  	s16 =	simm.s32 $0xF880  }
0x194: {  	[tilespmem:s16], [sflag:$0x2] =	stream.indirect_vreg.gather [hbm4b:s8+s3], $0x80, v4, vm0, $0xb8;
	[tilespmem:$0x11B00] =	vst v63  }
0x195: {  	s21 =	simm.s32 $0x10080  }
0x196: {  	[tilespmem:s21], [sflag:$0x2] =	stream.indirect_vreg.gather [hbm4b:s9+s3], $0x80, v4, vm0, $0xb8;
	[tilespmem:$0x11B00] =	vst v63  }
0x197: {  	s20 =	simm.s32 $0x10880  }
0x198: {  	[tilespmem:s20], [sflag:$0x2] =	stream.indirect_vreg.gather [hbm4b:s10+s3], $0x80, v4, vm0, $0xb8;
	[tilespmem:$0x11B00] =	vst v63  }
0x199: {  	_ =	swait.ge [sflag:s26], $0x8000  }
0x19a: {  	[sflag:s26] =	ssyncset.done $0x0  }
0x19b: {  	[sflag:s26] =	ssyncadd.s32 $0xFFFF8000  }
0x19c: {  	v4 =	vld [tilespmem:$0x1E0];
	_ =	sdelay $0x4  }
0x19d: {  	v5 =	vshll.u32 v4, $0x3  }
0x19e: {  	v14 =	vld [tilespmem:$0x880];
	v4 =	vand.u32 $0x7F, v4;
	v5 =	vand.u32 $0xFFFFFC00, v5  }
0x19f: {  	v4 =	vor.u32 v4, v5  }
0x1a0: {  	v4 =	vadd.s32 v3, v4;
	_ =	sdelay $0x2  }
0x1a1: {  	v5 =	vshll.u32 v14, $0x4  }
0x1a2: {  	v15 =	vld [tilespmem:$0x360];
	v6 =	vand.u32 $0x7, v14;
	v5 =	vand.u32 $0xFFFFFF80, v5  }
0x1a3: {  	v5 =	vor.u32 v6, v5;
	v4 =	vld.idx.msk [tilespmem:v4+s30+$0x0], $0xffff  }
0x1a4: {  	v6 =	vperm.xlane v5, v0;
	_ =	sdelay $0x1  }
0x1a5: {  	v6 =	vadd.s32 v1, v6;
	_ =	sdelay $0x1  }
0x1a6: {  	v4 =	vmul.f32 v4, v15;
	_ =	sdelay $0x1  }
0x1a7: {  	[tilespmem:$0x11960] =	vst v4  }
0x1a8: {  	[tilespmem:s30], [sflag:$0x1] =	stream.indirect_vreg.gather [hbm4b:s2+s3], $0x80, v6, vm0, $0xb8;
	[tilespmem:$0x11B00] =	vst v63  }
0x1a9: {  	s31 =	simm.s32 $0x1880  }
0x1aa: {  	[tilespmem:s31], [sflag:$0x1] =	stream.indirect_vreg.gather [hbm4b:s4+s3], $0x80, v6, vm0, $0xb8;
	[tilespmem:$0x11B00] =	vst v63  }
0x1ab: {  	s31 =	simm.s32 $0x2080  }
0x1ac: {  	[tilespmem:s31], [sflag:$0x1] =	stream.indirect_vreg.gather [hbm4b:s5+s3], $0x80, v6, vm0, $0xb8;
	[tilespmem:$0x11B00] =	vst v63  }
0x1ad: {  	s25 =	simm.s32 $0x2880  }
0x1ae: {  	[tilespmem:s25], [sflag:$0x1] =	stream.indirect_vreg.gather [hbm4b:s6+s3], $0x80, v6, vm0, $0xb8;
	[tilespmem:$0x11B00] =	vst v63  }
0x1af: {  	s31 =	simm.s32 $0x3080  }
0x1b0: {  	[tilespmem:s31], [sflag:$0x1] =	stream.indirect_vreg.gather [hbm4b:s7+s3], $0x80, v6, vm0, $0xb8;
	[tilespmem:$0x11B00] =	vst v63  }
0x1b1: {  	v4 =	vperm.xlane v5, v2;
	s25 =	simm.s32 $0x3880  }
0x1b2: {  	[tilespmem:s25], [sflag:$0x1] =	stream.indirect_vreg.gather [hbm4b:s8+s3], $0x80, v6, vm0, $0xb8;
	[tilespmem:$0x11B00] =	vst v63  }
0x1b3: {  	v4 =	vadd.s32 v1, v4;
	s31 =	simm.s32 $0x4080  }
0x1b4: {  	[tilespmem:s31], [sflag:$0x1] =	stream.indirect_vreg.gather [hbm4b:s9+s3], $0x80, v6, vm0, $0xb8;
	[tilespmem:$0x11B00] =	vst v63  }
0x1b5: {  	s31 =	simm.s32 $0x4880  }
0x1b6: {  	[tilespmem:s31], [sflag:$0x1] =	stream.indirect_vreg.gather [hbm4b:s10+s3], $0x80, v6, vm0, $0xb8;
	[tilespmem:$0x11B00] =	vst v63  }
0x1b7: {  	s31 =	simm.s32 $0x5080  }
0x1b8: {  	[tilespmem:s31], [sflag:$0x1] =	stream.indirect_vreg.gather [hbm4b:s2+s3], $0x80, v4, vm0, $0xb8;
	[tilespmem:$0x11B00] =	vst v63  }
0x1b9: {  	s31 =	simm.s32 $0x5880  }
0x1ba: {  	[tilespmem:s31], [sflag:$0x1] =	stream.indirect_vreg.gather [hbm4b:s4+s3], $0x80, v4, vm0, $0xb8;
	[tilespmem:$0x11B00] =	vst v63  }
0x1bb: {  	s31 =	simm.s32 $0x6080  }
0x1bc: {  	[tilespmem:s31], [sflag:$0x1] =	stream.indirect_vreg.gather [hbm4b:s5+s3], $0x80, v4, vm0, $0xb8;
	[tilespmem:$0x11B00] =	vst v63  }
0x1bd: {  	s31 =	simm.s32 $0x6880  }
0x1be: {  	[tilespmem:s31], [sflag:$0x1] =	stream.indirect_vreg.gather [hbm4b:s6+s3], $0x80, v4, vm0, $0xb8;
	[tilespmem:$0x11B00] =	vst v63  }
0x1bf: {  	s31 =	simm.s32 $0x7080  }
0x1c0: {  	[tilespmem:s31], [sflag:$0x1] =	stream.indirect_vreg.gather [hbm4b:s7+s3], $0x80, v4, vm0, $0xb8;
	[tilespmem:$0x11B00] =	vst v63  }
0x1c1: {  	s31 =	simm.s32 $0x7880  }
0x1c2: {  	[tilespmem:s31], [sflag:$0x1] =	stream.indirect_vreg.gather [hbm4b:s8+s3], $0x80, v4, vm0, $0xb8;
	[tilespmem:$0x11B00] =	vst v63  }
0x1c3: {  	s31 =	simm.s32 $0x8080  }
0x1c4: {  	[tilespmem:s31], [sflag:$0x1] =	stream.indirect_vreg.gather [hbm4b:s9+s3], $0x80, v4, vm0, $0xb8;
	[tilespmem:$0x11B00] =	vst v63  }
0x1c5: {  	s24 =	simm.s32 $0x8880  }
0x1c6: {  	[tilespmem:s24], [sflag:$0x1] =	stream.indirect_vreg.gather [hbm4b:s10+s3], $0x80, v4, vm0, $0xb8;
	[tilespmem:$0x11B00] =	vst v63  }
0x1c7: {  	_ =	swait.ge [sflag:s28], $0x8000  }
0x1c8: {  	[sflag:s28] =	ssyncset.done $0x0  }
0x1c9: {  	[sflag:s28] =	ssyncadd.s32 $0xFFFF8000  }
0x1ca: {  	v4 =	vld [tilespmem:$0x1F0];
	_ =	sdelay $0x4  }
0x1cb: {  	v5 =	vshll.u32 v4, $0x3  }
0x1cc: {  	v16 =	vld [tilespmem:$0x900];
	v4 =	vand.u32 $0x7F, v4;
	v5 =	vand.u32 $0xFFFFFC00, v5  }
0x1cd: {  	v4 =	vor.u32 v4, v5  }
0x1ce: {  	v4 =	vadd.s32 v3, v4;
	_ =	sdelay $0x2  }
0x1cf: {  	v5 =	vshll.u32 v16, $0x4  }
0x1d0: {  	v17 =	vld [tilespmem:$0x370];
	v6 =	vand.u32 $0x7, v16;
	v5 =	vand.u32 $0xFFFFFF80, v5  }
0x1d1: {  	v5 =	vor.u32 v6, v5;
	v4 =	vld.idx.msk [tilespmem:v4+s17+$0x0], $0xffff  }
0x1d2: {  	v6 =	vperm.xlane v5, v0;
	_ =	sdelay $0x1  }
0x1d3: {  	v6 =	vadd.s32 v1, v6;
	_ =	sdelay $0x1  }
0x1d4: {  	v4 =	vmul.f32 v4, v17;
	_ =	sdelay $0x1  }
0x1d5: {  	[tilespmem:$0x11970] =	vst v4  }
0x1d6: {  	[tilespmem:s17], [sflag:$0x2] =	stream.indirect_vreg.gather [hbm4b:s2+s3], $0x80, v6, vm0, $0xb8;
	[tilespmem:$0x11B00] =	vst v63  }
0x1d7: {  	s29 =	simm.s32 $0x9880  }
0x1d8: {  	[tilespmem:s29], [sflag:$0x2] =	stream.indirect_vreg.gather [hbm4b:s4+s3], $0x80, v6, vm0, $0xb8;
	[tilespmem:$0x11B00] =	vst v63  }
0x1d9: {  	s31 =	simm.s32 $0xA080  }
0x1da: {  	[tilespmem:s31], [sflag:$0x2] =	stream.indirect_vreg.gather [hbm4b:s5+s3], $0x80, v6, vm0, $0xb8;
	[tilespmem:$0x11B00] =	vst v63  }
0x1db: {  	s11 =	simm.s32 $0xA880  }
0x1dc: {  	[tilespmem:s11], [sflag:$0x2] =	stream.indirect_vreg.gather [hbm4b:s6+s3], $0x80, v6, vm0, $0xb8;
	[tilespmem:$0x11B00] =	vst v63  }
0x1dd: {  	s19 =	simm.s32 $0xB080  }
0x1de: {  	[tilespmem:s19], [sflag:$0x2] =	stream.indirect_vreg.gather [hbm4b:s7+s3], $0x80, v6, vm0, $0xb8;
	[tilespmem:$0x11B00] =	vst v63  }
0x1df: {  	s22 =	simm.s32 $0xB880;
	v4 =	vperm.xlane v5, v2  }
0x1e0: {  	[tilespmem:s22], [sflag:$0x2] =	stream.indirect_vreg.gather [hbm4b:s8+s3], $0x80, v6, vm0, $0xb8;
	[tilespmem:$0x11B00] =	vst v63  }
0x1e1: {  	s12 =	simm.s32 $0xC080;
	v4 =	vadd.s32 v1, v4  }
0x1e2: {  	[tilespmem:s12], [sflag:$0x2] =	stream.indirect_vreg.gather [hbm4b:s9+s3], $0x80, v6, vm0, $0xb8;
	[tilespmem:$0x11B00] =	vst v63  }
0x1e3: {  	s23 =	simm.s32 $0xC880  }
0x1e4: {  	[tilespmem:s23], [sflag:$0x2] =	stream.indirect_vreg.gather [hbm4b:s10+s3], $0x80, v6, vm0, $0xb8;
	[tilespmem:$0x11B00] =	vst v63  }
0x1e5: {  	s18 =	simm.s32 $0xD080  }
0x1e6: {  	[tilespmem:s18], [sflag:$0x2] =	stream.indirect_vreg.gather [hbm4b:s2+s3], $0x80, v4, vm0, $0xb8;
	[tilespmem:$0x11B00] =	vst v63  }
0x1e7: {  	s0 =	simm.s32 $0xD880  }
0x1e8: {  	[tilespmem:s0], [sflag:$0x2] =	stream.indirect_vreg.gather [hbm4b:s4+s3], $0x80, v4, vm0, $0xb8;
	[tilespmem:$0x11B00] =	vst v63  }
0x1e9: {  	s1 =	simm.s32 $0xE080  }
0x1ea: {  	[tilespmem:s1], [sflag:$0x2] =	stream.indirect_vreg.gather [hbm4b:s5+s3], $0x80, v4, vm0, $0xb8;
	[tilespmem:$0x11B00] =	vst v63  }
0x1eb: {  	s13 =	simm.s32 $0xE880  }
0x1ec: {  	[tilespmem:s13], [sflag:$0x2] =	stream.indirect_vreg.gather [hbm4b:s6+s3], $0x80, v4, vm0, $0xb8;
	[tilespmem:$0x11B00] =	vst v63  }
0x1ed: {  	s14 =	simm.s32 $0xF080  }
0x1ee: {  	[tilespmem:s14], [sflag:$0x2] =	stream.indirect_vreg.gather [hbm4b:s7+s3], $0x80, v4, vm0, $0xb8;
	[tilespmem:$0x11B00] =	vst v63  }
0x1ef: {  	s15 =	simm.s32 $0xF880  }
0x1f0: {  	[tilespmem:s15], [sflag:$0x2] =	stream.indirect_vreg.gather [hbm4b:s8+s3], $0x80, v4, vm0, $0xb8;
	[tilespmem:$0x11B00] =	vst v63  }
0x1f1: {  	s21 =	simm.s32 $0x10080  }
0x1f2: {  	[tilespmem:s21], [sflag:$0x2] =	stream.indirect_vreg.gather [hbm4b:s9+s3], $0x80, v4, vm0, $0xb8;
	[tilespmem:$0x11B00] =	vst v63  }
0x1f3: {  	s16 =	simm.s32 $0x10880  }
0x1f4: {  	[tilespmem:s16], [sflag:$0x2] =	stream.indirect_vreg.gather [hbm4b:s10+s3], $0x80, v4, vm0, $0xb8;
	[tilespmem:$0x11B00] =	vst v63  }
0x1f5: {  	_ =	swait.ge [sflag:s26], $0x8000  }
0x1f6: {  	[sflag:s26] =	ssyncset.done $0x0  }
0x1f7: {  	[sflag:s26] =	ssyncadd.s32 $0xFFFF8000  }
0x1f8: {  	v4 =	vld [tilespmem:$0x200];
	_ =	sdelay $0x4  }
0x1f9: {  	v5 =	vshll.u32 v4, $0x3  }
0x1fa: {  	v18 =	vld [tilespmem:$0x980];
	v4 =	vand.u32 $0x7F, v4;
	v5 =	vand.u32 $0xFFFFFC00, v5  }
0x1fb: {  	v4 =	vor.u32 v4, v5  }
0x1fc: {  	v4 =	vadd.s32 v3, v4;
	_ =	sdelay $0x2  }
0x1fd: {  	v5 =	vshll.u32 v18, $0x4  }
0x1fe: {  	v19 =	vld [tilespmem:$0x380];
	v6 =	vand.u32 $0x7, v18;
	v5 =	vand.u32 $0xFFFFFF80, v5  }
0x1ff: {  	v5 =	vor.u32 v6, v5;
	v4 =	vld.idx.msk [tilespmem:v4+s30+$0x0], $0xffff  }
0x200: {  	v6 =	vperm.xlane v5, v0;
	_ =	sdelay $0x1  }
0x201: {  	v6 =	vadd.s32 v1, v6;
	_ =	sdelay $0x1  }
0x202: {  	v4 =	vmul.f32 v4, v19;
	_ =	sdelay $0x1  }
0x203: {  	[tilespmem:$0x11980] =	vst v4  }
0x204: {  	[tilespmem:s30], [sflag:$0x1] =	stream.indirect_vreg.gather [hbm4b:s2+s3], $0x80, v6, vm0, $0xb8;
	[tilespmem:$0x11B00] =	vst v63  }
0x205: {  	s16 =	simm.s32 $0x1880  }
0x206: {  	[tilespmem:s16], [sflag:$0x1] =	stream.indirect_vreg.gather [hbm4b:s4+s3], $0x80, v6, vm0, $0xb8;
	[tilespmem:$0x11B00] =	vst v63  }
0x207: {  	s16 =	simm.s32 $0x2080  }
0x208: {  	[tilespmem:s16], [sflag:$0x1] =	stream.indirect_vreg.gather [hbm4b:s5+s3], $0x80, v6, vm0, $0xb8;
	[tilespmem:$0x11B00] =	vst v63  }
0x209: {  	s16 =	simm.s32 $0x2880  }
0x20a: {  	[tilespmem:s16], [sflag:$0x1] =	stream.indirect_vreg.gather [hbm4b:s6+s3], $0x80, v6, vm0, $0xb8;
	[tilespmem:$0x11B00] =	vst v63  }
0x20b: {  	s16 =	simm.s32 $0x3080  }
0x20c: {  	[tilespmem:s16], [sflag:$0x1] =	stream.indirect_vreg.gather [hbm4b:s7+s3], $0x80, v6, vm0, $0xb8;
	[tilespmem:$0x11B00] =	vst v63  }
0x20d: {  	s25 =	simm.s32 $0x3880;
	v4 =	vperm.xlane v5, v2  }
0x20e: {  	[tilespmem:s25], [sflag:$0x1] =	stream.indirect_vreg.gather [hbm4b:s8+s3], $0x80, v6, vm0, $0xb8;
	[tilespmem:$0x11B00] =	vst v63  }
0x20f: {  	v4 =	vadd.s32 v1, v4;
	s25 =	simm.s32 $0x4080  }
0x210: {  	[tilespmem:s25], [sflag:$0x1] =	stream.indirect_vreg.gather [hbm4b:s9+s3], $0x80, v6, vm0, $0xb8;
	[tilespmem:$0x11B00] =	vst v63  }
0x211: {  	s25 =	simm.s32 $0x4880  }
0x212: {  	[tilespmem:s25], [sflag:$0x1] =	stream.indirect_vreg.gather [hbm4b:s10+s3], $0x80, v6, vm0, $0xb8;
	[tilespmem:$0x11B00] =	vst v63  }
0x213: {  	s25 =	simm.s32 $0x5080  }
0x214: {  	[tilespmem:s25], [sflag:$0x1] =	stream.indirect_vreg.gather [hbm4b:s2+s3], $0x80, v4, vm0, $0xb8;
	[tilespmem:$0x11B00] =	vst v63  }
0x215: {  	s25 =	simm.s32 $0x5880  }
0x216: {  	[tilespmem:s25], [sflag:$0x1] =	stream.indirect_vreg.gather [hbm4b:s4+s3], $0x80, v4, vm0, $0xb8;
	[tilespmem:$0x11B00] =	vst v63  }
0x217: {  	s25 =	simm.s32 $0x6080  }
0x218: {  	[tilespmem:s25], [sflag:$0x1] =	stream.indirect_vreg.gather [hbm4b:s5+s3], $0x80, v4, vm0, $0xb8;
	[tilespmem:$0x11B00] =	vst v63  }
0x219: {  	s25 =	simm.s32 $0x6880  }
0x21a: {  	[tilespmem:s25], [sflag:$0x1] =	stream.indirect_vreg.gather [hbm4b:s6+s3], $0x80, v4, vm0, $0xb8;
	[tilespmem:$0x11B00] =	vst v63  }
0x21b: {  	s25 =	simm.s32 $0x7080  }
0x21c: {  	[tilespmem:s25], [sflag:$0x1] =	stream.indirect_vreg.gather [hbm4b:s7+s3], $0x80, v4, vm0, $0xb8;
	[tilespmem:$0x11B00] =	vst v63  }
0x21d: {  	s25 =	simm.s32 $0x7880  }
0x21e: {  	[tilespmem:s25], [sflag:$0x1] =	stream.indirect_vreg.gather [hbm4b:s8+s3], $0x80, v4, vm0, $0xb8;
	[tilespmem:$0x11B00] =	vst v63  }
0x21f: {  	s25 =	simm.s32 $0x8080  }
0x220: {  	[tilespmem:s25], [sflag:$0x1] =	stream.indirect_vreg.gather [hbm4b:s9+s3], $0x80, v4, vm0, $0xb8;
	[tilespmem:$0x11B00] =	vst v63  }
0x221: {  	s20 =	simm.s32 $0x8880  }
0x222: {  	[tilespmem:s20], [sflag:$0x1] =	stream.indirect_vreg.gather [hbm4b:s10+s3], $0x80, v4, vm0, $0xb8;
	[tilespmem:$0x11B00] =	vst v63  }
0x223: {  	_ =	swait.ge [sflag:s28], $0x8000  }
0x224: {  	[sflag:s28] =	ssyncset.done $0x0  }
0x225: {  	[sflag:s28] =	ssyncadd.s32 $0xFFFF8000  }
0x226: {  	v4 =	vld [tilespmem:$0x210];
	_ =	sdelay $0x4  }
0x227: {  	v5 =	vshll.u32 v4, $0x3  }
0x228: {  	v20 =	vld [tilespmem:$0xA00];
	v4 =	vand.u32 $0x7F, v4;
	v5 =	vand.u32 $0xFFFFFC00, v5  }
0x229: {  	v4 =	vor.u32 v4, v5  }
0x22a: {  	v4 =	vadd.s32 v3, v4;
	_ =	sdelay $0x2  }
0x22b: {  	v5 =	vshll.u32 v20, $0x4  }
0x22c: {  	v21 =	vld [tilespmem:$0x390];
	v6 =	vand.u32 $0x7, v20;
	v5 =	vand.u32 $0xFFFFFF80, v5  }
0x22d: {  	v5 =	vor.u32 v6, v5;
	v4 =	vld.idx.msk [tilespmem:v4+s17+$0x0], $0xffff  }
0x22e: {  	v6 =	vperm.xlane v5, v0;
	_ =	sdelay $0x1  }
0x22f: {  	v6 =	vadd.s32 v1, v6;
	_ =	sdelay $0x1  }
0x230: {  	v4 =	vmul.f32 v4, v21;
	_ =	sdelay $0x1  }
0x231: {  	[tilespmem:$0x11990] =	vst v4  }
0x232: {  	[tilespmem:s17], [sflag:$0x2] =	stream.indirect_vreg.gather [hbm4b:s2+s3], $0x80, v6, vm0, $0xb8;
	[tilespmem:$0x11B00] =	vst v63  }
0x233: {  	s29 =	simm.s32 $0x9880  }
0x234: {  	[tilespmem:s29], [sflag:$0x2] =	stream.indirect_vreg.gather [hbm4b:s4+s3], $0x80, v6, vm0, $0xb8;
	[tilespmem:$0x11B00] =	vst v63  }
0x235: {  	s31 =	simm.s32 $0xA080  }
0x236: {  	[tilespmem:s31], [sflag:$0x2] =	stream.indirect_vreg.gather [hbm4b:s5+s3], $0x80, v6, vm0, $0xb8;
	[tilespmem:$0x11B00] =	vst v63  }
0x237: {  	s24 =	simm.s32 $0xA880  }
0x238: {  	[tilespmem:s24], [sflag:$0x2] =	stream.indirect_vreg.gather [hbm4b:s6+s3], $0x80, v6, vm0, $0xb8;
	[tilespmem:$0x11B00] =	vst v63  }
0x239: {  	s11 =	simm.s32 $0xB080  }
0x23a: {  	[tilespmem:s11], [sflag:$0x2] =	stream.indirect_vreg.gather [hbm4b:s7+s3], $0x80, v6, vm0, $0xb8;
	[tilespmem:$0x11B00] =	vst v63  }
0x23b: {  	s19 =	simm.s32 $0xB880;
	v4 =	vperm.xlane v5, v2  }
0x23c: {  	[tilespmem:s19], [sflag:$0x2] =	stream.indirect_vreg.gather [hbm4b:s8+s3], $0x80, v6, vm0, $0xb8;
	[tilespmem:$0x11B00] =	vst v63  }
0x23d: {  	s12 =	simm.s32 $0xC080;
	v4 =	vadd.s32 v1, v4  }
0x23e: {  	[tilespmem:s12], [sflag:$0x2] =	stream.indirect_vreg.gather [hbm4b:s9+s3], $0x80, v6, vm0, $0xb8;
	[tilespmem:$0x11B00] =	vst v63  }
0x23f: {  	s23 =	simm.s32 $0xC880  }
0x240: {  	[tilespmem:s23], [sflag:$0x2] =	stream.indirect_vreg.gather [hbm4b:s10+s3], $0x80, v6, vm0, $0xb8;
	[tilespmem:$0x11B00] =	vst v63  }
0x241: {  	s22 =	simm.s32 $0xD080  }
0x242: {  	[tilespmem:s22], [sflag:$0x2] =	stream.indirect_vreg.gather [hbm4b:s2+s3], $0x80, v4, vm0, $0xb8;
	[tilespmem:$0x11B00] =	vst v63  }
0x243: {  	s18 =	simm.s32 $0xD880  }
0x244: {  	[tilespmem:s18], [sflag:$0x2] =	stream.indirect_vreg.gather [hbm4b:s4+s3], $0x80, v4, vm0, $0xb8;
	[tilespmem:$0x11B00] =	vst v63  }
0x245: {  	s0 =	simm.s32 $0xE080  }
0x246: {  	[tilespmem:s0], [sflag:$0x2] =	stream.indirect_vreg.gather [hbm4b:s5+s3], $0x80, v4, vm0, $0xb8;
	[tilespmem:$0x11B00] =	vst v63  }
0x247: {  	s1 =	simm.s32 $0xE880  }
0x248: {  	[tilespmem:s1], [sflag:$0x2] =	stream.indirect_vreg.gather [hbm4b:s6+s3], $0x80, v4, vm0, $0xb8;
	[tilespmem:$0x11B00] =	vst v63  }
0x249: {  	s13 =	simm.s32 $0xF080  }
0x24a: {  	[tilespmem:s13], [sflag:$0x2] =	stream.indirect_vreg.gather [hbm4b:s7+s3], $0x80, v4, vm0, $0xb8;
	[tilespmem:$0x11B00] =	vst v63  }
0x24b: {  	s14 =	simm.s32 $0xF880  }
0x24c: {  	[tilespmem:s14], [sflag:$0x2] =	stream.indirect_vreg.gather [hbm4b:s8+s3], $0x80, v4, vm0, $0xb8;
	[tilespmem:$0x11B00] =	vst v63  }
0x24d: {  	s21 =	simm.s32 $0x10080  }
0x24e: {  	[tilespmem:s21], [sflag:$0x2] =	stream.indirect_vreg.gather [hbm4b:s9+s3], $0x80, v4, vm0, $0xb8;
	[tilespmem:$0x11B00] =	vst v63  }
0x24f: {  	s15 =	simm.s32 $0x10880  }
0x250: {  	[tilespmem:s15], [sflag:$0x2] =	stream.indirect_vreg.gather [hbm4b:s10+s3], $0x80, v4, vm0, $0xb8;
	[tilespmem:$0x11B00] =	vst v63  }
0x251: {  	_ =	swait.ge [sflag:s26], $0x8000  }
0x252: {  	[sflag:s26] =	ssyncset.done $0x0  }
0x253: {  	[sflag:s26] =	ssyncadd.s32 $0xFFFF8000  }
0x254: {  	v4 =	vld [tilespmem:$0x220];
	_ =	sdelay $0x4  }
0x255: {  	v5 =	vshll.u32 v4, $0x3  }
0x256: {  	v22 =	vld [tilespmem:$0xA80];
	v4 =	vand.u32 $0x7F, v4;
	v5 =	vand.u32 $0xFFFFFC00, v5  }
0x257: {  	v4 =	vor.u32 v4, v5  }
0x258: {  	v4 =	vadd.s32 v3, v4;
	_ =	sdelay $0x2  }
0x259: {  	v5 =	vshll.u32 v22, $0x4  }
0x25a: {  	v23 =	vld [tilespmem:$0x3A0];
	v6 =	vand.u32 $0x7, v22;
	v5 =	vand.u32 $0xFFFFFF80, v5  }
0x25b: {  	v5 =	vor.u32 v6, v5;
	v4 =	vld.idx.msk [tilespmem:v4+s30+$0x0], $0xffff  }
0x25c: {  	v6 =	vperm.xlane v5, v0;
	_ =	sdelay $0x1  }
0x25d: {  	v6 =	vadd.s32 v1, v6;
	_ =	sdelay $0x1  }
0x25e: {  	v4 =	vmul.f32 v4, v23;
	_ =	sdelay $0x1  }
0x25f: {  	[tilespmem:$0x119A0] =	vst v4  }
0x260: {  	[tilespmem:s30], [sflag:$0x1] =	stream.indirect_vreg.gather [hbm4b:s2+s3], $0x80, v6, vm0, $0xb8;
	[tilespmem:$0x11B00] =	vst v63  }
0x261: {  	s21 =	simm.s32 $0x1880  }
0x262: {  	[tilespmem:s21], [sflag:$0x1] =	stream.indirect_vreg.gather [hbm4b:s4+s3], $0x80, v6, vm0, $0xb8;
	[tilespmem:$0x11B00] =	vst v63  }
0x263: {  	s23 =	simm.s32 $0x2080  }
0x264: {  	[tilespmem:s23], [sflag:$0x1] =	stream.indirect_vreg.gather [hbm4b:s5+s3], $0x80, v6, vm0, $0xb8;
	[tilespmem:$0x11B00] =	vst v63  }
0x265: {  	s23 =	simm.s32 $0x2880  }
0x266: {  	[tilespmem:s23], [sflag:$0x1] =	stream.indirect_vreg.gather [hbm4b:s6+s3], $0x80, v6, vm0, $0xb8;
	[tilespmem:$0x11B00] =	vst v63  }
0x267: {  	s23 =	simm.s32 $0x3080  }
0x268: {  	[tilespmem:s23], [sflag:$0x1] =	stream.indirect_vreg.gather [hbm4b:s7+s3], $0x80, v6, vm0, $0xb8;
	[tilespmem:$0x11B00] =	vst v63  }
0x269: {  	s16 =	simm.s32 $0x3880;
	v4 =	vperm.xlane v5, v2  }
0x26a: {  	[tilespmem:s16], [sflag:$0x1] =	stream.indirect_vreg.gather [hbm4b:s8+s3], $0x80, v6, vm0, $0xb8;
	[tilespmem:$0x11B00] =	vst v63  }
0x26b: {  	v4 =	vadd.s32 v1, v4;
	s23 =	simm.s32 $0x4080  }
0x26c: {  	[tilespmem:s23], [sflag:$0x1] =	stream.indirect_vreg.gather [hbm4b:s9+s3], $0x80, v6, vm0, $0xb8;
	[tilespmem:$0x11B00] =	vst v63  }
0x26d: {  	s23 =	simm.s32 $0x4880  }
0x26e: {  	[tilespmem:s23], [sflag:$0x1] =	stream.indirect_vreg.gather [hbm4b:s10+s3], $0x80, v6, vm0, $0xb8;
	[tilespmem:$0x11B00] =	vst v63  }
0x26f: {  	s23 =	simm.s32 $0x5080  }
0x270: {  	[tilespmem:s23], [sflag:$0x1] =	stream.indirect_vreg.gather [hbm4b:s2+s3], $0x80, v4, vm0, $0xb8;
	[tilespmem:$0x11B00] =	vst v63  }
0x271: {  	s23 =	simm.s32 $0x5880  }
0x272: {  	[tilespmem:s23], [sflag:$0x1] =	stream.indirect_vreg.gather [hbm4b:s4+s3], $0x80, v4, vm0, $0xb8;
	[tilespmem:$0x11B00] =	vst v63  }
0x273: {  	s23 =	simm.s32 $0x6080  }
0x274: {  	[tilespmem:s23], [sflag:$0x1] =	stream.indirect_vreg.gather [hbm4b:s5+s3], $0x80, v4, vm0, $0xb8;
	[tilespmem:$0x11B00] =	vst v63  }
0x275: {  	s23 =	simm.s32 $0x6880  }
0x276: {  	[tilespmem:s23], [sflag:$0x1] =	stream.indirect_vreg.gather [hbm4b:s6+s3], $0x80, v4, vm0, $0xb8;
	[tilespmem:$0x11B00] =	vst v63  }
0x277: {  	s23 =	simm.s32 $0x7080  }
0x278: {  	[tilespmem:s23], [sflag:$0x1] =	stream.indirect_vreg.gather [hbm4b:s7+s3], $0x80, v4, vm0, $0xb8;
	[tilespmem:$0x11B00] =	vst v63  }
0x279: {  	s23 =	simm.s32 $0x7880  }
0x27a: {  	[tilespmem:s23], [sflag:$0x1] =	stream.indirect_vreg.gather [hbm4b:s8+s3], $0x80, v4, vm0, $0xb8;
	[tilespmem:$0x11B00] =	vst v63  }
0x27b: {  	s23 =	simm.s32 $0x8080  }
0x27c: {  	[tilespmem:s23], [sflag:$0x1] =	stream.indirect_vreg.gather [hbm4b:s9+s3], $0x80, v4, vm0, $0xb8;
	[tilespmem:$0x11B00] =	vst v63  }
0x27d: {  	s23 =	simm.s32 $0x8880  }
0x27e: {  	[tilespmem:s23], [sflag:$0x1] =	stream.indirect_vreg.gather [hbm4b:s10+s3], $0x80, v4, vm0, $0xb8;
	[tilespmem:$0x11B00] =	vst v63  }
0x27f: {  	_ =	swait.ge [sflag:s28], $0x8000  }
0x280: {  	[sflag:s28] =	ssyncset.done $0x0  }
0x281: {  	[sflag:s28] =	ssyncadd.s32 $0xFFFF8000  }
0x282: {  	v4 =	vld [tilespmem:$0x230];
	_ =	sdelay $0x4  }
0x283: {  	v5 =	vshll.u32 v4, $0x3  }
0x284: {  	v24 =	vld [tilespmem:$0xB00];
	v4 =	vand.u32 $0x7F, v4;
	v5 =	vand.u32 $0xFFFFFC00, v5  }
0x285: {  	v4 =	vor.u32 v4, v5  }
0x286: {  	v4 =	vadd.s32 v3, v4;
	_ =	sdelay $0x2  }
0x287: {  	v5 =	vshll.u32 v24, $0x4  }
0x288: {  	v25 =	vld [tilespmem:$0x3B0];
	v6 =	vand.u32 $0x7, v24;
	v5 =	vand.u32 $0xFFFFFF80, v5  }
0x289: {  	v5 =	vor.u32 v6, v5;
	v4 =	vld.idx.msk [tilespmem:v4+s17+$0x0], $0xffff  }
0x28a: {  	v6 =	vperm.xlane v5, v0;
	_ =	sdelay $0x1  }
0x28b: {  	v6 =	vadd.s32 v1, v6;
	_ =	sdelay $0x1  }
0x28c: {  	v4 =	vmul.f32 v4, v25;
	_ =	sdelay $0x1  }
0x28d: {  	[tilespmem:$0x119B0] =	vst v4  }
0x28e: {  	[tilespmem:s17], [sflag:$0x2] =	stream.indirect_vreg.gather [hbm4b:s2+s3], $0x80, v6, vm0, $0xb8;
	[tilespmem:$0x11B00] =	vst v63  }
0x28f: {  	s23 =	simm.s32 $0x9880  }
0x290: {  	[tilespmem:s23], [sflag:$0x2] =	stream.indirect_vreg.gather [hbm4b:s4+s3], $0x80, v6, vm0, $0xb8;
	[tilespmem:$0x11B00] =	vst v63  }
0x291: {  	s25 =	simm.s32 $0xA080  }
0x292: {  	[tilespmem:s25], [sflag:$0x2] =	stream.indirect_vreg.gather [hbm4b:s5+s3], $0x80, v6, vm0, $0xb8;
	[tilespmem:$0x11B00] =	vst v63  }
0x293: {  	s20 =	simm.s32 $0xA880  }
0x294: {  	[tilespmem:s20], [sflag:$0x2] =	stream.indirect_vreg.gather [hbm4b:s6+s3], $0x80, v6, vm0, $0xb8;
	[tilespmem:$0x11B00] =	vst v63  }
0x295: {  	s24 =	simm.s32 $0xB080  }
0x296: {  	[tilespmem:s24], [sflag:$0x2] =	stream.indirect_vreg.gather [hbm4b:s7+s3], $0x80, v6, vm0, $0xb8;
	[tilespmem:$0x11B00] =	vst v63  }
0x297: {  	s19 =	simm.s32 $0xB880;
	v4 =	vperm.xlane v5, v2  }
0x298: {  	[tilespmem:s19], [sflag:$0x2] =	stream.indirect_vreg.gather [hbm4b:s8+s3], $0x80, v6, vm0, $0xb8;
	[tilespmem:$0x11B00] =	vst v63  }
0x299: {  	s31 =	simm.s32 $0xC080;
	v4 =	vadd.s32 v1, v4  }
0x29a: {  	[tilespmem:s31], [sflag:$0x2] =	stream.indirect_vreg.gather [hbm4b:s9+s3], $0x80, v6, vm0, $0xb8;
	[tilespmem:$0x11B00] =	vst v63  }
0x29b: {  	s29 =	simm.s32 $0xC880  }
0x29c: {  	[tilespmem:s29], [sflag:$0x2] =	stream.indirect_vreg.gather [hbm4b:s10+s3], $0x80, v6, vm0, $0xb8;
	[tilespmem:$0x11B00] =	vst v63  }
0x29d: {  	s22 =	simm.s32 $0xD080  }
0x29e: {  	[tilespmem:s22], [sflag:$0x2] =	stream.indirect_vreg.gather [hbm4b:s2+s3], $0x80, v4, vm0, $0xb8;
	[tilespmem:$0x11B00] =	vst v63  }
0x29f: {  	s12 =	simm.s32 $0xD880  }
0x2a0: {  	[tilespmem:s12], [sflag:$0x2] =	stream.indirect_vreg.gather [hbm4b:s4+s3], $0x80, v4, vm0, $0xb8;
	[tilespmem:$0x11B00] =	vst v63  }
0x2a1: {  	s18 =	simm.s32 $0xE080  }
0x2a2: {  	[tilespmem:s18], [sflag:$0x2] =	stream.indirect_vreg.gather [hbm4b:s5+s3], $0x80, v4, vm0, $0xb8;
	[tilespmem:$0x11B00] =	vst v63  }
0x2a3: {  	s0 =	simm.s32 $0xE880  }
0x2a4: {  	[tilespmem:s0], [sflag:$0x2] =	stream.indirect_vreg.gather [hbm4b:s6+s3], $0x80, v4, vm0, $0xb8;
	[tilespmem:$0x11B00] =	vst v63  }
0x2a5: {  	s1 =	simm.s32 $0xF080  }
0x2a6: {  	[tilespmem:s1], [sflag:$0x2] =	stream.indirect_vreg.gather [hbm4b:s7+s3], $0x80, v4, vm0, $0xb8;
	[tilespmem:$0x11B00] =	vst v63  }
0x2a7: {  	s11 =	simm.s32 $0xF880  }
0x2a8: {  	[tilespmem:s11], [sflag:$0x2] =	stream.indirect_vreg.gather [hbm4b:s8+s3], $0x80, v4, vm0, $0xb8;
	[tilespmem:$0x11B00] =	vst v63  }
0x2a9: {  	s14 =	simm.s32 $0x10080  }
0x2aa: {  	[tilespmem:s14], [sflag:$0x2] =	stream.indirect_vreg.gather [hbm4b:s9+s3], $0x80, v4, vm0, $0xb8;
	[tilespmem:$0x11B00] =	vst v63  }
0x2ab: {  	s13 =	simm.s32 $0x10880  }
0x2ac: {  	[tilespmem:s13], [sflag:$0x2] =	stream.indirect_vreg.gather [hbm4b:s10+s3], $0x80, v4, vm0, $0xb8;
	[tilespmem:$0x11B00] =	vst v63  }
0x2ad: {  	_ =	swait.ge [sflag:s26], $0x8000  }
0x2ae: {  	[sflag:s26] =	ssyncset.done $0x0  }
0x2af: {  	[sflag:s26] =	ssyncadd.s32 $0xFFFF8000  }
0x2b0: {  	v4 =	vld [tilespmem:$0x240];
	_ =	sdelay $0x4  }
0x2b1: {  	v5 =	vshll.u32 v4, $0x3  }
0x2b2: {  	v26 =	vld [tilespmem:$0xB80];
	v4 =	vand.u32 $0x7F, v4;
	v5 =	vand.u32 $0xFFFFFC00, v5  }
0x2b3: {  	v4 =	vor.u32 v4, v5  }
0x2b4: {  	v4 =	vadd.s32 v3, v4;
	_ =	sdelay $0x2  }
0x2b5: {  	v5 =	vshll.u32 v26, $0x4  }
0x2b6: {  	v27 =	vld [tilespmem:$0x3C0];
	v6 =	vand.u32 $0x7, v26;
	v5 =	vand.u32 $0xFFFFFF80, v5  }
0x2b7: {  	v5 =	vor.u32 v6, v5;
	v4 =	vld.idx.msk [tilespmem:v4+s30+$0x0], $0xffff  }
0x2b8: {  	v6 =	vperm.xlane v5, v0;
	_ =	sdelay $0x1  }
0x2b9: {  	v6 =	vadd.s32 v1, v6;
	_ =	sdelay $0x1  }
0x2ba: {  	v4 =	vmul.f32 v4, v27;
	_ =	sdelay $0x1  }
0x2bb: {  	[tilespmem:$0x119C0] =	vst v4  }
0x2bc: {  	[tilespmem:s30], [sflag:$0x1] =	stream.indirect_vreg.gather [hbm4b:s2+s3], $0x80, v6, vm0, $0xb8;
	[tilespmem:$0x11B00] =	vst v63  }
0x2bd: {  	s21 =	simm.s32 $0x1880  }
0x2be: {  	[tilespmem:s21], [sflag:$0x1] =	stream.indirect_vreg.gather [hbm4b:s4+s3], $0x80, v6, vm0, $0xb8;
	[tilespmem:$0x11B00] =	vst v63  }
0x2bf: {  	s31 =	simm.s32 $0x2080  }
0x2c0: {  	[tilespmem:s31], [sflag:$0x1] =	stream.indirect_vreg.gather [hbm4b:s5+s3], $0x80, v6, vm0, $0xb8;
	[tilespmem:$0x11B00] =	vst v63  }
0x2c1: {  	s31 =	simm.s32 $0x2880  }
0x2c2: {  	[tilespmem:s31], [sflag:$0x1] =	stream.indirect_vreg.gather [hbm4b:s6+s3], $0x80, v6, vm0, $0xb8;
	[tilespmem:$0x11B00] =	vst v63  }
0x2c3: {  	s31 =	simm.s32 $0x3080  }
0x2c4: {  	[tilespmem:s31], [sflag:$0x1] =	stream.indirect_vreg.gather [hbm4b:s7+s3], $0x80, v6, vm0, $0xb8;
	[tilespmem:$0x11B00] =	vst v63  }
0x2c5: {  	s15 =	simm.s32 $0x3880;
	v4 =	vperm.xlane v5, v2  }
0x2c6: {  	[tilespmem:s15], [sflag:$0x1] =	stream.indirect_vreg.gather [hbm4b:s8+s3], $0x80, v6, vm0, $0xb8;
	[tilespmem:$0x11B00] =	vst v63  }
0x2c7: {  	v4 =	vadd.s32 v1, v4;
	s31 =	simm.s32 $0x4080  }
0x2c8: {  	[tilespmem:s31], [sflag:$0x1] =	stream.indirect_vreg.gather [hbm4b:s9+s3], $0x80, v6, vm0, $0xb8;
	[tilespmem:$0x11B00] =	vst v63  }
0x2c9: {  	s31 =	simm.s32 $0x4880  }
0x2ca: {  	[tilespmem:s31], [sflag:$0x1] =	stream.indirect_vreg.gather [hbm4b:s10+s3], $0x80, v6, vm0, $0xb8;
	[tilespmem:$0x11B00] =	vst v63  }
0x2cb: {  	s31 =	simm.s32 $0x5080  }
0x2cc: {  	[tilespmem:s31], [sflag:$0x1] =	stream.indirect_vreg.gather [hbm4b:s2+s3], $0x80, v4, vm0, $0xb8;
	[tilespmem:$0x11B00] =	vst v63  }
0x2cd: {  	s31 =	simm.s32 $0x5880  }
0x2ce: {  	[tilespmem:s31], [sflag:$0x1] =	stream.indirect_vreg.gather [hbm4b:s4+s3], $0x80, v4, vm0, $0xb8;
	[tilespmem:$0x11B00] =	vst v63  }
0x2cf: {  	s31 =	simm.s32 $0x6080  }
0x2d0: {  	[tilespmem:s31], [sflag:$0x1] =	stream.indirect_vreg.gather [hbm4b:s5+s3], $0x80, v4, vm0, $0xb8;
	[tilespmem:$0x11B00] =	vst v63  }
0x2d1: {  	s31 =	simm.s32 $0x6880  }
0x2d2: {  	[tilespmem:s31], [sflag:$0x1] =	stream.indirect_vreg.gather [hbm4b:s6+s3], $0x80, v4, vm0, $0xb8;
	[tilespmem:$0x11B00] =	vst v63  }
0x2d3: {  	s31 =	simm.s32 $0x7080  }
0x2d4: {  	[tilespmem:s31], [sflag:$0x1] =	stream.indirect_vreg.gather [hbm4b:s7+s3], $0x80, v4, vm0, $0xb8;
	[tilespmem:$0x11B00] =	vst v63  }
0x2d5: {  	s31 =	simm.s32 $0x7880  }
0x2d6: {  	[tilespmem:s31], [sflag:$0x1] =	stream.indirect_vreg.gather [hbm4b:s8+s3], $0x80, v4, vm0, $0xb8;
	[tilespmem:$0x11B00] =	vst v63  }
0x2d7: {  	s31 =	simm.s32 $0x8080  }
0x2d8: {  	[tilespmem:s31], [sflag:$0x1] =	stream.indirect_vreg.gather [hbm4b:s9+s3], $0x80, v4, vm0, $0xb8;
	[tilespmem:$0x11B00] =	vst v63  }
0x2d9: {  	s31 =	simm.s32 $0x8880  }
0x2da: {  	[tilespmem:s31], [sflag:$0x1] =	stream.indirect_vreg.gather [hbm4b:s10+s3], $0x80, v4, vm0, $0xb8;
	[tilespmem:$0x11B00] =	vst v63  }
0x2db: {  	_ =	swait.ge [sflag:s28], $0x8000  }
0x2dc: {  	[sflag:s28] =	ssyncset.done $0x0  }
0x2dd: {  	[sflag:s28] =	ssyncadd.s32 $0xFFFF8000  }
0x2de: {  	v4 =	vld [tilespmem:$0x250];
	_ =	sdelay $0x4  }
0x2df: {  	v5 =	vshll.u32 v4, $0x3  }
0x2e0: {  	v28 =	vld [tilespmem:$0xC00];
	v4 =	vand.u32 $0x7F, v4;
	v5 =	vand.u32 $0xFFFFFC00, v5  }
0x2e1: {  	v4 =	vor.u32 v4, v5  }
0x2e2: {  	v4 =	vadd.s32 v3, v4;
	_ =	sdelay $0x2  }
0x2e3: {  	v5 =	vshll.u32 v28, $0x4  }
0x2e4: {  	v29 =	vld [tilespmem:$0x3D0];
	v6 =	vand.u32 $0x7, v28;
	v5 =	vand.u32 $0xFFFFFF80, v5  }
0x2e5: {  	v5 =	vor.u32 v6, v5;
	v4 =	vld.idx.msk [tilespmem:v4+s17+$0x0], $0xffff  }
0x2e6: {  	v6 =	vperm.xlane v5, v0;
	_ =	sdelay $0x1  }
0x2e7: {  	v6 =	vadd.s32 v1, v6;
	_ =	sdelay $0x1  }
0x2e8: {  	v4 =	vmul.f32 v4, v29;
	_ =	sdelay $0x1  }
0x2e9: {  	[tilespmem:$0x119D0] =	vst v4  }
0x2ea: {  	[tilespmem:s17], [sflag:$0x2] =	stream.indirect_vreg.gather [hbm4b:s2+s3], $0x80, v6, vm0, $0xb8;
	[tilespmem:$0x11B00] =	vst v63  }
0x2eb: {  	s15 =	simm.s32 $0x9880  }
0x2ec: {  	[tilespmem:s15], [sflag:$0x2] =	stream.indirect_vreg.gather [hbm4b:s4+s3], $0x80, v6, vm0, $0xb8;
	[tilespmem:$0x11B00] =	vst v63  }
0x2ed: {  	s23 =	simm.s32 $0xA080  }
0x2ee: {  	[tilespmem:s23], [sflag:$0x2] =	stream.indirect_vreg.gather [hbm4b:s5+s3], $0x80, v6, vm0, $0xb8;
	[tilespmem:$0x11B00] =	vst v63  }
0x2ef: {  	s16 =	simm.s32 $0xA880  }
0x2f0: {  	[tilespmem:s16], [sflag:$0x2] =	stream.indirect_vreg.gather [hbm4b:s6+s3], $0x80, v6, vm0, $0xb8;
	[tilespmem:$0x11B00] =	vst v63  }
0x2f1: {  	s20 =	simm.s32 $0xB080  }
0x2f2: {  	[tilespmem:s20], [sflag:$0x2] =	stream.indirect_vreg.gather [hbm4b:s7+s3], $0x80, v6, vm0, $0xb8;
	[tilespmem:$0x11B00] =	vst v63  }
0x2f3: {  	s25 =	simm.s32 $0xB880;
	v4 =	vperm.xlane v5, v2  }
0x2f4: {  	[tilespmem:s25], [sflag:$0x2] =	stream.indirect_vreg.gather [hbm4b:s8+s3], $0x80, v6, vm0, $0xb8;
	[tilespmem:$0x11B00] =	vst v63  }
0x2f5: {  	s24 =	simm.s32 $0xC080;
	v4 =	vadd.s32 v1, v4  }
0x2f6: {  	[tilespmem:s24], [sflag:$0x2] =	stream.indirect_vreg.gather [hbm4b:s9+s3], $0x80, v6, vm0, $0xb8;
	[tilespmem:$0x11B00] =	vst v63  }
0x2f7: {  	s29 =	simm.s32 $0xC880  }
0x2f8: {  	[tilespmem:s29], [sflag:$0x2] =	stream.indirect_vreg.gather [hbm4b:s10+s3], $0x80, v6, vm0, $0xb8;
	[tilespmem:$0x11B00] =	vst v63  }
0x2f9: {  	s19 =	simm.s32 $0xD080  }
0x2fa: {  	[tilespmem:s19], [sflag:$0x2] =	stream.indirect_vreg.gather [hbm4b:s2+s3], $0x80, v4, vm0, $0xb8;
	[tilespmem:$0x11B00] =	vst v63  }
0x2fb: {  	s22 =	simm.s32 $0xD880  }
0x2fc: {  	[tilespmem:s22], [sflag:$0x2] =	stream.indirect_vreg.gather [hbm4b:s4+s3], $0x80, v4, vm0, $0xb8;
	[tilespmem:$0x11B00] =	vst v63  }
0x2fd: {  	s12 =	simm.s32 $0xE080  }
0x2fe: {  	[tilespmem:s12], [sflag:$0x2] =	stream.indirect_vreg.gather [hbm4b:s5+s3], $0x80, v4, vm0, $0xb8;
	[tilespmem:$0x11B00] =	vst v63  }
0x2ff: {  	s18 =	simm.s32 $0xE880  }
0x300: {  	[tilespmem:s18], [sflag:$0x2] =	stream.indirect_vreg.gather [hbm4b:s6+s3], $0x80, v4, vm0, $0xb8;
	[tilespmem:$0x11B00] =	vst v63  }
0x301: {  	s0 =	simm.s32 $0xF080  }
0x302: {  	[tilespmem:s0], [sflag:$0x2] =	stream.indirect_vreg.gather [hbm4b:s7+s3], $0x80, v4, vm0, $0xb8;
	[tilespmem:$0x11B00] =	vst v63  }
0x303: {  	s1 =	simm.s32 $0xF880  }
0x304: {  	[tilespmem:s1], [sflag:$0x2] =	stream.indirect_vreg.gather [hbm4b:s8+s3], $0x80, v4, vm0, $0xb8;
	[tilespmem:$0x11B00] =	vst v63  }
0x305: {  	s14 =	simm.s32 $0x10080  }
0x306: {  	[tilespmem:s14], [sflag:$0x2] =	stream.indirect_vreg.gather [hbm4b:s9+s3], $0x80, v4, vm0, $0xb8;
	[tilespmem:$0x11B00] =	vst v63  }
0x307: {  	s11 =	simm.s32 $0x10880  }
0x308: {  	[tilespmem:s11], [sflag:$0x2] =	stream.indirect_vreg.gather [hbm4b:s10+s3], $0x80, v4, vm0, $0xb8;
	[tilespmem:$0x11B00] =	vst v63  }
0x309: {  	_ =	swait.ge [sflag:s26], $0x8000  }
0x30a: {  	[sflag:s26] =	ssyncset.done $0x0  }
0x30b: {  	[sflag:s26] =	ssyncadd.s32 $0xFFFF8000  }
0x30c: {  	v4 =	vld [tilespmem:$0x260];
	_ =	sdelay $0x4  }
0x30d: {  	v5 =	vshll.u32 v4, $0x3  }
0x30e: {  	v30 =	vld [tilespmem:$0xC80];
	v4 =	vand.u32 $0x7F, v4;
	v5 =	vand.u32 $0xFFFFFC00, v5  }
0x30f: {  	v4 =	vor.u32 v4, v5  }
0x310: {  	v4 =	vadd.s32 v3, v4;
	_ =	sdelay $0x2  }
0x311: {  	v5 =	vshll.u32 v30, $0x4  }
0x312: {  	v31 =	vld [tilespmem:$0x3E0];
	v6 =	vand.u32 $0x7, v30;
	v5 =	vand.u32 $0xFFFFFF80, v5  }
0x313: {  	v5 =	vor.u32 v6, v5;
	v4 =	vld.idx.msk [tilespmem:v4+s30+$0x0], $0xffff  }
0x314: {  	v6 =	vperm.xlane v5, v0;
	_ =	sdelay $0x1  }
0x315: {  	v6 =	vadd.s32 v1, v6;
	_ =	sdelay $0x1  }
0x316: {  	v4 =	vmul.f32 v4, v31;
	_ =	sdelay $0x1  }
0x317: {  	[tilespmem:$0x119E0] =	vst v4  }
0x318: {  	[tilespmem:s30], [sflag:$0x1] =	stream.indirect_vreg.gather [hbm4b:s2+s3], $0x80, v6, vm0, $0xb8;
	[tilespmem:$0x11B00] =	vst v63  }
0x319: {  	s21 =	simm.s32 $0x1880  }
0x31a: {  	[tilespmem:s21], [sflag:$0x1] =	stream.indirect_vreg.gather [hbm4b:s4+s3], $0x80, v6, vm0, $0xb8;
	[tilespmem:$0x11B00] =	vst v63  }
0x31b: {  	s21 =	simm.s32 $0x2080  }
0x31c: {  	[tilespmem:s21], [sflag:$0x1] =	stream.indirect_vreg.gather [hbm4b:s5+s3], $0x80, v6, vm0, $0xb8;
	[tilespmem:$0x11B00] =	vst v63  }
0x31d: {  	s21 =	simm.s32 $0x2880  }
0x31e: {  	[tilespmem:s21], [sflag:$0x1] =	stream.indirect_vreg.gather [hbm4b:s6+s3], $0x80, v6, vm0, $0xb8;
	[tilespmem:$0x11B00] =	vst v63  }
0x31f: {  	s21 =	simm.s32 $0x3080  }
0x320: {  	[tilespmem:s21], [sflag:$0x1] =	stream.indirect_vreg.gather [hbm4b:s7+s3], $0x80, v6, vm0, $0xb8;
	[tilespmem:$0x11B00] =	vst v63  }
0x321: {  	s13 =	simm.s32 $0x3880;
	v4 =	vperm.xlane v5, v2  }
0x322: {  	[tilespmem:s13], [sflag:$0x1] =	stream.indirect_vreg.gather [hbm4b:s8+s3], $0x80, v6, vm0, $0xb8;
	[tilespmem:$0x11B00] =	vst v63  }
0x323: {  	v4 =	vadd.s32 v1, v4;
	s21 =	simm.s32 $0x4080  }
0x324: {  	[tilespmem:s21], [sflag:$0x1] =	stream.indirect_vreg.gather [hbm4b:s9+s3], $0x80, v6, vm0, $0xb8;
	[tilespmem:$0x11B00] =	vst v63  }
0x325: {  	s21 =	simm.s32 $0x4880  }
0x326: {  	[tilespmem:s21], [sflag:$0x1] =	stream.indirect_vreg.gather [hbm4b:s10+s3], $0x80, v6, vm0, $0xb8;
	[tilespmem:$0x11B00] =	vst v63  }
0x327: {  	s21 =	simm.s32 $0x5080  }
0x328: {  	[tilespmem:s21], [sflag:$0x1] =	stream.indirect_vreg.gather [hbm4b:s2+s3], $0x80, v4, vm0, $0xb8;
	[tilespmem:$0x11B00] =	vst v63  }
0x329: {  	s21 =	simm.s32 $0x5880  }
0x32a: {  	[tilespmem:s21], [sflag:$0x1] =	stream.indirect_vreg.gather [hbm4b:s4+s3], $0x80, v4, vm0, $0xb8;
	[tilespmem:$0x11B00] =	vst v63  }
0x32b: {  	s21 =	simm.s32 $0x6080  }
0x32c: {  	[tilespmem:s21], [sflag:$0x1] =	stream.indirect_vreg.gather [hbm4b:s5+s3], $0x80, v4, vm0, $0xb8;
	[tilespmem:$0x11B00] =	vst v63  }
0x32d: {  	s21 =	simm.s32 $0x6880  }
0x32e: {  	[tilespmem:s21], [sflag:$0x1] =	stream.indirect_vreg.gather [hbm4b:s6+s3], $0x80, v4, vm0, $0xb8;
	[tilespmem:$0x11B00] =	vst v63  }
0x32f: {  	s21 =	simm.s32 $0x7080  }
0x330: {  	[tilespmem:s21], [sflag:$0x1] =	stream.indirect_vreg.gather [hbm4b:s7+s3], $0x80, v4, vm0, $0xb8;
	[tilespmem:$0x11B00] =	vst v63  }
0x331: {  	s21 =	simm.s32 $0x7880  }
0x332: {  	[tilespmem:s21], [sflag:$0x1] =	stream.indirect_vreg.gather [hbm4b:s8+s3], $0x80, v4, vm0, $0xb8;
	[tilespmem:$0x11B00] =	vst v63  }
0x333: {  	s21 =	simm.s32 $0x8080  }
0x334: {  	[tilespmem:s21], [sflag:$0x1] =	stream.indirect_vreg.gather [hbm4b:s9+s3], $0x80, v4, vm0, $0xb8;
	[tilespmem:$0x11B00] =	vst v63  }
0x335: {  	s31 =	simm.s32 $0x8880  }
0x336: {  	[tilespmem:s31], [sflag:$0x1] =	stream.indirect_vreg.gather [hbm4b:s10+s3], $0x80, v4, vm0, $0xb8;
	[tilespmem:$0x11B00] =	vst v63  }
0x337: {  	_ =	swait.ge [sflag:s28], $0x8000  }
0x338: {  	[sflag:s28] =	ssyncset.done $0x0  }
0x339: {  	[sflag:s28] =	ssyncadd.s32 $0xFFFF8000  }
0x33a: {  	v4 =	vld [tilespmem:$0x270];
	_ =	sdelay $0x4  }
0x33b: {  	v5 =	vshll.u32 v4, $0x3  }
0x33c: {  	v32 =	vld [tilespmem:$0xD00];
	v4 =	vand.u32 $0x7F, v4;
	v5 =	vand.u32 $0xFFFFFC00, v5  }
0x33d: {  	v4 =	vor.u32 v4, v5  }
0x33e: {  	v4 =	vadd.s32 v3, v4;
	_ =	sdelay $0x2  }
0x33f: {  	v5 =	vshll.u32 v32, $0x4  }
0x340: {  	v33 =	vld [tilespmem:$0x3F0];
	v6 =	vand.u32 $0x7, v32;
	v5 =	vand.u32 $0xFFFFFF80, v5  }
0x341: {  	v5 =	vor.u32 v6, v5;
	v4 =	vld.idx.msk [tilespmem:v4+s17+$0x0], $0xffff  }
0x342: {  	v6 =	vperm.xlane v5, v0;
	_ =	sdelay $0x1  }
0x343: {  	v6 =	vadd.s32 v1, v6;
	_ =	sdelay $0x1  }
0x344: {  	v4 =	vmul.f32 v4, v33;
	_ =	sdelay $0x1  }
0x345: {  	[tilespmem:$0x119F0] =	vst v4  }
0x346: {  	[tilespmem:s17], [sflag:$0x2] =	stream.indirect_vreg.gather [hbm4b:s2+s3], $0x80, v6, vm0, $0xb8;
	[tilespmem:$0x11B00] =	vst v63  }
0x347: {  	s21 =	simm.s32 $0x9880  }
0x348: {  	[tilespmem:s21], [sflag:$0x2] =	stream.indirect_vreg.gather [hbm4b:s4+s3], $0x80, v6, vm0, $0xb8;
	[tilespmem:$0x11B00] =	vst v63  }
0x349: {  	s23 =	simm.s32 $0xA080  }
0x34a: {  	[tilespmem:s23], [sflag:$0x2] =	stream.indirect_vreg.gather [hbm4b:s5+s3], $0x80, v6, vm0, $0xb8;
	[tilespmem:$0x11B00] =	vst v63  }
0x34b: {  	s15 =	simm.s32 $0xA880  }
0x34c: {  	[tilespmem:s15], [sflag:$0x2] =	stream.indirect_vreg.gather [hbm4b:s6+s3], $0x80, v6, vm0, $0xb8;
	[tilespmem:$0x11B00] =	vst v63  }
0x34d: {  	s16 =	simm.s32 $0xB080  }
0x34e: {  	[tilespmem:s16], [sflag:$0x2] =	stream.indirect_vreg.gather [hbm4b:s7+s3], $0x80, v6, vm0, $0xb8;
	[tilespmem:$0x11B00] =	vst v63  }
0x34f: {  	s25 =	simm.s32 $0xB880;
	v4 =	vperm.xlane v5, v2  }
0x350: {  	[tilespmem:s25], [sflag:$0x2] =	stream.indirect_vreg.gather [hbm4b:s8+s3], $0x80, v6, vm0, $0xb8;
	[tilespmem:$0x11B00] =	vst v63  }
0x351: {  	v4 =	vadd.s32 v1, v4;
	s25 =	simm.s32 $0xC080  }
0x352: {  	[tilespmem:s25], [sflag:$0x2] =	stream.indirect_vreg.gather [hbm4b:s9+s3], $0x80, v6, vm0, $0xb8;
	[tilespmem:$0x11B00] =	vst v63  }
0x353: {  	s24 =	simm.s32 $0xC880  }
0x354: {  	[tilespmem:s24], [sflag:$0x2] =	stream.indirect_vreg.gather [hbm4b:s10+s3], $0x80, v6, vm0, $0xb8;
	[tilespmem:$0x11B00] =	vst v63  }
0x355: {  	s19 =	simm.s32 $0xD080  }
0x356: {  	[tilespmem:s19], [sflag:$0x2] =	stream.indirect_vreg.gather [hbm4b:s2+s3], $0x80, v4, vm0, $0xb8;
	[tilespmem:$0x11B00] =	vst v63  }
0x357: {  	s20 =	simm.s32 $0xD880  }
0x358: {  	[tilespmem:s20], [sflag:$0x2] =	stream.indirect_vreg.gather [hbm4b:s4+s3], $0x80, v4, vm0, $0xb8;
	[tilespmem:$0x11B00] =	vst v63  }
0x359: {  	s12 =	simm.s32 $0xE080  }
0x35a: {  	[tilespmem:s12], [sflag:$0x2] =	stream.indirect_vreg.gather [hbm4b:s5+s3], $0x80, v4, vm0, $0xb8;
	[tilespmem:$0x11B00] =	vst v63  }
0x35b: {  	s18 =	simm.s32 $0xE880  }
0x35c: {  	[tilespmem:s18], [sflag:$0x2] =	stream.indirect_vreg.gather [hbm4b:s6+s3], $0x80, v4, vm0, $0xb8;
	[tilespmem:$0x11B00] =	vst v63  }
0x35d: {  	s22 =	simm.s32 $0xF080  }
0x35e: {  	[tilespmem:s22], [sflag:$0x2] =	stream.indirect_vreg.gather [hbm4b:s7+s3], $0x80, v4, vm0, $0xb8;
	[tilespmem:$0x11B00] =	vst v63  }
0x35f: {  	s0 =	simm.s32 $0xF880  }
0x360: {  	[tilespmem:s0], [sflag:$0x2] =	stream.indirect_vreg.gather [hbm4b:s8+s3], $0x80, v4, vm0, $0xb8;
	[tilespmem:$0x11B00] =	vst v63  }
0x361: {  	s14 =	simm.s32 $0x10080  }
0x362: {  	[tilespmem:s14], [sflag:$0x2] =	stream.indirect_vreg.gather [hbm4b:s9+s3], $0x80, v4, vm0, $0xb8;
	[tilespmem:$0x11B00] =	vst v63  }
0x363: {  	s1 =	simm.s32 $0x10880  }
0x364: {  	[tilespmem:s1], [sflag:$0x2] =	stream.indirect_vreg.gather [hbm4b:s10+s3], $0x80, v4, vm0, $0xb8;
	[tilespmem:$0x11B00] =	vst v63  }
0x365: {  	_ =	swait.ge [sflag:s26], $0x8000  }
0x366: {  	[sflag:s26] =	ssyncset.done $0x0  }
0x367: {  	[sflag:s26] =	ssyncadd.s32 $0xFFFF8000  }
0x368: {  	v4 =	vld [tilespmem:$0x280];
	_ =	sdelay $0x4  }
0x369: {  	v5 =	vshll.u32 v4, $0x3  }
0x36a: {  	v34 =	vld [tilespmem:$0xD80];
	v4 =	vand.u32 $0x7F, v4;
	v5 =	vand.u32 $0xFFFFFC00, v5  }
0x36b: {  	v4 =	vor.u32 v4, v5  }
0x36c: {  	v4 =	vadd.s32 v3, v4;
	_ =	sdelay $0x2  }
0x36d: {  	v5 =	vshll.u32 v34, $0x4  }
0x36e: {  	v35 =	vld [tilespmem:$0x400];
	v6 =	vand.u32 $0x7, v34;
	v5 =	vand.u32 $0xFFFFFF80, v5  }
0x36f: {  	v5 =	vor.u32 v6, v5;
	v4 =	vld.idx.msk [tilespmem:v4+s30+$0x0], $0xffff  }
0x370: {  	v6 =	vperm.xlane v5, v0;
	_ =	sdelay $0x1  }
0x371: {  	v6 =	vadd.s32 v1, v6;
	_ =	sdelay $0x1  }
0x372: {  	v4 =	vmul.f32 v4, v35;
	_ =	sdelay $0x1  }
0x373: {  	[tilespmem:$0x11A00] =	vst v4  }
0x374: {  	[tilespmem:s30], [sflag:$0x1] =	stream.indirect_vreg.gather [hbm4b:s2+s3], $0x80, v6, vm0, $0xb8;
	[tilespmem:$0x11B00] =	vst v63  }
0x375: {  	s29 =	simm.s32 $0x1880  }
0x376: {  	[tilespmem:s29], [sflag:$0x1] =	stream.indirect_vreg.gather [hbm4b:s4+s3], $0x80, v6, vm0, $0xb8;
	[tilespmem:$0x11B00] =	vst v63  }
0x377: {  	s0 =	simm.s32 $0x2080  }
0x378: {  	[tilespmem:s0], [sflag:$0x1] =	stream.indirect_vreg.gather [hbm4b:s5+s3], $0x80, v6, vm0, $0xb8;
	[tilespmem:$0x11B00] =	vst v63  }
0x379: {  	s0 =	simm.s32 $0x2880  }
0x37a: {  	[tilespmem:s0], [sflag:$0x1] =	stream.indirect_vreg.gather [hbm4b:s6+s3], $0x80, v6, vm0, $0xb8;
	[tilespmem:$0x11B00] =	vst v63  }
0x37b: {  	s0 =	simm.s32 $0x3080  }
0x37c: {  	[tilespmem:s0], [sflag:$0x1] =	stream.indirect_vreg.gather [hbm4b:s7+s3], $0x80, v6, vm0, $0xb8;
	[tilespmem:$0x11B00] =	vst v63  }
0x37d: {  	s13 =	simm.s32 $0x3880;
	v4 =	vperm.xlane v5, v2  }
0x37e: {  	[tilespmem:s13], [sflag:$0x1] =	stream.indirect_vreg.gather [hbm4b:s8+s3], $0x80, v6, vm0, $0xb8;
	[tilespmem:$0x11B00] =	vst v63  }
0x37f: {  	v4 =	vadd.s32 v1, v4;
	s0 =	simm.s32 $0x4080  }
0x380: {  	[tilespmem:s0], [sflag:$0x1] =	stream.indirect_vreg.gather [hbm4b:s9+s3], $0x80, v6, vm0, $0xb8;
	[tilespmem:$0x11B00] =	vst v63  }
0x381: {  	s0 =	simm.s32 $0x4880  }
0x382: {  	[tilespmem:s0], [sflag:$0x1] =	stream.indirect_vreg.gather [hbm4b:s10+s3], $0x80, v6, vm0, $0xb8;
	[tilespmem:$0x11B00] =	vst v63  }
0x383: {  	s0 =	simm.s32 $0x5080  }
0x384: {  	[tilespmem:s0], [sflag:$0x1] =	stream.indirect_vreg.gather [hbm4b:s2+s3], $0x80, v4, vm0, $0xb8;
	[tilespmem:$0x11B00] =	vst v63  }
0x385: {  	s0 =	simm.s32 $0x5880  }
0x386: {  	[tilespmem:s0], [sflag:$0x1] =	stream.indirect_vreg.gather [hbm4b:s4+s3], $0x80, v4, vm0, $0xb8;
	[tilespmem:$0x11B00] =	vst v63  }
0x387: {  	s0 =	simm.s32 $0x6080  }
0x388: {  	[tilespmem:s0], [sflag:$0x1] =	stream.indirect_vreg.gather [hbm4b:s5+s3], $0x80, v4, vm0, $0xb8;
	[tilespmem:$0x11B00] =	vst v63  }
0x389: {  	s0 =	simm.s32 $0x6880  }
0x38a: {  	[tilespmem:s0], [sflag:$0x1] =	stream.indirect_vreg.gather [hbm4b:s6+s3], $0x80, v4, vm0, $0xb8;
	[tilespmem:$0x11B00] =	vst v63  }
0x38b: {  	s0 =	simm.s32 $0x7080  }
0x38c: {  	[tilespmem:s0], [sflag:$0x1] =	stream.indirect_vreg.gather [hbm4b:s7+s3], $0x80, v4, vm0, $0xb8;
	[tilespmem:$0x11B00] =	vst v63  }
0x38d: {  	s0 =	simm.s32 $0x7880  }
0x38e: {  	[tilespmem:s0], [sflag:$0x1] =	stream.indirect_vreg.gather [hbm4b:s8+s3], $0x80, v4, vm0, $0xb8;
	[tilespmem:$0x11B00] =	vst v63  }
0x38f: {  	s0 =	simm.s32 $0x8080  }
0x390: {  	[tilespmem:s0], [sflag:$0x1] =	stream.indirect_vreg.gather [hbm4b:s9+s3], $0x80, v4, vm0, $0xb8;
	[tilespmem:$0x11B00] =	vst v63  }
0x391: {  	s31 =	simm.s32 $0x8880  }
0x392: {  	[tilespmem:s31], [sflag:$0x1] =	stream.indirect_vreg.gather [hbm4b:s10+s3], $0x80, v4, vm0, $0xb8;
	[tilespmem:$0x11B00] =	vst v63  }
0x393: {  	_ =	swait.ge [sflag:s28], $0x8000  }
0x394: {  	[sflag:s28] =	ssyncset.done $0x0  }
0x395: {  	[sflag:s28] =	ssyncadd.s32 $0xFFFF8000  }
0x396: {  	v4 =	vld [tilespmem:$0x290];
	_ =	sdelay $0x4  }
0x397: {  	v5 =	vshll.u32 v4, $0x3  }
0x398: {  	v36 =	vld [tilespmem:$0xE00];
	v4 =	vand.u32 $0x7F, v4;
	v5 =	vand.u32 $0xFFFFFC00, v5  }
0x399: {  	v4 =	vor.u32 v4, v5  }
0x39a: {  	v4 =	vadd.s32 v3, v4;
	_ =	sdelay $0x2  }
0x39b: {  	v5 =	vshll.u32 v36, $0x4  }
0x39c: {  	v37 =	vld [tilespmem:$0x410];
	v6 =	vand.u32 $0x7, v36;
	v5 =	vand.u32 $0xFFFFFF80, v5  }
0x39d: {  	v5 =	vor.u32 v6, v5;
	v4 =	vld.idx.msk [tilespmem:v4+s17+$0x0], $0xffff  }
0x39e: {  	v6 =	vperm.xlane v5, v0;
	_ =	sdelay $0x1  }
0x39f: {  	v6 =	vadd.s32 v1, v6;
	_ =	sdelay $0x1  }
0x3a0: {  	v4 =	vmul.f32 v4, v37;
	_ =	sdelay $0x1  }
0x3a1: {  	[tilespmem:$0x11A10] =	vst v4  }
0x3a2: {  	[tilespmem:s17], [sflag:$0x2] =	stream.indirect_vreg.gather [hbm4b:s2+s3], $0x80, v6, vm0, $0xb8;
	[tilespmem:$0x11B00] =	vst v63  }
0x3a3: {  	s21 =	simm.s32 $0x9880  }
0x3a4: {  	[tilespmem:s21], [sflag:$0x2] =	stream.indirect_vreg.gather [hbm4b:s4+s3], $0x80, v6, vm0, $0xb8;
	[tilespmem:$0x11B00] =	vst v63  }
0x3a5: {  	s23 =	simm.s32 $0xA080  }
0x3a6: {  	[tilespmem:s23], [sflag:$0x2] =	stream.indirect_vreg.gather [hbm4b:s5+s3], $0x80, v6, vm0, $0xb8;
	[tilespmem:$0x11B00] =	vst v63  }
0x3a7: {  	s15 =	simm.s32 $0xA880  }
0x3a8: {  	[tilespmem:s15], [sflag:$0x2] =	stream.indirect_vreg.gather [hbm4b:s6+s3], $0x80, v6, vm0, $0xb8;
	[tilespmem:$0x11B00] =	vst v63  }
0x3a9: {  	s11 =	simm.s32 $0xB080  }
0x3aa: {  	[tilespmem:s11], [sflag:$0x2] =	stream.indirect_vreg.gather [hbm4b:s7+s3], $0x80, v6, vm0, $0xb8;
	[tilespmem:$0x11B00] =	vst v63  }
0x3ab: {  	s16 =	simm.s32 $0xB880;
	v4 =	vperm.xlane v5, v2  }
0x3ac: {  	[tilespmem:s16], [sflag:$0x2] =	stream.indirect_vreg.gather [hbm4b:s8+s3], $0x80, v6, vm0, $0xb8;
	[tilespmem:$0x11B00] =	vst v63  }
0x3ad: {  	s25 =	simm.s32 $0xC080;
	v4 =	vadd.s32 v1, v4  }
0x3ae: {  	[tilespmem:s25], [sflag:$0x2] =	stream.indirect_vreg.gather [hbm4b:s9+s3], $0x80, v6, vm0, $0xb8;
	[tilespmem:$0x11B00] =	vst v63  }
0x3af: {  	s24 =	simm.s32 $0xC880  }
0x3b0: {  	[tilespmem:s24], [sflag:$0x2] =	stream.indirect_vreg.gather [hbm4b:s10+s3], $0x80, v6, vm0, $0xb8;
	[tilespmem:$0x11B00] =	vst v63  }
0x3b1: {  	s19 =	simm.s32 $0xD080  }
0x3b2: {  	[tilespmem:s19], [sflag:$0x2] =	stream.indirect_vreg.gather [hbm4b:s2+s3], $0x80, v4, vm0, $0xb8;
	[tilespmem:$0x11B00] =	vst v63  }
0x3b3: {  	s20 =	simm.s32 $0xD880  }
0x3b4: {  	[tilespmem:s20], [sflag:$0x2] =	stream.indirect_vreg.gather [hbm4b:s4+s3], $0x80, v4, vm0, $0xb8;
	[tilespmem:$0x11B00] =	vst v63  }
0x3b5: {  	s12 =	simm.s32 $0xE080  }
0x3b6: {  	[tilespmem:s12], [sflag:$0x2] =	stream.indirect_vreg.gather [hbm4b:s5+s3], $0x80, v4, vm0, $0xb8;
	[tilespmem:$0x11B00] =	vst v63  }
0x3b7: {  	s18 =	simm.s32 $0xE880  }
0x3b8: {  	[tilespmem:s18], [sflag:$0x2] =	stream.indirect_vreg.gather [hbm4b:s6+s3], $0x80, v4, vm0, $0xb8;
	[tilespmem:$0x11B00] =	vst v63  }
0x3b9: {  	s22 =	simm.s32 $0xF080  }
0x3ba: {  	[tilespmem:s22], [sflag:$0x2] =	stream.indirect_vreg.gather [hbm4b:s7+s3], $0x80, v4, vm0, $0xb8;
	[tilespmem:$0x11B00] =	vst v63  }
0x3bb: {  	s22 =	simm.s32 $0xF880  }
0x3bc: {  	[tilespmem:s22], [sflag:$0x2] =	stream.indirect_vreg.gather [hbm4b:s8+s3], $0x80, v4, vm0, $0xb8;
	[tilespmem:$0x11B00] =	vst v63  }
0x3bd: {  	s14 =	simm.s32 $0x10080  }
0x3be: {  	[tilespmem:s14], [sflag:$0x2] =	stream.indirect_vreg.gather [hbm4b:s9+s3], $0x80, v4, vm0, $0xb8;
	[tilespmem:$0x11B00] =	vst v63  }
0x3bf: {  	s1 =	simm.s32 $0x10880  }
0x3c0: {  	[tilespmem:s1], [sflag:$0x2] =	stream.indirect_vreg.gather [hbm4b:s10+s3], $0x80, v4, vm0, $0xb8;
	[tilespmem:$0x11B00] =	vst v63  }
0x3c1: {  	_ =	swait.ge [sflag:s26], $0x8000  }
0x3c2: {  	[sflag:s26] =	ssyncset.done $0x0  }
0x3c3: {  	[sflag:s26] =	ssyncadd.s32 $0xFFFF8000  }
0x3c4: {  	v4 =	vld [tilespmem:$0x2A0];
	_ =	sdelay $0x4  }
0x3c5: {  	v5 =	vshll.u32 v4, $0x3  }
0x3c6: {  	v38 =	vld [tilespmem:$0xE80];
	v4 =	vand.u32 $0x7F, v4;
	v5 =	vand.u32 $0xFFFFFC00, v5  }
0x3c7: {  	v4 =	vor.u32 v4, v5  }
0x3c8: {  	v4 =	vadd.s32 v3, v4;
	_ =	sdelay $0x2  }
0x3c9: {  	v5 =	vshll.u32 v38, $0x4  }
0x3ca: {  	v39 =	vld [tilespmem:$0x420];
	v6 =	vand.u32 $0x7, v38;
	v5 =	vand.u32 $0xFFFFFF80, v5  }
0x3cb: {  	v5 =	vor.u32 v6, v5;
	v4 =	vld.idx.msk [tilespmem:v4+s30+$0x0], $0xffff  }
0x3cc: {  	v6 =	vperm.xlane v5, v0;
	_ =	sdelay $0x1  }
0x3cd: {  	v6 =	vadd.s32 v1, v6;
	_ =	sdelay $0x1  }
0x3ce: {  	v4 =	vmul.f32 v4, v39;
	_ =	sdelay $0x1  }
0x3cf: {  	[tilespmem:$0x11A20] =	vst v4  }
0x3d0: {  	[tilespmem:s30], [sflag:$0x1] =	stream.indirect_vreg.gather [hbm4b:s2+s3], $0x80, v6, vm0, $0xb8;
	[tilespmem:$0x11B00] =	vst v63  }
0x3d1: {  	s29 =	simm.s32 $0x1880  }
0x3d2: {  	[tilespmem:s29], [sflag:$0x1] =	stream.indirect_vreg.gather [hbm4b:s4+s3], $0x80, v6, vm0, $0xb8;
	[tilespmem:$0x11B00] =	vst v63  }
0x3d3: {  	s24 =	simm.s32 $0x2080  }
0x3d4: {  	[tilespmem:s24], [sflag:$0x1] =	stream.indirect_vreg.gather [hbm4b:s5+s3], $0x80, v6, vm0, $0xb8;
	[tilespmem:$0x11B00] =	vst v63  }
0x3d5: {  	s29 =	simm.s32 $0x2880  }
0x3d6: {  	[tilespmem:s29], [sflag:$0x1] =	stream.indirect_vreg.gather [hbm4b:s6+s3], $0x80, v6, vm0, $0xb8;
	[tilespmem:$0x11B00] =	vst v63  }
0x3d7: {  	s14 =	simm.s32 $0x3080  }
0x3d8: {  	[tilespmem:s14], [sflag:$0x1] =	stream.indirect_vreg.gather [hbm4b:s7+s3], $0x80, v6, vm0, $0xb8;
	[tilespmem:$0x11B00] =	vst v63  }
0x3d9: {  	s13 =	simm.s32 $0x3880;
	v4 =	vperm.xlane v5, v2  }
0x3da: {  	[tilespmem:s13], [sflag:$0x1] =	stream.indirect_vreg.gather [hbm4b:s8+s3], $0x80, v6, vm0, $0xb8;
	[tilespmem:$0x11B00] =	vst v63  }
0x3db: {  	v4 =	vadd.s32 v1, v4;
	s24 =	simm.s32 $0x4080  }
0x3dc: {  	[tilespmem:s24], [sflag:$0x1] =	stream.indirect_vreg.gather [hbm4b:s9+s3], $0x80, v6, vm0, $0xb8;
	[tilespmem:$0x11B00] =	vst v63  }
0x3dd: {  	s29 =	simm.s32 $0x4880  }
0x3de: {  	[tilespmem:s29], [sflag:$0x1] =	stream.indirect_vreg.gather [hbm4b:s10+s3], $0x80, v6, vm0, $0xb8;
	[tilespmem:$0x11B00] =	vst v63  }
0x3df: {  	s14 =	simm.s32 $0x5080  }
0x3e0: {  	[tilespmem:s14], [sflag:$0x1] =	stream.indirect_vreg.gather [hbm4b:s2+s3], $0x80, v4, vm0, $0xb8;
	[tilespmem:$0x11B00] =	vst v63  }
0x3e1: {  	s24 =	simm.s32 $0x5880  }
0x3e2: {  	[tilespmem:s24], [sflag:$0x1] =	stream.indirect_vreg.gather [hbm4b:s4+s3], $0x80, v4, vm0, $0xb8;
	[tilespmem:$0x11B00] =	vst v63  }
0x3e3: {  	s29 =	simm.s32 $0x6080  }
0x3e4: {  	[tilespmem:s29], [sflag:$0x1] =	stream.indirect_vreg.gather [hbm4b:s5+s3], $0x80, v4, vm0, $0xb8;
	[tilespmem:$0x11B00] =	vst v63  }
0x3e5: {  	s14 =	simm.s32 $0x6880  }
0x3e6: {  	[tilespmem:s14], [sflag:$0x1] =	stream.indirect_vreg.gather [hbm4b:s6+s3], $0x80, v4, vm0, $0xb8;
	[tilespmem:$0x11B00] =	vst v63  }
0x3e7: {  	s24 =	simm.s32 $0x7080  }
0x3e8: {  	[tilespmem:s24], [sflag:$0x1] =	stream.indirect_vreg.gather [hbm4b:s7+s3], $0x80, v4, vm0, $0xb8;
	[tilespmem:$0x11B00] =	vst v63  }
0x3e9: {  	s29 =	simm.s32 $0x7880  }
0x3ea: {  	[tilespmem:s29], [sflag:$0x1] =	stream.indirect_vreg.gather [hbm4b:s8+s3], $0x80, v4, vm0, $0xb8;
	[tilespmem:$0x11B00] =	vst v63  }
0x3eb: {  	s14 =	simm.s32 $0x8080  }
0x3ec: {  	[tilespmem:s14], [sflag:$0x1] =	stream.indirect_vreg.gather [hbm4b:s9+s3], $0x80, v4, vm0, $0xb8;
	[tilespmem:$0x11B00] =	vst v63  }
0x3ed: {  	s31 =	simm.s32 $0x8880  }
0x3ee: {  	[tilespmem:s31], [sflag:$0x1] =	stream.indirect_vreg.gather [hbm4b:s10+s3], $0x80, v4, vm0, $0xb8;
	[tilespmem:$0x11B00] =	vst v63  }
0x3ef: {  	_ =	swait.ge [sflag:s28], $0x8000  }
0x3f0: {  	[sflag:s28] =	ssyncset.done $0x0  }
0x3f1: {  	[sflag:s28] =	ssyncadd.s32 $0xFFFF8000  }
0x3f2: {  	v4 =	vld [tilespmem:$0x2B0];
	_ =	sdelay $0x4  }
0x3f3: {  	v5 =	vshll.u32 v4, $0x3  }
0x3f4: {  	v40 =	vld [tilespmem:$0xF00];
	v4 =	vand.u32 $0x7F, v4;
	v5 =	vand.u32 $0xFFFFFC00, v5  }
0x3f5: {  	v4 =	vor.u32 v4, v5  }
0x3f6: {  	v4 =	vadd.s32 v3, v4;
	_ =	sdelay $0x2  }
0x3f7: {  	v5 =	vshll.u32 v40, $0x4  }
0x3f8: {  	v41 =	vld [tilespmem:$0x430];
	v6 =	vand.u32 $0x7, v40;
	v5 =	vand.u32 $0xFFFFFF80, v5  }
0x3f9: {  	v5 =	vor.u32 v6, v5;
	v4 =	vld.idx.msk [tilespmem:v4+s17+$0x0], $0xffff  }
0x3fa: {  	v6 =	vperm.xlane v5, v0;
	_ =	sdelay $0x1  }
0x3fb: {  	v6 =	vadd.s32 v1, v6;
	_ =	sdelay $0x1  }
0x3fc: {  	v4 =	vmul.f32 v4, v41;
	_ =	sdelay $0x1  }
0x3fd: {  	[tilespmem:$0x11A30] =	vst v4  }
0x3fe: {  	[tilespmem:s17], [sflag:$0x2] =	stream.indirect_vreg.gather [hbm4b:s2+s3], $0x80, v6, vm0, $0xb8;
	[tilespmem:$0x11B00] =	vst v63  }
0x3ff: {  	s21 =	simm.s32 $0x9880  }
0x400: {  	[tilespmem:s21], [sflag:$0x2] =	stream.indirect_vreg.gather [hbm4b:s4+s3], $0x80, v6, vm0, $0xb8;
	[tilespmem:$0x11B00] =	vst v63  }
0x401: {  	s23 =	simm.s32 $0xA080  }
0x402: {  	[tilespmem:s23], [sflag:$0x2] =	stream.indirect_vreg.gather [hbm4b:s5+s3], $0x80, v6, vm0, $0xb8;
	[tilespmem:$0x11B00] =	vst v63  }
0x403: {  	s15 =	simm.s32 $0xA880  }
0x404: {  	[tilespmem:s15], [sflag:$0x2] =	stream.indirect_vreg.gather [hbm4b:s6+s3], $0x80, v6, vm0, $0xb8;
	[tilespmem:$0x11B00] =	vst v63  }
0x405: {  	s15 =	simm.s32 $0xB080  }
0x406: {  	[tilespmem:s15], [sflag:$0x2] =	stream.indirect_vreg.gather [hbm4b:s7+s3], $0x80, v6, vm0, $0xb8;
	[tilespmem:$0x11B00] =	vst v63  }
0x407: {  	s11 =	simm.s32 $0xB880;
	v4 =	vperm.xlane v5, v2  }
0x408: {  	[tilespmem:s11], [sflag:$0x2] =	stream.indirect_vreg.gather [hbm4b:s8+s3], $0x80, v6, vm0, $0xb8;
	[tilespmem:$0x11B00] =	vst v63  }
0x409: {  	s16 =	simm.s32 $0xC080;
	v4 =	vadd.s32 v1, v4  }
0x40a: {  	[tilespmem:s16], [sflag:$0x2] =	stream.indirect_vreg.gather [hbm4b:s9+s3], $0x80, v6, vm0, $0xb8;
	[tilespmem:$0x11B00] =	vst v63  }
0x40b: {  	s16 =	simm.s32 $0xC880  }
0x40c: {  	[tilespmem:s16], [sflag:$0x2] =	stream.indirect_vreg.gather [hbm4b:s10+s3], $0x80, v6, vm0, $0xb8;
	[tilespmem:$0x11B00] =	vst v63  }
0x40d: {  	s19 =	simm.s32 $0xD080  }
0x40e: {  	[tilespmem:s19], [sflag:$0x2] =	stream.indirect_vreg.gather [hbm4b:s2+s3], $0x80, v4, vm0, $0xb8;
	[tilespmem:$0x11B00] =	vst v63  }
0x40f: {  	s20 =	simm.s32 $0xD880  }
0x410: {  	[tilespmem:s20], [sflag:$0x2] =	stream.indirect_vreg.gather [hbm4b:s4+s3], $0x80, v4, vm0, $0xb8;
	[tilespmem:$0x11B00] =	vst v63  }
0x411: {  	s12 =	simm.s32 $0xE080  }
0x412: {  	[tilespmem:s12], [sflag:$0x2] =	stream.indirect_vreg.gather [hbm4b:s5+s3], $0x80, v4, vm0, $0xb8;
	[tilespmem:$0x11B00] =	vst v63  }
0x413: {  	s18 =	simm.s32 $0xE880  }
0x414: {  	[tilespmem:s18], [sflag:$0x2] =	stream.indirect_vreg.gather [hbm4b:s6+s3], $0x80, v4, vm0, $0xb8;
	[tilespmem:$0x11B00] =	vst v63  }
0x415: {  	s25 =	simm.s32 $0xF080  }
0x416: {  	[tilespmem:s25], [sflag:$0x2] =	stream.indirect_vreg.gather [hbm4b:s7+s3], $0x80, v4, vm0, $0xb8;
	[tilespmem:$0x11B00] =	vst v63  }
0x417: {  	s22 =	simm.s32 $0xF880  }
0x418: {  	[tilespmem:s22], [sflag:$0x2] =	stream.indirect_vreg.gather [hbm4b:s8+s3], $0x80, v4, vm0, $0xb8;
	[tilespmem:$0x11B00] =	vst v63  }
0x419: {  	s25 =	simm.s32 $0x10080  }
0x41a: {  	[tilespmem:s25], [sflag:$0x2] =	stream.indirect_vreg.gather [hbm4b:s9+s3], $0x80, v4, vm0, $0xb8;
	[tilespmem:$0x11B00] =	vst v63  }
0x41b: {  	s22 =	simm.s32 $0x10880  }
0x41c: {  	[tilespmem:s22], [sflag:$0x2] =	stream.indirect_vreg.gather [hbm4b:s10+s3], $0x80, v4, vm0, $0xb8;
	[tilespmem:$0x11B00] =	vst v63  }
0x41d: {  	_ =	swait.ge [sflag:s26], $0x8000  }
0x41e: {  	[sflag:s26] =	ssyncset.done $0x0  }
0x41f: {  	[sflag:s26] =	ssyncadd.s32 $0xFFFF8000  }
0x420: {  	v4 =	vld [tilespmem:$0x2C0];
	_ =	sdelay $0x4  }
0x421: {  	v5 =	vshll.u32 v4, $0x3  }
0x422: {  	v42 =	vld [tilespmem:$0xF80];
	v4 =	vand.u32 $0x7F, v4;
	v5 =	vand.u32 $0xFFFFFC00, v5  }
0x423: {  	v4 =	vor.u32 v4, v5  }
0x424: {  	v4 =	vadd.s32 v3, v4;
	_ =	sdelay $0x2  }
0x425: {  	v5 =	vshll.u32 v42, $0x4  }
0x426: {  	v43 =	vld [tilespmem:$0x440];
	v6 =	vand.u32 $0x7, v42;
	v5 =	vand.u32 $0xFFFFFF80, v5  }
0x427: {  	v5 =	vor.u32 v6, v5;
	v4 =	vld.idx.msk [tilespmem:v4+s30+$0x0], $0xffff  }
0x428: {  	v6 =	vperm.xlane v5, v0;
	_ =	sdelay $0x1  }
0x429: {  	v6 =	vadd.s32 v1, v6;
	_ =	sdelay $0x1  }
0x42a: {  	v4 =	vmul.f32 v4, v43;
	_ =	sdelay $0x1  }
0x42b: {  	[tilespmem:$0x11A40] =	vst v4  }
0x42c: {  	[tilespmem:s30], [sflag:$0x1] =	stream.indirect_vreg.gather [hbm4b:s2+s3], $0x80, v6, vm0, $0xb8;
	[tilespmem:$0x11B00] =	vst v63  }
0x42d: {  	s0 =	simm.s32 $0x1880  }
0x42e: {  	[tilespmem:s0], [sflag:$0x1] =	stream.indirect_vreg.gather [hbm4b:s4+s3], $0x80, v6, vm0, $0xb8;
	[tilespmem:$0x11B00] =	vst v63  }
0x42f: {  	s11 =	simm.s32 $0x2080  }
0x430: {  	[tilespmem:s11], [sflag:$0x1] =	stream.indirect_vreg.gather [hbm4b:s5+s3], $0x80, v6, vm0, $0xb8;
	[tilespmem:$0x11B00] =	vst v63  }
0x431: {  	s11 =	simm.s32 $0x2880  }
0x432: {  	[tilespmem:s11], [sflag:$0x1] =	stream.indirect_vreg.gather [hbm4b:s6+s3], $0x80, v6, vm0, $0xb8;
	[tilespmem:$0x11B00] =	vst v63  }
0x433: {  	s11 =	simm.s32 $0x3080  }
0x434: {  	[tilespmem:s11], [sflag:$0x1] =	stream.indirect_vreg.gather [hbm4b:s7+s3], $0x80, v6, vm0, $0xb8;
	[tilespmem:$0x11B00] =	vst v63  }
0x435: {  	s1 =	simm.s32 $0x3880;
	v4 =	vperm.xlane v5, v2  }
0x436: {  	[tilespmem:s1], [sflag:$0x1] =	stream.indirect_vreg.gather [hbm4b:s8+s3], $0x80, v6, vm0, $0xb8;
	[tilespmem:$0x11B00] =	vst v63  }
0x437: {  	v4 =	vadd.s32 v1, v4;
	s11 =	simm.s32 $0x4080  }
0x438: {  	[tilespmem:s11], [sflag:$0x1] =	stream.indirect_vreg.gather [hbm4b:s9+s3], $0x80, v6, vm0, $0xb8;
	[tilespmem:$0x11B00] =	vst v63  }
0x439: {  	s1 =	simm.s32 $0x4880  }
0x43a: {  	[tilespmem:s1], [sflag:$0x1] =	stream.indirect_vreg.gather [hbm4b:s10+s3], $0x80, v6, vm0, $0xb8;
	[tilespmem:$0x11B00] =	vst v63  }
0x43b: {  	s11 =	simm.s32 $0x5080  }
0x43c: {  	[tilespmem:s11], [sflag:$0x1] =	stream.indirect_vreg.gather [hbm4b:s2+s3], $0x80, v4, vm0, $0xb8;
	[tilespmem:$0x11B00] =	vst v63  }
0x43d: {  	s1 =	simm.s32 $0x5880  }
0x43e: {  	[tilespmem:s1], [sflag:$0x1] =	stream.indirect_vreg.gather [hbm4b:s4+s3], $0x80, v4, vm0, $0xb8;
	[tilespmem:$0x11B00] =	vst v63  }
0x43f: {  	s11 =	simm.s32 $0x6080  }
0x440: {  	[tilespmem:s11], [sflag:$0x1] =	stream.indirect_vreg.gather [hbm4b:s5+s3], $0x80, v4, vm0, $0xb8;
	[tilespmem:$0x11B00] =	vst v63  }
0x441: {  	s1 =	simm.s32 $0x6880  }
0x442: {  	[tilespmem:s1], [sflag:$0x1] =	stream.indirect_vreg.gather [hbm4b:s6+s3], $0x80, v4, vm0, $0xb8;
	[tilespmem:$0x11B00] =	vst v63  }
0x443: {  	s11 =	simm.s32 $0x7080  }
0x444: {  	[tilespmem:s11], [sflag:$0x1] =	stream.indirect_vreg.gather [hbm4b:s7+s3], $0x80, v4, vm0, $0xb8;
	[tilespmem:$0x11B00] =	vst v63  }
0x445: {  	s1 =	simm.s32 $0x7880  }
0x446: {  	[tilespmem:s1], [sflag:$0x1] =	stream.indirect_vreg.gather [hbm4b:s8+s3], $0x80, v4, vm0, $0xb8;
	[tilespmem:$0x11B00] =	vst v63  }
0x447: {  	s11 =	simm.s32 $0x8080  }
0x448: {  	[tilespmem:s11], [sflag:$0x1] =	stream.indirect_vreg.gather [hbm4b:s9+s3], $0x80, v4, vm0, $0xb8;
	[tilespmem:$0x11B00] =	vst v63  }
0x449: {  	s24 =	simm.s32 $0x8880  }
0x44a: {  	[tilespmem:s24], [sflag:$0x1] =	stream.indirect_vreg.gather [hbm4b:s10+s3], $0x80, v4, vm0, $0xb8;
	[tilespmem:$0x11B00] =	vst v63  }
0x44b: {  	_ =	swait.ge [sflag:s28], $0x8000  }
0x44c: {  	[sflag:s28] =	ssyncset.done $0x0  }
0x44d: {  	[sflag:s28] =	ssyncadd.s32 $0xFFFF8000  }
0x44e: {  	v4 =	vld [tilespmem:$0x2D0];
	_ =	sdelay $0x4  }
0x44f: {  	v5 =	vshll.u32 v4, $0x3  }
0x450: {  	v44 =	vld [tilespmem:$0x1000];
	v4 =	vand.u32 $0x7F, v4;
	v5 =	vand.u32 $0xFFFFFC00, v5  }
0x451: {  	v4 =	vor.u32 v4, v5  }
0x452: {  	v4 =	vadd.s32 v3, v4;
	_ =	sdelay $0x2  }
0x453: {  	v5 =	vshll.u32 v44, $0x4  }
0x454: {  	v45 =	vld [tilespmem:$0x450];
	v6 =	vand.u32 $0x7, v44;
	v5 =	vand.u32 $0xFFFFFF80, v5  }
0x455: {  	v5 =	vor.u32 v6, v5;
	v4 =	vld.idx.msk [tilespmem:v4+s17+$0x0], $0xffff  }
0x456: {  	v6 =	vperm.xlane v5, v0;
	_ =	sdelay $0x1  }
0x457: {  	v6 =	vadd.s32 v1, v6;
	_ =	sdelay $0x1  }
0x458: {  	v4 =	vmul.f32 v4, v45;
	_ =	sdelay $0x1  }
0x459: {  	[tilespmem:$0x11A50] =	vst v4  }
0x45a: {  	[tilespmem:s17], [sflag:$0x2] =	stream.indirect_vreg.gather [hbm4b:s2+s3], $0x80, v6, vm0, $0xb8;
	[tilespmem:$0x11B00] =	vst v63  }
0x45b: {  	s29 =	simm.s32 $0x9880  }
0x45c: {  	[tilespmem:s29], [sflag:$0x2] =	stream.indirect_vreg.gather [hbm4b:s4+s3], $0x80, v6, vm0, $0xb8;
	[tilespmem:$0x11B00] =	vst v63  }
0x45d: {  	s21 =	simm.s32 $0xA080  }
0x45e: {  	[tilespmem:s21], [sflag:$0x2] =	stream.indirect_vreg.gather [hbm4b:s5+s3], $0x80, v6, vm0, $0xb8;
	[tilespmem:$0x11B00] =	vst v63  }
0x45f: {  	s13 =	simm.s32 $0xA880  }
0x460: {  	[tilespmem:s13], [sflag:$0x2] =	stream.indirect_vreg.gather [hbm4b:s6+s3], $0x80, v6, vm0, $0xb8;
	[tilespmem:$0x11B00] =	vst v63  }
0x461: {  	s23 =	simm.s32 $0xB080  }
0x462: {  	[tilespmem:s23], [sflag:$0x2] =	stream.indirect_vreg.gather [hbm4b:s7+s3], $0x80, v6, vm0, $0xb8;
	[tilespmem:$0x11B00] =	vst v63  }
0x463: {  	s14 =	simm.s32 $0xB880;
	v4 =	vperm.xlane v5, v2  }
0x464: {  	[tilespmem:s14], [sflag:$0x2] =	stream.indirect_vreg.gather [hbm4b:s8+s3], $0x80, v6, vm0, $0xb8;
	[tilespmem:$0x11B00] =	vst v63  }
0x465: {  	s15 =	simm.s32 $0xC080;
	v4 =	vadd.s32 v1, v4  }
0x466: {  	[tilespmem:s15], [sflag:$0x2] =	stream.indirect_vreg.gather [hbm4b:s9+s3], $0x80, v6, vm0, $0xb8;
	[tilespmem:$0x11B00] =	vst v63  }
0x467: {  	s15 =	simm.s32 $0xC880  }
0x468: {  	[tilespmem:s15], [sflag:$0x2] =	stream.indirect_vreg.gather [hbm4b:s10+s3], $0x80, v6, vm0, $0xb8;
	[tilespmem:$0x11B00] =	vst v63  }
0x469: {  	s16 =	simm.s32 $0xD080  }
0x46a: {  	[tilespmem:s16], [sflag:$0x2] =	stream.indirect_vreg.gather [hbm4b:s2+s3], $0x80, v4, vm0, $0xb8;
	[tilespmem:$0x11B00] =	vst v63  }
0x46b: {  	s19 =	simm.s32 $0xD880  }
0x46c: {  	[tilespmem:s19], [sflag:$0x2] =	stream.indirect_vreg.gather [hbm4b:s4+s3], $0x80, v4, vm0, $0xb8;
	[tilespmem:$0x11B00] =	vst v63  }
0x46d: {  	s20 =	simm.s32 $0xE080  }
0x46e: {  	[tilespmem:s20], [sflag:$0x2] =	stream.indirect_vreg.gather [hbm4b:s5+s3], $0x80, v4, vm0, $0xb8;
	[tilespmem:$0x11B00] =	vst v63  }
0x46f: {  	s12 =	simm.s32 $0xE880  }
0x470: {  	[tilespmem:s12], [sflag:$0x2] =	stream.indirect_vreg.gather [hbm4b:s6+s3], $0x80, v4, vm0, $0xb8;
	[tilespmem:$0x11B00] =	vst v63  }
0x471: {  	s31 =	simm.s32 $0xF080  }
0x472: {  	[tilespmem:s31], [sflag:$0x2] =	stream.indirect_vreg.gather [hbm4b:s7+s3], $0x80, v4, vm0, $0xb8;
	[tilespmem:$0x11B00] =	vst v63  }
0x473: {  	s18 =	simm.s32 $0xF880  }
0x474: {  	[tilespmem:s18], [sflag:$0x2] =	stream.indirect_vreg.gather [hbm4b:s8+s3], $0x80, v4, vm0, $0xb8;
	[tilespmem:$0x11B00] =	vst v63  }
0x475: {  	s25 =	simm.s32 $0x10080  }
0x476: {  	[tilespmem:s25], [sflag:$0x2] =	stream.indirect_vreg.gather [hbm4b:s9+s3], $0x80, v4, vm0, $0xb8;
	[tilespmem:$0x11B00] =	vst v63  }
0x477: {  	s22 =	simm.s32 $0x10880  }
0x478: {  	[tilespmem:s22], [sflag:$0x2] =	stream.indirect_vreg.gather [hbm4b:s10+s3], $0x80, v4, vm0, $0xb8;
	[tilespmem:$0x11B00] =	vst v63  }
0x479: {  	s11 =	rddreg [dreg:$0xf];
	_ =	swait.ge [sflag:s26], $0x8000  }
0x47a: {  	[sflag:s26] =	ssyncset.done $0x0  }
0x47b: {  	[sflag:s26] =	ssyncadd.s32 $0xFFFF8000  }
0x47c: {  	v4 =	vld [tilespmem:$0x2E0];
	_ =	sdelay $0x4  }
0x47d: {  	v5 =	vshll.u32 v4, $0x3  }
0x47e: {  	v4 =	vand.u32 $0x7F, v4;
	v5 =	vand.u32 $0xFFFFFC00, v5  }
0x47f: {  	v4 =	vor.u32 v4, v5  }
0x480: {  	v4 =	vadd.s32 v3, v4;
	_ =	sdelay $0x3  }
0x481: {  	v5 =	vld [tilespmem:$0x460]  }
0x482: {  	v4 =	vld.idx.msk [tilespmem:v4+s30+$0x0], $0xffff;
	_ =	sdelay $0x4  }
0x483: {  	v4 =	vmul.f32 v4, v5;
	_ =	sdelay $0x1  }
0x484: {  	[tilespmem:$0x11A60] =	vst v4  }
0x485: {  	_ =	swait.ge [sflag:s28], $0x8000  }
0x486: {  	[sflag:s28] =	ssyncset.done $0x0  }
0x487: {  	[sflag:s28] =	ssyncadd.s32 $0xFFFF8000  }
0x488: {  	v5 =	vld [tilespmem:$0x2F0]  }
0x489: {  	v47 =	vld [tilespmem:$0x470]  }
0x48a: {  	v48 =	vld [tilespmem:$0x11900]  }
0x48b: {  	v49 =	vld [tilespmem:$0x11910]  }
0x48c: {  	v50 =	vld [tilespmem:$0x11920]  }
0x48d: {  	v51 =	vld [tilespmem:$0x11930]  }
0x48e: {  	v11 =	vld [tilespmem:$0x11940]  }
0x48f: {  	v12 =	vld [tilespmem:$0x11950]  }
0x490: {  	v13 =	vld [tilespmem:$0x11960];
	v46 =	vshll.u32 v5, $0x3  }
0x491: {  	v14 =	vld [tilespmem:$0x11970];
	v5 =	vand.u32 $0x7F, v5;
	v6 =	vand.u32 $0xFFFFFC00, v46  }
0x492: {  	v15 =	vld [tilespmem:$0x11980];
	v5 =	vor.u32 v5, v6  }
0x493: {  	v16 =	vld [tilespmem:$0x11990];
	v5 =	vadd.s32 v3, v5  }
0x494: {  	v17 =	vld [tilespmem:$0x119A0]  }
0x495: {  	v18 =	vld [tilespmem:$0x119B0]  }
0x496: {  	v19 =	vld [tilespmem:$0x119C0]  }
0x497: {  	v20 =	vld [tilespmem:$0x119D0]  }
0x498: {  	v5 =	vld.idx.msk [tilespmem:v5+s17+$0x0], $0xffff  }
0x499: {  	v21 =	vld [tilespmem:$0x119E0]  }
0x49a: {  	v22 =	vld [tilespmem:$0x119F0]  }
0x49b: {  	v23 =	vld [tilespmem:$0x11A00]  }
0x49c: {  	v24 =	vld [tilespmem:$0x11A10]  }
0x49d: {  	s16 =	rddreg [dreg:$0x6];
	v25 =	vld [tilespmem:$0x11A20];
	v5 =	vmul.f32 v5, v47  }
0x49e: {  	s18 =	rddreg [dreg:$0xb];
	v52 =	vld [tilespmem:$0x11A30]  }
0x49f: {  	s21 =	simm.s32 $0x3;
	s20 =	simm.s32 $0x11080;
	s19 =	rddreg [dreg:$0xc];
	v26 =	vld [tilespmem:$0x11A40];
	[tilespmem:$0x11A70] =	vst v5  }
0x4a0: {  	v27 =	vld [tilespmem:$0x11A50];
	[tilespmem:s20], [sflag:$0x3] =	stream.strided.gather [hbm4b:s16+s18], $0x800, s19, s18, $0x38  }
0x4a1: {  	_ =	swait.ge [sflag:s21], $0x800  }
0x4a2: {  	s22 =	rddreg [dreg:$0x7];
	[sflag:s21] =	ssyncset.done $0x0  }
0x4a3: {  	s23 =	rddreg [dreg:$0xd];
	[sflag:s21] =	ssyncadd.s32 $0xFFFFF800  }
0x4a4: {  	[tilespmem:s23], [sflag:$0x3] =	stream.linear.gather [hbm4b:s22+s3], $0x80, $0x38;
	[tilespmem:$0x11B00] =	vst v63  }
0x4a5: {  	_ =	swait.ge [sflag:s21], $0x80  }
0x4a6: {  	[sflag:s21] =	ssyncset.done $0x0  }
0x4a7: {  	[sflag:s21] =	ssyncadd.s32 $0xFFFFFF80  }
0x4a8: {  	v28 =	vld [tilespmem:$0x11880];
	_ =	sdelay $0x5  }
0x4a9: {  	v29 =	vld [tilespmem:$0x11890];
	_ =	sdelay $0x1  }
0x4aa: {  	v28 =	vld.idx.msk [tilespmem:v28+s20+$0x0], $0xffff;
	_ =	sdelay $0x2  }
0x4ab: {  	v7 =	vadd.f32 $0.0e+00, v48  }
0x4ac: {  	v30 =	vld [tilespmem:$0x118A0]  }
0x4ad: {  	v7 =	vadd.f32 v49, v7;
	[tilespmem:$0x11900] =	vst v28  }
0x4ae: {  	v53 =	vld.idx.msk [tilespmem:v29+s20+$0x0], $0xffff  }
0x4af: {  	v7 =	vadd.f32 v50, v7;
	_ =	sdelay $0x1  }
0x4b0: {  	v7 =	vadd.f32 v51, v7  }
0x4b1: {  	v54 =	vld [tilespmem:$0x118B0]  }
0x4b2: {  	v7 =	vadd.f32 v11, v7;
	[tilespmem:$0x11910] =	vst v53  }
0x4b3: {  	v55 =	vld.idx.msk [tilespmem:v30+s20+$0x0], $0xffff  }
0x4b4: {  	v7 =	vadd.f32 v12, v7;
	_ =	sdelay $0x1  }
0x4b5: {  	v7 =	vadd.f32 v13, v7  }
0x4b6: {  	v56 =	vld [tilespmem:$0x118C0]  }
0x4b7: {  	v7 =	vadd.f32 v14, v7;
	[tilespmem:$0x11920] =	vst v55  }
0x4b8: {  	v9 =	vld.idx.msk [tilespmem:v54+s20+$0x0], $0xffff  }
0x4b9: {  	v7 =	vadd.f32 v15, v7;
	_ =	sdelay $0x1  }
0x4ba: {  	v7 =	vadd.f32 v16, v7  }
0x4bb: {  	v57 =	vld [tilespmem:$0x118D0]  }
0x4bc: {  	v7 =	vadd.f32 v17, v7;
	[tilespmem:$0x11930] =	vst v9  }
0x4bd: {  	v11 =	vld.idx.msk [tilespmem:v56+s20+$0x0], $0xffff  }
0x4be: {  	v7 =	vadd.f32 v18, v7;
	_ =	sdelay $0x1  }
0x4bf: {  	v7 =	vadd.f32 v19, v7  }
0x4c0: {  	v58 =	vld [tilespmem:$0x118E0]  }
0x4c1: {  	v7 =	vadd.f32 v20, v7;
	[tilespmem:$0x11940] =	vst v11  }
0x4c2: {  	v12 =	vld.idx.msk [tilespmem:v57+s20+$0x0], $0xffff  }
0x4c3: {  	v7 =	vadd.f32 v21, v7;
	_ =	sdelay $0x1  }
0x4c4: {  	v7 =	vadd.f32 v22, v7;
	v59 =	vadd.f32 $0.0e+00, v28  }
0x4c5: {  	v60 =	vld [tilespmem:$0x118F0]  }
0x4c6: {  	v7 =	vadd.f32 v23, v7;
	v8 =	vadd.f32 v53, v59;
	[tilespmem:$0x11950] =	vst v12  }
0x4c7: {  	v13 =	vld.idx.msk [tilespmem:v58+s20+$0x0], $0xffff  }
0x4c8: {  	v7 =	vadd.f32 v24, v7;
	v8 =	vadd.f32 v55, v8;
	_ =	sdelay $0x1  }
0x4c9: {  	v7 =	vadd.f32 v25, v7;
	v8 =	vadd.f32 v9, v8;
	_ =	sdelay $0x1  }
0x4ca: {  	v6 =	vadd.f32 v52, v7;
	v61 =	vadd.f32 v11, v8;
	[tilespmem:$0x11960] =	vst v13  }
0x4cb: {  	v62 =	vld.idx.msk [tilespmem:v60+s20+$0x0], $0xffff  }
0x4cc: {  	v6 =	vadd.f32 v26, v6;
	v7 =	vadd.f32 v12, v61;
	_ =	sdelay $0x1  }
0x4cd: {  	v6 =	vadd.f32 v27, v6;
	v7 =	vadd.f32 v13, v7;
	_ =	sdelay $0x1  }
0x4ce: {  	v4 =	vadd.f32 v6, v4;
	v63 =	vadd.f32 v62, v7;
	_ =	sdelay $0x1  }
0x4cf: {  	v4 =	vadd.f32 v4, v5;
	v5 =	vmul.f32 $-2.441406250e-04, v63;
	_ =	sdelay $0x1  }
0x4d0: {  	v4 =	vadd.f32 v5, v4  }
0x4d1: {  	p0 =	sne.s32 s11, $0x1;
	s25 =	rddreg [dreg:$0x8];
	[tilespmem:$0x11970] =	vst v62  }
.Ltmp0:
0x4d2: {  	s24 =	simm.s32 $0x3;
	s31 =	rddreg [dreg:$0xe];
	[tilespmem:$0x11A80] =	vst v4;
	(pc) =	sbr.rel @p0 .LBB2_1-.Ltmp0, $4  }
0x4d3: {  	[hbm4b:s25+s3] =	stream.linear.scatter [tilespmem:s31], [sflag:$0x3], $0x80, $0x38;
	[tilespmem:$0x11B00] =	vst v63  }
0x4d4: {  	_ =	swait.ge [sflag:s24], $0x80  }
0x4d5: {  	[sflag:s24] =	ssyncset.done $0x0  }
0x4d6: {  	s11 =	sadd.s32 $0xFFFFFFFF, s11;
	[sflag:s24] =	ssyncadd.s32 $0xFFFFFF80  }
0x4d7: {  	_ =	sfence.sel $0x180000  }
0x4d8: {  	[bflag:$0x0] =	sbarrier.arrive $0xFFFF  }
0x4d9: {  	_ =	strace $0x90000047  }
0x4da: {  	s0 =	stileid.u32;
	[bflag:$0x2] =	sbarrier.arrive $0xFFFF  }
0x4db: {  	p0 =	sne.s32 s0, $0x0;
	s0 =	rddreg [dreg:$0x2]  }
0x4dc: {  	s0 =	sadd.s32 @!p0 $0x100000, s0  }
0x4dd: {  	[sflag:s0] =	ssyncadd.tile.s32 @!p0 $0x1;
	_ =	shalt  }
.Lfunc_end2:
_tile_overlayer_lowered:
.L_overlay_start_2:
0x4de: {  	(tag) =	ssettag $0x2  }
0x4df: {  	s0 =	rddreg [dreg:$0x0];
	s2 =	stileid.u32  }
0x4e0: {  	s1 =	rddreg [dreg:$0x1];
	p0 =	sne.s32 s2, $0x0  }
0x4e1: {  	s3 =	rddreg [dreg:$0x2];
	[bflag:$0x3] =	sbarrier.arrive $0xFFFF;
	s2 =	simm.s32 @!p0 $0x1C03  }
0x4e2: {  	[timem:s3], [sflag:s2] =	dma.local @!p0 [hbm:s0], s1  }
0x4e3: {  	s0 =	simm.s32 @!p0 $0x3  }
0x4e4: {  	_ =	swait.ge @!p0 [sflag:s0], s1  }
0x4e5: {  	s1 =	ssub.s32 @!p0 $0x0, s1;
	[sflag:s0] =	ssyncset.done @!p0 $0x0  }
0x4e6: {  	[sflag:s0] =	ssyncadd.s32 @!p0 s1  }
0x4e7: {  	[bflag:$0x3] =	sbarrier.arrive $0xFFFF  }
0x4e8: {  	_ =	shalt  }

</sc_bundles>
